<compile_context>
chip_gen: v7x
topology: tpu7x:2x2x1
jax: 0.10.2.dev20260603
libtpu: 0.0.44.dev20260713+nightly
codegen_flags: <defaults>
</compile_context>

<pallas_src>
import functools
import math

import jax
import jax.numpy as jnp
from jax import lax
from jax.experimental import pallas as pl
from jax.experimental.pallas import tpu as pltpu
from jax.experimental.pallas import tpu_sc as plsc

VOCAB = 100000
D = 128
MAX_LEN = 512
BATCH = 1024
SEQ = 512
N_TOK = BATCH * SEQ

NC = 2
NS = 16
NW = NC * NS
SEQ_PER_W = BATCH // NW
TOK_PER_W = N_TOK // NW
CHUNK = 128
N_CHUNKS = TOK_PER_W // CHUNK
NBUF = 4
N_GROUPS = N_CHUNKS // NBUF
N_PHASES = SEQ // CHUNK
GROUPS_PER_PHASE = SEQ_PER_W // NBUF
LANES = 16
SCALE = math.sqrt(D)


def _make_kernel():
  mesh = plsc.VectorSubcoreMesh(core_axis_name="c", subcore_axis_name="s")

  @functools.partial(
      pl.kernel,
      out_type=jax.ShapeDtypeStruct((N_TOK, D), jnp.float32),
      mesh=mesh,
      scratch_types=[
          pltpu.VMEM((TOK_PER_W,), jnp.int32),
          [pltpu.VMEM((CHUNK, D), jnp.float32) for _ in range(NBUF)],
          pltpu.VMEM((CHUNK, D), jnp.float32),
          [pltpu.SemaphoreType.DMA for _ in range(NBUF)],
          [pltpu.SemaphoreType.DMA for _ in range(NBUF)],
      ],
  )
  def emb_kernel(x_hbm, table_hbm, pos_hbm, out_hbm, idx_all, rows, pos_v,
                 gsem, ssem):
    wid = lax.axis_index("s") * NC + lax.axis_index("c")
    base = wid * TOK_PER_W

    pltpu.sync_copy(x_hbm.at[pl.ds(base, TOK_PER_W)], idx_all)

    def tok_off(c):
      p = lax.div(c, SEQ_PER_W)
      q = lax.rem(c, SEQ_PER_W)
      return q * SEQ + p * CHUNK

    def gather_start(c, b):
      pltpu.async_copy(
          table_hbm.at[idx_all.at[pl.ds(tok_off(c), CHUNK)]],
          rows[b], gsem[b])

    def gather_wait(c, b):
      pltpu.make_async_copy(
          table_hbm.at[idx_all.at[pl.ds(tok_off(c), CHUNK)]],
          rows[b], gsem[b]).wait()

    def store_start(c, b):
      pltpu.async_copy(rows[b], out_hbm.at[pl.ds(base + tok_off(c), CHUNK)],
                       ssem[b])

    def store_wait(b):
      pltpu.make_async_copy(rows[b], out_hbm.at[pl.ds(base, CHUNK)],
                            ssem[b]).wait()

    pltpu.sync_copy(pos_hbm.at[pl.ds(0, CHUNK)], pos_v)
    for b in range(NBUF - 1):
      gather_start(b, b)

    def group_body(n, _):
      @pl.when(jnp.logical_and(lax.rem(n, GROUPS_PER_PHASE) == 0, n > 0))
      def _():
        p = lax.div(n, GROUPS_PER_PHASE)
        pltpu.sync_copy(pos_hbm.at[pl.ds(p * CHUNK, CHUNK)], pos_v)

      for b in range(NBUF):
        c = n * NBUF + b
        gather_wait(c, b)

        @plsc.parallel_loop(0, CHUNK, unroll=4)
        def _(i):
          for j in range(D // LANES):
            sl = pl.ds(j * LANES, LANES)
            rows[b][i, sl] = rows[b][i, sl] * SCALE + pos_v[i, sl]

        store_start(c, b)

        bn = (b - 1) % NBUF
        if b == 0:

          @pl.when(n > 0)
          def _():
            store_wait(bn)
            gather_start(c + NBUF - 1, bn)

          @pl.when(n == 0)
          def _():
            gather_start(c + NBUF - 1, bn)
        else:

          @pl.when(n < N_GROUPS - 1)
          def _():
            store_wait(bn)
            gather_start(c + NBUF - 1, bn)
      return 0

    lax.fori_loop(0, N_GROUPS, group_body, 0)

    for b in range(NBUF):
      store_wait(b)

  return emb_kernel


_EMB = _make_kernel()


@jax.jit
def kernel(x, table, pos):
  x_flat = x.reshape(N_TOK).astype(jnp.int32)
  pos2d = pos.reshape(MAX_LEN, D)[:SEQ]
  out = _EMB(x_flat, table, pos2d)
  return out.reshape(BATCH, SEQ, D)

# --- scband reference (transcript-rebuilt; emitter-appended) ---
"""Pipeline reference for scband-input-embedding-42391327211632 (READ-ONLY COPY).

The authoritative reference and input builder live on the scoring server;
editing this copy changes nothing except your own understanding.
"""

import math
import jax, jax.numpy as jnp
import numpy as np

VOCAB = 100000
D_MODEL = 128
MAX_LEN = 512
BATCH = 1024
SEQ = 512

def setup_inputs(seed: int = 0) -> dict:
    key = jax.random.key(seed)
    k1, k2, k3 = jax.random.split(key, 3)
    x = jax.random.randint(k1, (BATCH, SEQ), 0, VOCAB, dtype=jnp.int64 if jax.config.read('jax_enable_x64') else jnp.int32)
    table = jax.random.normal(k2, (VOCAB, D_MODEL), dtype=jnp.float32) * 0.02
    # trunc_normal_(std=0.02) approximated by clipped normal
    pos = jnp.clip(jax.random.normal(k3, (1, MAX_LEN, D_MODEL), dtype=jnp.float32) * 0.02, -0.04, 0.04)
    return {"x": x, "table": table, "pos": pos}

def reference(x, table, pos):
    # TokenEmbedding: embedding lookup scaled by sqrt(d_model)
    scale = math.sqrt(D_MODEL)
    tok = jnp.take(table, x, axis=0) * scale  # [B, S, D]
    # PositionalEmbedding: slice to seq_len
    seq_len = x.shape[1]
    pos_emb = pos[:, :seq_len, :]  # [1, S, D]
    # Dropout in eval mode = identity
    return tok + pos_emb

if __name__ == "__main__":
    import jax
    _d = setup_inputs()
    print(jax.jit(kernel)(*tuple(_d.values())))

</pallas_src>

<mosaic_0001>
#map = affine_map<(d0, d1) -> (0)>
#map1 = affine_map<(d0, d1) -> (0, 0)>
module attributes {stable_mosaic.version = 14 : i64} {
  func.func @emb_kernel(%arg0: i32, %arg1: i32, %arg2: memref<524288xi32, #tpu.memory_space<hbm>>, %arg3: memref<100000x128xf32, #tpu.memory_space<hbm>>, %arg4: memref<512x128xf32, #tpu.memory_space<hbm>>, %arg5: memref<524288x128xf32, #tpu.memory_space<hbm>>, %arg6: memref<16384xi32, #tpu.memory_space<vmem>>, %arg7: memref<128x128xf32, #tpu.memory_space<vmem>>, %arg8: memref<128x128xf32, #tpu.memory_space<vmem>>, %arg9: memref<128x128xf32, #tpu.memory_space<vmem>>, %arg10: memref<128x128xf32, #tpu.memory_space<vmem>>, %arg11: memref<128x128xf32, #tpu.memory_space<vmem>>, %arg12: memref<!tpu.dma_semaphore, #tpu.memory_space<semaphore_mem>>, %arg13: memref<!tpu.dma_semaphore, #tpu.memory_space<semaphore_mem>>, %arg14: memref<!tpu.dma_semaphore, #tpu.memory_space<semaphore_mem>>, %arg15: memref<!tpu.dma_semaphore, #tpu.memory_space<semaphore_mem>>, %arg16: memref<!tpu.dma_semaphore, #tpu.memory_space<semaphore_mem>>, %arg17: memref<!tpu.dma_semaphore, #tpu.memory_space<semaphore_mem>>, %arg18: memref<!tpu.dma_semaphore, #tpu.memory_space<semaphore_mem>>, %arg19: memref<!tpu.dma_semaphore, #tpu.memory_space<semaphore_mem>>) attributes {dimension_semantics = [#tpu.dimension_semantics<core_parallel>, #tpu.dimension_semantics<subcore_parallel>], iteration_bounds = array<i64: 2, 16>, scalar_prefetch = 0 : i64, scratch_operands = 14 : i64, tpu.core_type = #tpu.core_type<sc_vector_subcore>, window_params = [{transform_indices = #map}, {transform_indices = #map1}, {transform_indices = #map1}, {transform_indices = #map1}]} {
    %mul3A = arith.constant 2 : i32
    %mul3A_0 = arith.muli %arg1, %mul3A : i32
    %add3A = arith.addi %mul3A_0, %arg0 : i32
    %mul3A_1 = arith.constant 16384 : i32
    %mul3A_2 = arith.muli %add3A, %mul3A_1 : i32
    "tpu.region"() ({
      %run_scoped3A = tpu.sem_alloc : memref<!tpu.dma_semaphore, #tpu.memory_space<semaphore_mem>>
      %dma_start3A_66 = tpu.memref_slice %arg2[%mul3A_2] : memref<524288xi32, #tpu.memory_space<hbm>> -> memref<16384xi32, #tpu.memory_space<hbm>>
      %dma_start3A_67 = tpu.memref_slice %arg2[%mul3A_2] : memref<524288xi32, #tpu.memory_space<hbm>> -> memref<16384xi32, #tpu.memory_space<hbm>>
      tpu.enqueue_dma source(%dma_start3A_67 : memref<16384xi32, #tpu.memory_space<hbm>>) target(%arg6 : memref<16384xi32, #tpu.memory_space<vmem>>) target_semaphore(%run_scoped3A : memref<!tpu.dma_semaphore, #tpu.memory_space<semaphore_mem>>)
      %dma_wait3A_68 = tpu.memref_slice %arg2[%mul3A_2] : memref<524288xi32, #tpu.memory_space<hbm>> -> memref<16384xi32, #tpu.memory_space<hbm>>
      %dma_wait3A_69 = tpu.memref_slice %arg2[%mul3A_2] : memref<524288xi32, #tpu.memory_space<hbm>> -> memref<16384xi32, #tpu.memory_space<hbm>>
      tpu.wait_dma2 semaphore(%run_scoped3A : memref<!tpu.dma_semaphore, #tpu.memory_space<semaphore_mem>>) src(%dma_wait3A_69 : memref<16384xi32, #tpu.memory_space<hbm>>) dst(%arg6 : memref<16384xi32, #tpu.memory_space<vmem>>)
      tpu.yield
    }) : () -> ()
    "tpu.region"() ({
      %run_scoped3A = tpu.sem_alloc : memref<!tpu.dma_semaphore, #tpu.memory_space<semaphore_mem>>
      %dma_start3A_66 = arith.constant 0 : i32
      %dma_start3A_67 = arith.constant 0 : i32
      %dma_start3A_68 = tpu.memref_slice %arg4[%dma_start3A_66, %dma_start3A_67] : memref<512x128xf32, #tpu.memory_space<hbm>> -> memref<128x128xf32, #tpu.memory_space<hbm>>
      %dma_start3A_69 = arith.constant 0 : i32
      %dma_start3A_70 = arith.constant 0 : i32
      %dma_start3A_71 = tpu.memref_slice %arg4[%dma_start3A_69, %dma_start3A_70] : memref<512x128xf32, #tpu.memory_space<hbm>> -> memref<128x128xf32, #tpu.memory_space<hbm>>
      tpu.enqueue_dma source(%dma_start3A_71 : memref<128x128xf32, #tpu.memory_space<hbm>>) target(%arg11 : memref<128x128xf32, #tpu.memory_space<vmem>>) target_semaphore(%run_scoped3A : memref<!tpu.dma_semaphore, #tpu.memory_space<semaphore_mem>>)
      %dma_wait3A_72 = arith.constant 0 : i32
      %dma_wait3A_73 = arith.constant 0 : i32
      %dma_wait3A_74 = tpu.memref_slice %arg4[%dma_wait3A_72, %dma_wait3A_73] : memref<512x128xf32, #tpu.memory_space<hbm>> -> memref<128x128xf32, #tpu.memory_space<hbm>>
      %dma_wait3A_75 = arith.constant 0 : i32
      %dma_wait3A_76 = arith.constant 0 : i32
      %dma_wait3A_77 = tpu.memref_slice %arg4[%dma_wait3A_75, %dma_wait3A_76] : memref<512x128xf32, #tpu.memory_space<hbm>> -> memref<128x128xf32, #tpu.memory_space<hbm>>
      tpu.wait_dma2 semaphore(%run_scoped3A : memref<!tpu.dma_semaphore, #tpu.memory_space<semaphore_mem>>) src(%dma_wait3A_77 : memref<128x128xf32, #tpu.memory_space<hbm>>) dst(%arg11 : memref<128x128xf32, #tpu.memory_space<vmem>>)
      tpu.yield
    }) : () -> ()
    %div3A = arith.constant 0 : i32
    %div3A_3 = arith.constant 32 : i32
    %div3A_4 = arith.divsi %div3A, %div3A_3 : i32
    %rem3A = arith.constant 0 : i32
    %rem3A_5 = arith.constant 32 : i32
    %rem3A_6 = arith.remsi %rem3A, %rem3A_5 : i32
    %mul3A_7 = arith.constant 512 : i32
    %mul3A_8 = arith.muli %rem3A_6, %mul3A_7 : i32
    %mul3A_9 = arith.constant 128 : i32
    %mul3A_10 = arith.muli %div3A_4, %mul3A_9 : i32
    %add3A_11 = arith.addi %mul3A_8, %mul3A_10 : i32
    %dma_start3A = tpu.memref_slice %arg6[%add3A_11] : memref<16384xi32, #tpu.memory_space<vmem>> -> memref<128xi32, #tpu.memory_space<vmem>>
    %dma_start3A_12 = arith.constant 0 : i32
    %dma_start3A_13 = arith.constant 0 : i32
    %dma_start3A_14 = tpu.memref_slice %arg3[%dma_start3A_12, %dma_start3A_13] : memref<100000x128xf32, #tpu.memory_space<hbm>> -> memref<100000x128xf32, #tpu.memory_space<hbm>>
    tpu.enqueue_indirect_dma source(%dma_start3A_14 : memref<100000x128xf32, #tpu.memory_space<hbm>>) target(%arg7 : memref<128x128xf32, #tpu.memory_space<vmem>>) offsets(%dma_start3A : memref<128xi32, #tpu.memory_space<vmem>>) semaphore(%arg12 : memref<!tpu.dma_semaphore, #tpu.memory_space<semaphore_mem>>)
    %div3A_15 = arith.constant 1 : i32
    %div3A_16 = arith.constant 32 : i32
    %div3A_17 = arith.divsi %div3A_15, %div3A_16 : i32
    %rem3A_18 = arith.constant 1 : i32
    %rem3A_19 = arith.constant 32 : i32
    %rem3A_20 = arith.remsi %rem3A_18, %rem3A_19 : i32
    %mul3A_21 = arith.constant 512 : i32
    %mul3A_22 = arith.muli %rem3A_20, %mul3A_21 : i32
    %mul3A_23 = arith.constant 128 : i32
    %mul3A_24 = arith.muli %div3A_17, %mul3A_23 : i32
    %add3A_25 = arith.addi %mul3A_22, %mul3A_24 : i32
    %dma_start3A_26 = tpu.memref_slice %arg6[%add3A_25] : memref<16384xi32, #tpu.memory_space<vmem>> -> memref<128xi32, #tpu.memory_space<vmem>>
    %dma_start3A_27 = arith.constant 0 : i32
    %dma_start3A_28 = arith.constant 0 : i32
    %dma_start3A_29 = tpu.memref_slice %arg3[%dma_start3A_27, %dma_start3A_28] : memref<100000x128xf32, #tpu.memory_space<hbm>> -> memref<100000x128xf32, #tpu.memory_space<hbm>>
    tpu.enqueue_indirect_dma source(%dma_start3A_29 : memref<100000x128xf32, #tpu.memory_space<hbm>>) target(%arg8 : memref<128x128xf32, #tpu.memory_space<vmem>>) offsets(%dma_start3A_26 : memref<128xi32, #tpu.memory_space<vmem>>) semaphore(%arg13 : memref<!tpu.dma_semaphore, #tpu.memory_space<semaphore_mem>>)
    %div3A_30 = arith.constant 2 : i32
    %div3A_31 = arith.constant 32 : i32
    %div3A_32 = arith.divsi %div3A_30, %div3A_31 : i32
    %rem3A_33 = arith.constant 2 : i32
    %rem3A_34 = arith.constant 32 : i32
    %rem3A_35 = arith.remsi %rem3A_33, %rem3A_34 : i32
    %mul3A_36 = arith.constant 512 : i32
    %mul3A_37 = arith.muli %rem3A_35, %mul3A_36 : i32
    %mul3A_38 = arith.constant 128 : i32
    %mul3A_39 = arith.muli %div3A_32, %mul3A_38 : i32
    %add3A_40 = arith.addi %mul3A_37, %mul3A_39 : i32
    %dma_start3A_41 = tpu.memref_slice %arg6[%add3A_40] : memref<16384xi32, #tpu.memory_space<vmem>> -> memref<128xi32, #tpu.memory_space<vmem>>
    %dma_start3A_42 = arith.constant 0 : i32
    %dma_start3A_43 = arith.constant 0 : i32
    %dma_start3A_44 = tpu.memref_slice %arg3[%dma_start3A_42, %dma_start3A_43] : memref<100000x128xf32, #tpu.memory_space<hbm>> -> memref<100000x128xf32, #tpu.memory_space<hbm>>
    tpu.enqueue_indirect_dma source(%dma_start3A_44 : memref<100000x128xf32, #tpu.memory_space<hbm>>) target(%arg9 : memref<128x128xf32, #tpu.memory_space<vmem>>) offsets(%dma_start3A_41 : memref<128xi32, #tpu.memory_space<vmem>>) semaphore(%arg14 : memref<!tpu.dma_semaphore, #tpu.memory_space<semaphore_mem>>)
    %scan3A = arith.constant 0 : i32
    %scan3A_45 = arith.constant 0 : i32
    %scan3A_46 = arith.constant 32 : i32
    %scan3A_47 = arith.addi %scan3A_45, %scan3A_46 : i32
    %scan3A_48 = arith.constant 1 : i32
    %scan3A_49 = scf.for %scan3A_66 = %scan3A_45 to %scan3A_47 step %scan3A_48 iter_args(%scan3A_67 = %scan3A) -> (i32)  : i32 {
      %rem3A_68 = arith.constant 8 : i32
      %rem3A_69 = arith.remsi %scan3A_66, %rem3A_68 : i32
      %eq3A = arith.constant 0 : i32
      %eq3A_70 = arith.cmpi eq, %rem3A_69, %eq3A : i32
      %gt3A = arith.constant 0 : i32
      %gt3A_71 = arith.cmpi sgt, %scan3A_66, %gt3A : i32
      %and3A = arith.andi %eq3A_70, %gt3A_71 : i1
      %convert_element_type3A = arith.extui %and3A : i1 to i32
      %cond3A = arith.constant 0 : i32
      %cond3A_72 = arith.cmpi ne, %convert_element_type3A, %cond3A : i32
      scf.if %cond3A_72 {
        %div3A_233 = arith.constant 8 : i32
        %div3A_234 = arith.divsi %scan3A_66, %div3A_233 : i32
        %mul3A_235 = arith.constant 128 : i32
        %mul3A_236 = arith.muli %div3A_234, %mul3A_235 : i32
        "tpu.region"() ({
          %run_scoped3A = tpu.sem_alloc : memref<!tpu.dma_semaphore, #tpu.memory_space<semaphore_mem>>
          %dma_start3A_237 = arith.constant 0 : i32
          %dma_start3A_238 = tpu.memref_slice %arg4[%mul3A_236, %dma_start3A_237] : memref<512x128xf32, #tpu.memory_space<hbm>> -> memref<128x128xf32, #tpu.memory_space<hbm>>
          %dma_start3A_239 = arith.constant 0 : i32
          %dma_start3A_240 = tpu.memref_slice %arg4[%mul3A_236, %dma_start3A_239] : memref<512x128xf32, #tpu.memory_space<hbm>> -> memref<128x128xf32, #tpu.memory_space<hbm>>
          tpu.enqueue_dma source(%dma_start3A_240 : memref<128x128xf32, #tpu.memory_space<hbm>>) target(%arg11 : memref<128x128xf32, #tpu.memory_space<vmem>>) target_semaphore(%run_scoped3A : memref<!tpu.dma_semaphore, #tpu.memory_space<semaphore_mem>>)
          %dma_wait3A_241 = arith.constant 0 : i32
          %dma_wait3A_242 = tpu.memref_slice %arg4[%mul3A_236, %dma_wait3A_241] : memref<512x128xf32, #tpu.memory_space<hbm>> -> memref<128x128xf32, #tpu.memory_space<hbm>>
          %dma_wait3A_243 = arith.constant 0 : i32
          %dma_wait3A_244 = tpu.memref_slice %arg4[%mul3A_236, %dma_wait3A_243] : memref<512x128xf32, #tpu.memory_space<hbm>> -> memref<128x128xf32, #tpu.memory_space<hbm>>
          tpu.wait_dma2 semaphore(%run_scoped3A : memref<!tpu.dma_semaphore, #tpu.memory_space<semaphore_mem>>) src(%dma_wait3A_244 : memref<128x128xf32, #tpu.memory_space<hbm>>) dst(%arg11 : memref<128x128xf32, #tpu.memory_space<vmem>>)
          tpu.yield
        }) : () -> ()
      } else {
      }
      %mul3A_73 = arith.constant 4 : i32
      %mul3A_74 = arith.muli %scan3A_66, %mul3A_73 : i32
      %add3A_75 = arith.constant 0 : i32
      %add3A_76 = arith.addi %mul3A_74, %add3A_75 : i32
      %div3A_77 = arith.constant 32 : i32
      %div3A_78 = arith.divsi %add3A_76, %div3A_77 : i32
      %rem3A_79 = arith.constant 32 : i32
      %rem3A_80 = arith.remsi %add3A_76, %rem3A_79 : i32
      %mul3A_81 = arith.constant 512 : i32
      %mul3A_82 = arith.muli %rem3A_80, %mul3A_81 : i32
      %mul3A_83 = arith.constant 128 : i32
      %mul3A_84 = arith.muli %div3A_78, %mul3A_83 : i32
      %add3A_85 = arith.addi %mul3A_82, %mul3A_84 : i32
      %dma_wait3A_86 = tpu.memref_slice %arg6[%add3A_85] : memref<16384xi32, #tpu.memory_space<vmem>> -> memref<128xi32, #tpu.memory_space<vmem>>
      %dma_wait3A_87 = arith.constant 0 : i32
      %dma_wait3A_88 = arith.constant 0 : i32
      %dma_wait3A_89 = tpu.memref_slice %arg3[%dma_wait3A_87, %dma_wait3A_88] : memref<100000x128xf32, #tpu.memory_space<hbm>> -> memref<100000x128xf32, #tpu.memory_space<hbm>>
      tpu.wait_indirect_dma semaphore(%arg12 : memref<!tpu.dma_semaphore, #tpu.memory_space<semaphore_mem>>) src(%dma_wait3A_89 : memref<100000x128xf32, #tpu.memory_space<hbm>>) dst(%arg7 : memref<128x128xf32, #tpu.memory_space<vmem>>)
      %parallel_loop3A = arith.constant 0 : i32
      %parallel_loop3A_90 = arith.constant 128 : i32
      %parallel_loop3A_91 = arith.constant 1 : i32
      scf.for %parallel_loop3A_233 = %parallel_loop3A to %parallel_loop3A_90 step %parallel_loop3A_91  : i32 {
        %parallel_loop3A_234 = arith.index_cast %parallel_loop3A_233 : i32 to index
        %parallel_loop3A_235 = arith.constant 0 : index
        %parallel_loop3A_236 = tpu.vector_load %arg7[%parallel_loop3A_234, %parallel_loop3A_235] {strides = array<i32>} : memref<128x128xf32, #tpu.memory_space<vmem>>, vector<1x16xf32>,
        %parallel_loop3A_237 = vector.shape_cast %parallel_loop3A_236 : vector<1x16xf32> to vector<16xf32>
        %parallel_loop3A_238 = arith.constant 11.3137083 : f32
        %parallel_loop3A_239 = vector.broadcast %parallel_loop3A_238 : f32 to vector<16xf32>
        %parallel_loop3A_240 = arith.mulf %parallel_loop3A_237, %parallel_loop3A_239 : vector<16xf32>
        %parallel_loop3A_241 = arith.index_cast %parallel_loop3A_233 : i32 to index
        %parallel_loop3A_242 = arith.constant 0 : index
        %parallel_loop3A_243 = tpu.vector_load %arg11[%parallel_loop3A_241, %parallel_loop3A_242] {strides = array<i32>} : memref<128x128xf32, #tpu.memory_space<vmem>>, vector<1x16xf32>,
        %parallel_loop3A_244 = vector.shape_cast %parallel_loop3A_243 : vector<1x16xf32> to vector<16xf32>
        %parallel_loop3A_245 = arith.addf %parallel_loop3A_240, %parallel_loop3A_244 : vector<16xf32>
        %parallel_loop3A_246 = arith.index_cast %parallel_loop3A_233 : i32 to index
        %parallel_loop3A_247 = arith.constant 0 : index
        %parallel_loop3A_248 = tpu.vector_load %arg7[%parallel_loop3A_246, %parallel_loop3A_247] {strides = array<i32>} : memref<128x128xf32, #tpu.memory_space<vmem>>, vector<1x16xf32>,
        %parallel_loop3A_249 = vector.shape_cast %parallel_loop3A_248 : vector<1x16xf32> to vector<16xf32>
        %parallel_loop3A_250 = vector.shape_cast %parallel_loop3A_245 : vector<16xf32> to vector<1x16xf32>
        tpu.vector_store %arg7[%parallel_loop3A_246, %parallel_loop3A_247], %parallel_loop3A_250 {strides = array<i32>} : memref<128x128xf32, #tpu.memory_space<vmem>>, vector<1x16xf32>,
        %parallel_loop3A_251 = arith.index_cast %parallel_loop3A_233 : i32 to index
        %parallel_loop3A_252 = arith.constant 16 : index
        %parallel_loop3A_253 = tpu.vector_load %arg7[%parallel_loop3A_251, %parallel_loop3A_252] {strides = array<i32>} : memref<128x128xf32, #tpu.memory_space<vmem>>, vector<1x16xf32>,
        %parallel_loop3A_254 = vector.shape_cast %parallel_loop3A_253 : vector<1x16xf32> to vector<16xf32>
        %parallel_loop3A_255 = arith.constant 11.3137083 : f32
        %parallel_loop3A_256 = vector.broadcast %parallel_loop3A_255 : f32 to vector<16xf32>
        %parallel_loop3A_257 = arith.mulf %parallel_loop3A_254, %parallel_loop3A_256 : vector<16xf32>
        %parallel_loop3A_258 = arith.index_cast %parallel_loop3A_233 : i32 to index
        %parallel_loop3A_259 = arith.constant 16 : index
        %parallel_loop3A_260 = tpu.vector_load %arg11[%parallel_loop3A_258, %parallel_loop3A_259] {strides = array<i32>} : memref<128x128xf32, #tpu.memory_space<vmem>>, vector<1x16xf32>,
        %parallel_loop3A_261 = vector.shape_cast %parallel_loop3A_260 : vector<1x16xf32> to vector<16xf32>
        %parallel_loop3A_262 = arith.addf %parallel_loop3A_257, %parallel_loop3A_261 : vector<16xf32>
        %parallel_loop3A_263 = arith.index_cast %parallel_loop3A_233 : i32 to index
        %parallel_loop3A_264 = arith.constant 16 : index
        %parallel_loop3A_265 = tpu.vector_load %arg7[%parallel_loop3A_263, %parallel_loop3A_264] {strides = array<i32>} : memref<128x128xf32, #tpu.memory_space<vmem>>, vector<1x16xf32>,
        %parallel_loop3A_266 = vector.shape_cast %parallel_loop3A_265 : vector<1x16xf32> to vector<16xf32>
        %parallel_loop3A_267 = vector.shape_cast %parallel_loop3A_262 : vector<16xf32> to vector<1x16xf32>
        tpu.vector_store %arg7[%parallel_loop3A_263, %parallel_loop3A_264], %parallel_loop3A_267 {strides = array<i32>} : memref<128x128xf32, #tpu.memory_space<vmem>>, vector<1x16xf32>,
        %parallel_loop3A_268 = arith.index_cast %parallel_loop3A_233 : i32 to index
        %parallel_loop3A_269 = arith.constant 32 : index
        %parallel_loop3A_270 = tpu.vector_load %arg7[%parallel_loop3A_268, %parallel_loop3A_269] {strides = array<i32>} : memref<128x128xf32, #tpu.memory_space<vmem>>, vector<1x16xf32>,
        %parallel_loop3A_271 = vector.shape_cast %parallel_loop3A_270 : vector<1x16xf32> to vector<16xf32>
        %parallel_loop3A_272 = arith.constant 11.3137083 : f32
        %parallel_loop3A_273 = vector.broadcast %parallel_loop3A_272 : f32 to vector<16xf32>
        %parallel_loop3A_274 = arith.mulf %parallel_loop3A_271, %parallel_loop3A_273 : vector<16xf32>
        %parallel_loop3A_275 = arith.index_cast %parallel_loop3A_233 : i32 to index
        %parallel_loop3A_276 = arith.constant 32 : index
        %parallel_loop3A_277 = tpu.vector_load %arg11[%parallel_loop3A_275, %parallel_loop3A_276] {strides = array<i32>} : memref<128x128xf32, #tpu.memory_space<vmem>>, vector<1x16xf32>,
        %parallel_loop3A_278 = vector.shape_cast %parallel_loop3A_277 : vector<1x16xf32> to vector<16xf32>
        %parallel_loop3A_279 = arith.addf %parallel_loop3A_274, %parallel_loop3A_278 : vector<16xf32>
        %parallel_loop3A_280 = arith.index_cast %parallel_loop3A_233 : i32 to index
        %parallel_loop3A_281 = arith.constant 32 : index
        %parallel_loop3A_282 = tpu.vector_load %arg7[%parallel_loop3A_280, %parallel_loop3A_281] {strides = array<i32>} : memref<128x128xf32, #tpu.memory_space<vmem>>, vector<1x16xf32>,
        %parallel_loop3A_283 = vector.shape_cast %parallel_loop3A_282 : vector<1x16xf32> to vector<16xf32>
        %parallel_loop3A_284 = vector.shape_cast %parallel_loop3A_279 : vector<16xf32> to vector<1x16xf32>
        tpu.vector_store %arg7[%parallel_loop3A_280, %parallel_loop3A_281], %parallel_loop3A_284 {strides = array<i32>} : memref<128x128xf32, #tpu.memory_space<vmem>>, vector<1x16xf32>,
        %parallel_loop3A_285 = arith.index_cast %parallel_loop3A_233 : i32 to index
        %parallel_loop3A_286 = arith.constant 48 : index
        %parallel_loop3A_287 = tpu.vector_load %arg7[%parallel_loop3A_285, %parallel_loop3A_286] {strides = array<i32>} : memref<128x128xf32, #tpu.memory_space<vmem>>, vector<1x16xf32>,
        %parallel_loop3A_288 = vector.shape_cast %parallel_loop3A_287 : vector<1x16xf32> to vector<16xf32>
        %parallel_loop3A_289 = arith.constant 11.3137083 : f32
        %parallel_loop3A_290 = vector.broadcast %parallel_loop3A_289 : f32 to vector<16xf32>
        %parallel_loop3A_291 = arith.mulf %parallel_loop3A_288, %parallel_loop3A_290 : vector<16xf32>
        %parallel_loop3A_292 = arith.index_cast %parallel_loop3A_233 : i32 to index
        %parallel_loop3A_293 = arith.constant 48 : index
        %parallel_loop3A_294 = tpu.vector_load %arg11[%parallel_loop3A_292, %parallel_loop3A_293] {strides = array<i32>} : memref<128x128xf32, #tpu.memory_space<vmem>>, vector<1x16xf32>,
        %parallel_loop3A_295 = vector.shape_cast %parallel_loop3A_294 : vector<1x16xf32> to vector<16xf32>
        %parallel_loop3A_296 = arith.addf %parallel_loop3A_291, %parallel_loop3A_295 : vector<16xf32>
        %parallel_loop3A_297 = arith.index_cast %parallel_loop3A_233 : i32 to index
        %parallel_loop3A_298 = arith.constant 48 : index
        %parallel_loop3A_299 = tpu.vector_load %arg7[%parallel_loop3A_297, %parallel_loop3A_298] {strides = array<i32>} : memref<128x128xf32, #tpu.memory_space<vmem>>, vector<1x16xf32>,
        %parallel_loop3A_300 = vector.shape_cast %parallel_loop3A_299 : vector<1x16xf32> to vector<16xf32>
        %parallel_loop3A_301 = vector.shape_cast %parallel_loop3A_296 : vector<16xf32> to vector<1x16xf32>
        tpu.vector_store %arg7[%parallel_loop3A_297, %parallel_loop3A_298], %parallel_loop3A_301 {strides = array<i32>} : memref<128x128xf32, #tpu.memory_space<vmem>>, vector<1x16xf32>,
        %parallel_loop3A_302 = arith.index_cast %parallel_loop3A_233 : i32 to index
        %parallel_loop3A_303 = arith.constant 64 : index
        %parallel_loop3A_304 = tpu.vector_load %arg7[%parallel_loop3A_302, %parallel_loop3A_303] {strides = array<i32>} : memref<128x128xf32, #tpu.memory_space<vmem>>, vector<1x16xf32>,
        %parallel_loop3A_305 = vector.shape_cast %parallel_loop3A_304 : vector<1x16xf32> to vector<16xf32>
        %parallel_loop3A_306 = arith.constant 11.3137083 : f32
        %parallel_loop3A_307 = vector.broadcast %parallel_loop3A_306 : f32 to vector<16xf32>
        %parallel_loop3A_308 = arith.mulf %parallel_loop3A_305, %parallel_loop3A_307 : vector<16xf32>
        %parallel_loop3A_309 = arith.index_cast %parallel_loop3A_233 : i32 to index
        %parallel_loop3A_310 = arith.constant 64 : index
        %parallel_loop3A_311 = tpu.vector_load %arg11[%parallel_loop3A_309, %parallel_loop3A_310] {strides = array<i32>} : memref<128x128xf32, #tpu.memory_space<vmem>>, vector<1x16xf32>,
        %parallel_loop3A_312 = vector.shape_cast %parallel_loop3A_311 : vector<1x16xf32> to vector<16xf32>
        %parallel_loop3A_313 = arith.addf %parallel_loop3A_308, %parallel_loop3A_312 : vector<16xf32>
        %parallel_loop3A_314 = arith.index_cast %parallel_loop3A_233 : i32 to index
        %parallel_loop3A_315 = arith.constant 64 : index
        %parallel_loop3A_316 = tpu.vector_load %arg7[%parallel_loop3A_314, %parallel_loop3A_315] {strides = array<i32>} : memref<128x128xf32, #tpu.memory_space<vmem>>, vector<1x16xf32>,
        %parallel_loop3A_317 = vector.shape_cast %parallel_loop3A_316 : vector<1x16xf32> to vector<16xf32>
        %parallel_loop3A_318 = vector.shape_cast %parallel_loop3A_313 : vector<16xf32> to vector<1x16xf32>
        tpu.vector_store %arg7[%parallel_loop3A_314, %parallel_loop3A_315], %parallel_loop3A_318 {strides = array<i32>} : memref<128x128xf32, #tpu.memory_space<vmem>>, vector<1x16xf32>,
        %parallel_loop3A_319 = arith.index_cast %parallel_loop3A_233 : i32 to index
        %parallel_loop3A_320 = arith.constant 80 : index
        %parallel_loop3A_321 = tpu.vector_load %arg7[%parallel_loop3A_319, %parallel_loop3A_320] {strides = array<i32>} : memref<128x128xf32, #tpu.memory_space<vmem>>, vector<1x16xf32>,
        %parallel_loop3A_322 = vector.shape_cast %parallel_loop3A_321 : vector<1x16xf32> to vector<16xf32>
        %parallel_loop3A_323 = arith.constant 11.3137083 : f32
        %parallel_loop3A_324 = vector.broadcast %parallel_loop3A_323 : f32 to vector<16xf32>
        %parallel_loop3A_325 = arith.mulf %parallel_loop3A_322, %parallel_loop3A_324 : vector<16xf32>
        %parallel_loop3A_326 = arith.index_cast %parallel_loop3A_233 : i32 to index
        %parallel_loop3A_327 = arith.constant 80 : index
        %parallel_loop3A_328 = tpu.vector_load %arg11[%parallel_loop3A_326, %parallel_loop3A_327] {strides = array<i32>} : memref<128x128xf32, #tpu.memory_space<vmem>>, vector<1x16xf32>,
        %parallel_loop3A_329 = vector.shape_cast %parallel_loop3A_328 : vector<1x16xf32> to vector<16xf32>
        %parallel_loop3A_330 = arith.addf %parallel_loop3A_325, %parallel_loop3A_329 : vector<16xf32>
        %parallel_loop3A_331 = arith.index_cast %parallel_loop3A_233 : i32 to index
        %parallel_loop3A_332 = arith.constant 80 : index
        %parallel_loop3A_333 = tpu.vector_load %arg7[%parallel_loop3A_331, %parallel_loop3A_332] {strides = array<i32>} : memref<128x128xf32, #tpu.memory_space<vmem>>, vector<1x16xf32>,
        %parallel_loop3A_334 = vector.shape_cast %parallel_loop3A_333 : vector<1x16xf32> to vector<16xf32>
        %parallel_loop3A_335 = vector.shape_cast %parallel_loop3A_330 : vector<16xf32> to vector<1x16xf32>
        tpu.vector_store %arg7[%parallel_loop3A_331, %parallel_loop3A_332], %parallel_loop3A_335 {strides = array<i32>} : memref<128x128xf32, #tpu.memory_space<vmem>>, vector<1x16xf32>,
        %parallel_loop3A_336 = arith.index_cast %parallel_loop3A_233 : i32 to index
        %parallel_loop3A_337 = arith.constant 96 : index
        %parallel_loop3A_338 = tpu.vector_load %arg7[%parallel_loop3A_336, %parallel_loop3A_337] {strides = array<i32>} : memref<128x128xf32, #tpu.memory_space<vmem>>, vector<1x16xf32>,
        %parallel_loop3A_339 = vector.shape_cast %parallel_loop3A_338 : vector<1x16xf32> to vector<16xf32>
        %parallel_loop3A_340 = arith.constant 11.3137083 : f32
        %parallel_loop3A_341 = vector.broadcast %parallel_loop3A_340 : f32 to vector<16xf32>
        %parallel_loop3A_342 = arith.mulf %parallel_loop3A_339, %parallel_loop3A_341 : vector<16xf32>
        %parallel_loop3A_343 = arith.index_cast %parallel_loop3A_233 : i32 to index
        %parallel_loop3A_344 = arith.constant 96 : index
        %parallel_loop3A_345 = tpu.vector_load %arg11[%parallel_loop3A_343, %parallel_loop3A_344] {strides = array<i32>} : memref<128x128xf32, #tpu.memory_space<vmem>>, vector<1x16xf32>,
        %parallel_loop3A_346 = vector.shape_cast %parallel_loop3A_345 : vector<1x16xf32> to vector<16xf32>
        %parallel_loop3A_347 = arith.addf %parallel_loop3A_342, %parallel_loop3A_346 : vector<16xf32>
        %parallel_loop3A_348 = arith.index_cast %parallel_loop3A_233 : i32 to index
        %parallel_loop3A_349 = arith.constant 96 : index
        %parallel_loop3A_350 = tpu.vector_load %arg7[%parallel_loop3A_348, %parallel_loop3A_349] {strides = array<i32>} : memref<128x128xf32, #tpu.memory_space<vmem>>, vector<1x16xf32>,
        %parallel_loop3A_351 = vector.shape_cast %parallel_loop3A_350 : vector<1x16xf32> to vector<16xf32>
        %parallel_loop3A_352 = vector.shape_cast %parallel_loop3A_347 : vector<16xf32> to vector<1x16xf32>
        tpu.vector_store %arg7[%parallel_loop3A_348, %parallel_loop3A_349], %parallel_loop3A_352 {strides = array<i32>} : memref<128x128xf32, #tpu.memory_space<vmem>>, vector<1x16xf32>,
        %parallel_loop3A_353 = arith.index_cast %parallel_loop3A_233 : i32 to index
        %parallel_loop3A_354 = arith.constant 112 : index
        %parallel_loop3A_355 = tpu.vector_load %arg7[%parallel_loop3A_353, %parallel_loop3A_354] {strides = array<i32>} : memref<128x128xf32, #tpu.memory_space<vmem>>, vector<1x16xf32>,
        %parallel_loop3A_356 = vector.shape_cast %parallel_loop3A_355 : vector<1x16xf32> to vector<16xf32>
        %parallel_loop3A_357 = arith.constant 11.3137083 : f32
        %parallel_loop3A_358 = vector.broadcast %parallel_loop3A_357 : f32 to vector<16xf32>
        %parallel_loop3A_359 = arith.mulf %parallel_loop3A_356, %parallel_loop3A_358 : vector<16xf32>
        %parallel_loop3A_360 = arith.index_cast %parallel_loop3A_233 : i32 to index
        %parallel_loop3A_361 = arith.constant 112 : index
        %parallel_loop3A_362 = tpu.vector_load %arg11[%parallel_loop3A_360, %parallel_loop3A_361] {strides = array<i32>} : memref<128x128xf32, #tpu.memory_space<vmem>>, vector<1x16xf32>,
        %parallel_loop3A_363 = vector.shape_cast %parallel_loop3A_362 : vector<1x16xf32> to vector<16xf32>
        %parallel_loop3A_364 = arith.addf %parallel_loop3A_359, %parallel_loop3A_363 : vector<16xf32>
        %parallel_loop3A_365 = arith.index_cast %parallel_loop3A_233 : i32 to index
        %parallel_loop3A_366 = arith.constant 112 : index
        %parallel_loop3A_367 = tpu.vector_load %arg7[%parallel_loop3A_365, %parallel_loop3A_366] {strides = array<i32>} : memref<128x128xf32, #tpu.memory_space<vmem>>, vector<1x16xf32>,
        %parallel_loop3A_368 = vector.shape_cast %parallel_loop3A_367 : vector<1x16xf32> to vector<16xf32>
        %parallel_loop3A_369 = vector.shape_cast %parallel_loop3A_364 : vector<16xf32> to vector<1x16xf32>
        tpu.vector_store %arg7[%parallel_loop3A_365, %parallel_loop3A_366], %parallel_loop3A_369 {strides = array<i32>} : memref<128x128xf32, #tpu.memory_space<vmem>>, vector<1x16xf32>,
      } {sc.loop_unroll_factor = 4 : i64, sc.parallel_access}
      %div3A_92 = arith.constant 32 : i32
      %div3A_93 = arith.divsi %add3A_76, %div3A_92 : i32
      %rem3A_94 = arith.constant 32 : i32
      %rem3A_95 = arith.remsi %add3A_76, %rem3A_94 : i32
      %mul3A_96 = arith.constant 512 : i32
      %mul3A_97 = arith.muli %rem3A_95, %mul3A_96 : i32
      %mul3A_98 = arith.constant 128 : i32
      %mul3A_99 = arith.muli %div3A_93, %mul3A_98 : i32
      %add3A_100 = arith.addi %mul3A_97, %mul3A_99 : i32
      %add3A_101 = arith.addi %mul3A_2, %add3A_100 : i32
      %dma_start3A_102 = arith.constant 0 : i32
      %dma_start3A_103 = tpu.memref_slice %arg5[%add3A_101, %dma_start3A_102] : memref<524288x128xf32, #tpu.memory_space<hbm>> -> memref<128x128xf32, #tpu.memory_space<hbm>>
      %dma_start3A_104 = arith.constant 0 : i32
      %dma_start3A_105 = tpu.memref_slice %arg5[%add3A_101, %dma_start3A_104] : memref<524288x128xf32, #tpu.memory_space<hbm>> -> memref<128x128xf32, #tpu.memory_space<hbm>>
      tpu.enqueue_dma source(%arg7 : memref<128x128xf32, #tpu.memory_space<vmem>>) target(%dma_start3A_105 : memref<128x128xf32, #tpu.memory_space<hbm>>) target_semaphore(%arg16 : memref<!tpu.dma_semaphore, #tpu.memory_space<semaphore_mem>>)
      %gt3A_106 = arith.constant 0 : i32
      %gt3A_107 = arith.cmpi sgt, %scan3A_66, %gt3A_106 : i32
      %convert_element_type3A_108 = arith.extui %gt3A_107 : i1 to i32
      %cond3A_109 = arith.constant 0 : i32
      %cond3A_110 = arith.cmpi ne, %convert_element_type3A_108, %cond3A_109 : i32
      scf.if %cond3A_110 {
        %dma_wait3A_233 = arith.constant 0 : i32
        %dma_wait3A_234 = tpu.memref_slice %arg5[%mul3A_2, %dma_wait3A_233] : memref<524288x128xf32, #tpu.memory_space<hbm>> -> memref<128x128xf32, #tpu.memory_space<hbm>>
        %dma_wait3A_235 = arith.constant 0 : i32
        %dma_wait3A_236 = tpu.memref_slice %arg5[%mul3A_2, %dma_wait3A_235] : memref<524288x128xf32, #tpu.memory_space<hbm>> -> memref<128x128xf32, #tpu.memory_space<hbm>>
        tpu.wait_dma2 semaphore(%arg19 : memref<!tpu.dma_semaphore, #tpu.memory_space<semaphore_mem>>) src(%arg10 : memref<128x128xf32, #tpu.memory_space<vmem>>) dst(%dma_wait3A_236 : memref<128x128xf32, #tpu.memory_space<hbm>>)
        %add3A_237 = arith.constant 4 : i32
        %add3A_238 = arith.addi %add3A_76, %add3A_237 : i32
        %sub3A = arith.constant 1 : i32
        %sub3A_239 = arith.subi %add3A_238, %sub3A : i32
        %div3A_240 = arith.constant 32 : i32
        %div3A_241 = arith.divsi %sub3A_239, %div3A_240 : i32
        %rem3A_242 = arith.constant 32 : i32
        %rem3A_243 = arith.remsi %sub3A_239, %rem3A_242 : i32
        %mul3A_244 = arith.constant 512 : i32
        %mul3A_245 = arith.muli %rem3A_243, %mul3A_244 : i32
        %mul3A_246 = arith.constant 128 : i32
        %mul3A_247 = arith.muli %div3A_241, %mul3A_246 : i32
        %add3A_248 = arith.addi %mul3A_245, %mul3A_247 : i32
        %dma_start3A_249 = tpu.memref_slice %arg6[%add3A_248] : memref<16384xi32, #tpu.memory_space<vmem>> -> memref<128xi32, #tpu.memory_space<vmem>>
        %dma_start3A_250 = arith.constant 0 : i32
        %dma_start3A_251 = arith.constant 0 : i32
        %dma_start3A_252 = tpu.memref_slice %arg3[%dma_start3A_250, %dma_start3A_251] : memref<100000x128xf32, #tpu.memory_space<hbm>> -> memref<100000x128xf32, #tpu.memory_space<hbm>>
        tpu.enqueue_indirect_dma source(%dma_start3A_252 : memref<100000x128xf32, #tpu.memory_space<hbm>>) target(%arg10 : memref<128x128xf32, #tpu.memory_space<vmem>>) offsets(%dma_start3A_249 : memref<128xi32, #tpu.memory_space<vmem>>) semaphore(%arg15 : memref<!tpu.dma_semaphore, #tpu.memory_space<semaphore_mem>>)
      } else {
      }
      %eq3A_111 = arith.constant 0 : i32
      %eq3A_112 = arith.cmpi eq, %scan3A_66, %eq3A_111 : i32
      %convert_element_type3A_113 = arith.extui %eq3A_112 : i1 to i32
      %cond3A_114 = arith.constant 0 : i32
      %cond3A_115 = arith.cmpi ne, %convert_element_type3A_113, %cond3A_114 : i32
      scf.if %cond3A_115 {
        %add3A_233 = arith.constant 4 : i32
        %add3A_234 = arith.addi %add3A_76, %add3A_233 : i32
        %sub3A = arith.constant 1 : i32
        %sub3A_235 = arith.subi %add3A_234, %sub3A : i32
        %div3A_236 = arith.constant 32 : i32
        %div3A_237 = arith.divsi %sub3A_235, %div3A_236 : i32
        %rem3A_238 = arith.constant 32 : i32
        %rem3A_239 = arith.remsi %sub3A_235, %rem3A_238 : i32
        %mul3A_240 = arith.constant 512 : i32
        %mul3A_241 = arith.muli %rem3A_239, %mul3A_240 : i32
        %mul3A_242 = arith.constant 128 : i32
        %mul3A_243 = arith.muli %div3A_237, %mul3A_242 : i32
        %add3A_244 = arith.addi %mul3A_241, %mul3A_243 : i32
        %dma_start3A_245 = tpu.memref_slice %arg6[%add3A_244] : memref<16384xi32, #tpu.memory_space<vmem>> -> memref<128xi32, #tpu.memory_space<vmem>>
        %dma_start3A_246 = arith.constant 0 : i32
        %dma_start3A_247 = arith.constant 0 : i32
        %dma_start3A_248 = tpu.memref_slice %arg3[%dma_start3A_246, %dma_start3A_247] : memref<100000x128xf32, #tpu.memory_space<hbm>> -> memref<100000x128xf32, #tpu.memory_space<hbm>>
        tpu.enqueue_indirect_dma source(%dma_start3A_248 : memref<100000x128xf32, #tpu.memory_space<hbm>>) target(%arg10 : memref<128x128xf32, #tpu.memory_space<vmem>>) offsets(%dma_start3A_245 : memref<128xi32, #tpu.memory_space<vmem>>) semaphore(%arg15 : memref<!tpu.dma_semaphore, #tpu.memory_space<semaphore_mem>>)
      } else {
      }
      %mul3A_116 = arith.constant 4 : i32
      %mul3A_117 = arith.muli %scan3A_66, %mul3A_116 : i32
      %add3A_118 = arith.constant 1 : i32
      %add3A_119 = arith.addi %mul3A_117, %add3A_118 : i32
      %div3A_120 = arith.constant 32 : i32
      %div3A_121 = arith.divsi %add3A_119, %div3A_120 : i32
      %rem3A_122 = arith.constant 32 : i32
      %rem3A_123 = arith.remsi %add3A_119, %rem3A_122 : i32
      %mul3A_124 = arith.constant 512 : i32
      %mul3A_125 = arith.muli %rem3A_123, %mul3A_124 : i32
      %mul3A_126 = arith.constant 128 : i32
      %mul3A_127 = arith.muli %div3A_121, %mul3A_126 : i32
      %add3A_128 = arith.addi %mul3A_125, %mul3A_127 : i32
      %dma_wait3A_129 = tpu.memref_slice %arg6[%add3A_128] : memref<16384xi32, #tpu.memory_space<vmem>> -> memref<128xi32, #tpu.memory_space<vmem>>
      %dma_wait3A_130 = arith.constant 0 : i32
      %dma_wait3A_131 = arith.constant 0 : i32
      %dma_wait3A_132 = tpu.memref_slice %arg3[%dma_wait3A_130, %dma_wait3A_131] : memref<100000x128xf32, #tpu.memory_space<hbm>> -> memref<100000x128xf32, #tpu.memory_space<hbm>>
      tpu.wait_indirect_dma semaphore(%arg13 : memref<!tpu.dma_semaphore, #tpu.memory_space<semaphore_mem>>) src(%dma_wait3A_132 : memref<100000x128xf32, #tpu.memory_space<hbm>>) dst(%arg8 : memref<128x128xf32, #tpu.memory_space<vmem>>)
      %parallel_loop3A_133 = arith.constant 0 : i32
      %parallel_loop3A_134 = arith.constant 128 : i32
      %parallel_loop3A_135 = arith.constant 1 : i32
      scf.for %parallel_loop3A_233 = %parallel_loop3A_133 to %parallel_loop3A_134 step %parallel_loop3A_135  : i32 {
        %parallel_loop3A_234 = arith.index_cast %parallel_loop3A_233 : i32 to index
        %parallel_loop3A_235 = arith.constant 0 : index
        %parallel_loop3A_236 = tpu.vector_load %arg8[%parallel_loop3A_234, %parallel_loop3A_235] {strides = array<i32>} : memref<128x128xf32, #tpu.memory_space<vmem>>, vector<1x16xf32>,
        %parallel_loop3A_237 = vector.shape_cast %parallel_loop3A_236 : vector<1x16xf32> to vector<16xf32>
        %parallel_loop3A_238 = arith.constant 11.3137083 : f32
        %parallel_loop3A_239 = vector.broadcast %parallel_loop3A_238 : f32 to vector<16xf32>
        %parallel_loop3A_240 = arith.mulf %parallel_loop3A_237, %parallel_loop3A_239 : vector<16xf32>
        %parallel_loop3A_241 = arith.index_cast %parallel_loop3A_233 : i32 to index
        %parallel_loop3A_242 = arith.constant 0 : index
        %parallel_loop3A_243 = tpu.vector_load %arg11[%parallel_loop3A_241, %parallel_loop3A_242] {strides = array<i32>} : memref<128x128xf32, #tpu.memory_space<vmem>>, vector<1x16xf32>,
        %parallel_loop3A_244 = vector.shape_cast %parallel_loop3A_243 : vector<1x16xf32> to vector<16xf32>
        %parallel_loop3A_245 = arith.addf %parallel_loop3A_240, %parallel_loop3A_244 : vector<16xf32>
        %parallel_loop3A_246 = arith.index_cast %parallel_loop3A_233 : i32 to index
        %parallel_loop3A_247 = arith.constant 0 : index
        %parallel_loop3A_248 = tpu.vector_load %arg8[%parallel_loop3A_246, %parallel_loop3A_247] {strides = array<i32>} : memref<128x128xf32, #tpu.memory_space<vmem>>, vector<1x16xf32>,
        %parallel_loop3A_249 = vector.shape_cast %parallel_loop3A_248 : vector<1x16xf32> to vector<16xf32>
        %parallel_loop3A_250 = vector.shape_cast %parallel_loop3A_245 : vector<16xf32> to vector<1x16xf32>
        tpu.vector_store %arg8[%parallel_loop3A_246, %parallel_loop3A_247], %parallel_loop3A_250 {strides = array<i32>} : memref<128x128xf32, #tpu.memory_space<vmem>>, vector<1x16xf32>,
        %parallel_loop3A_251 = arith.index_cast %parallel_loop3A_233 : i32 to index
        %parallel_loop3A_252 = arith.constant 16 : index
        %parallel_loop3A_253 = tpu.vector_load %arg8[%parallel_loop3A_251, %parallel_loop3A_252] {strides = array<i32>} : memref<128x128xf32, #tpu.memory_space<vmem>>, vector<1x16xf32>,
        %parallel_loop3A_254 = vector.shape_cast %parallel_loop3A_253 : vector<1x16xf32> to vector<16xf32>
        %parallel_loop3A_255 = arith.constant 11.3137083 : f32
        %parallel_loop3A_256 = vector.broadcast %parallel_loop3A_255 : f32 to vector<16xf32>
        %parallel_loop3A_257 = arith.mulf %parallel_loop3A_254, %parallel_loop3A_256 : vector<16xf32>
        %parallel_loop3A_258 = arith.index_cast %parallel_loop3A_233 : i32 to index
        %parallel_loop3A_259 = arith.constant 16 : index
        %parallel_loop3A_260 = tpu.vector_load %arg11[%parallel_loop3A_258, %parallel_loop3A_259] {strides = array<i32>} : memref<128x128xf32, #tpu.memory_space<vmem>>, vector<1x16xf32>,
        %parallel_loop3A_261 = vector.shape_cast %parallel_loop3A_260 : vector<1x16xf32> to vector<16xf32>
        %parallel_loop3A_262 = arith.addf %parallel_loop3A_257, %parallel_loop3A_261 : vector<16xf32>
        %parallel_loop3A_263 = arith.index_cast %parallel_loop3A_233 : i32 to index
        %parallel_loop3A_264 = arith.constant 16 : index
        %parallel_loop3A_265 = tpu.vector_load %arg8[%parallel_loop3A_263, %parallel_loop3A_264] {strides = array<i32>} : memref<128x128xf32, #tpu.memory_space<vmem>>, vector<1x16xf32>,
        %parallel_loop3A_266 = vector.shape_cast %parallel_loop3A_265 : vector<1x16xf32> to vector<16xf32>
        %parallel_loop3A_267 = vector.shape_cast %parallel_loop3A_262 : vector<16xf32> to vector<1x16xf32>
        tpu.vector_store %arg8[%parallel_loop3A_263, %parallel_loop3A_264], %parallel_loop3A_267 {strides = array<i32>} : memref<128x128xf32, #tpu.memory_space<vmem>>, vector<1x16xf32>,
        %parallel_loop3A_268 = arith.index_cast %parallel_loop3A_233 : i32 to index
        %parallel_loop3A_269 = arith.constant 32 : index
        %parallel_loop3A_270 = tpu.vector_load %arg8[%parallel_loop3A_268, %parallel_loop3A_269] {strides = array<i32>} : memref<128x128xf32, #tpu.memory_space<vmem>>, vector<1x16xf32>,
        %parallel_loop3A_271 = vector.shape_cast %parallel_loop3A_270 : vector<1x16xf32> to vector<16xf32>
        %parallel_loop3A_272 = arith.constant 11.3137083 : f32
        %parallel_loop3A_273 = vector.broadcast %parallel_loop3A_272 : f32 to vector<16xf32>
        %parallel_loop3A_274 = arith.mulf %parallel_loop3A_271, %parallel_loop3A_273 : vector<16xf32>
        %parallel_loop3A_275 = arith.index_cast %parallel_loop3A_233 : i32 to index
        %parallel_loop3A_276 = arith.constant 32 : index
        %parallel_loop3A_277 = tpu.vector_load %arg11[%parallel_loop3A_275, %parallel_loop3A_276] {strides = array<i32>} : memref<128x128xf32, #tpu.memory_space<vmem>>, vector<1x16xf32>,
        %parallel_loop3A_278 = vector.shape_cast %parallel_loop3A_277 : vector<1x16xf32> to vector<16xf32>
        %parallel_loop3A_279 = arith.addf %parallel_loop3A_274, %parallel_loop3A_278 : vector<16xf32>
        %parallel_loop3A_280 = arith.index_cast %parallel_loop3A_233 : i32 to index
        %parallel_loop3A_281 = arith.constant 32 : index
        %parallel_loop3A_282 = tpu.vector_load %arg8[%parallel_loop3A_280, %parallel_loop3A_281] {strides = array<i32>} : memref<128x128xf32, #tpu.memory_space<vmem>>, vector<1x16xf32>,
        %parallel_loop3A_283 = vector.shape_cast %parallel_loop3A_282 : vector<1x16xf32> to vector<16xf32>
        %parallel_loop3A_284 = vector.shape_cast %parallel_loop3A_279 : vector<16xf32> to vector<1x16xf32>
        tpu.vector_store %arg8[%parallel_loop3A_280, %parallel_loop3A_281], %parallel_loop3A_284 {strides = array<i32>} : memref<128x128xf32, #tpu.memory_space<vmem>>, vector<1x16xf32>,
        %parallel_loop3A_285 = arith.index_cast %parallel_loop3A_233 : i32 to index
        %parallel_loop3A_286 = arith.constant 48 : index
        %parallel_loop3A_287 = tpu.vector_load %arg8[%parallel_loop3A_285, %parallel_loop3A_286] {strides = array<i32>} : memref<128x128xf32, #tpu.memory_space<vmem>>, vector<1x16xf32>,
        %parallel_loop3A_288 = vector.shape_cast %parallel_loop3A_287 : vector<1x16xf32> to vector<16xf32>
        %parallel_loop3A_289 = arith.constant 11.3137083 : f32
        %parallel_loop3A_290 = vector.broadcast %parallel_loop3A_289 : f32 to vector<16xf32>
        %parallel_loop3A_291 = arith.mulf %parallel_loop3A_288, %parallel_loop3A_290 : vector<16xf32>
        %parallel_loop3A_292 = arith.index_cast %parallel_loop3A_233 : i32 to index
        %parallel_loop3A_293 = arith.constant 48 : index
        %parallel_loop3A_294 = tpu.vector_load %arg11[%parallel_loop3A_292, %parallel_loop3A_293] {strides = array<i32>} : memref<128x128xf32, #tpu.memory_space<vmem>>, vector<1x16xf32>,
        %parallel_loop3A_295 = vector.shape_cast %parallel_loop3A_294 : vector<1x16xf32> to vector<16xf32>
        %parallel_loop3A_296 = arith.addf %parallel_loop3A_291, %parallel_loop3A_295 : vector<16xf32>
        %parallel_loop3A_297 = arith.index_cast %parallel_loop3A_233 : i32 to index
        %parallel_loop3A_298 = arith.constant 48 : index
        %parallel_loop3A_299 = tpu.vector_load %arg8[%parallel_loop3A_297, %parallel_loop3A_298] {strides = array<i32>} : memref<128x128xf32, #tpu.memory_space<vmem>>, vector<1x16xf32>,
        %parallel_loop3A_300 = vector.shape_cast %parallel_loop3A_299 : vector<1x16xf32> to vector<16xf32>
        %parallel_loop3A_301 = vector.shape_cast %parallel_loop3A_296 : vector<16xf32> to vector<1x16xf32>
        tpu.vector_store %arg8[%parallel_loop3A_297, %parallel_loop3A_298], %parallel_loop3A_301 {strides = array<i32>} : memref<128x128xf32, #tpu.memory_space<vmem>>, vector<1x16xf32>,
        %parallel_loop3A_302 = arith.index_cast %parallel_loop3A_233 : i32 to index
        %parallel_loop3A_303 = arith.constant 64 : index
        %parallel_loop3A_304 = tpu.vector_load %arg8[%parallel_loop3A_302, %parallel_loop3A_303] {strides = array<i32>} : memref<128x128xf32, #tpu.memory_space<vmem>>, vector<1x16xf32>,
        %parallel_loop3A_305 = vector.shape_cast %parallel_loop3A_304 : vector<1x16xf32> to vector<16xf32>
        %parallel_loop3A_306 = arith.constant 11.3137083 : f32
        %parallel_loop3A_307 = vector.broadcast %parallel_loop3A_306 : f32 to vector<16xf32>
        %parallel_loop3A_308 = arith.mulf %parallel_loop3A_305, %parallel_loop3A_307 : vector<16xf32>
        %parallel_loop3A_309 = arith.index_cast %parallel_loop3A_233 : i32 to index
        %parallel_loop3A_310 = arith.constant 64 : index
        %parallel_loop3A_311 = tpu.vector_load %arg11[%parallel_loop3A_309, %parallel_loop3A_310] {strides = array<i32>} : memref<128x128xf32, #tpu.memory_space<vmem>>, vector<1x16xf32>,
        %parallel_loop3A_312 = vector.shape_cast %parallel_loop3A_311 : vector<1x16xf32> to vector<16xf32>
        %parallel_loop3A_313 = arith.addf %parallel_loop3A_308, %parallel_loop3A_312 : vector<16xf32>
        %parallel_loop3A_314 = arith.index_cast %parallel_loop3A_233 : i32 to index
        %parallel_loop3A_315 = arith.constant 64 : index
        %parallel_loop3A_316 = tpu.vector_load %arg8[%parallel_loop3A_314, %parallel_loop3A_315] {strides = array<i32>} : memref<128x128xf32, #tpu.memory_space<vmem>>, vector<1x16xf32>,
        %parallel_loop3A_317 = vector.shape_cast %parallel_loop3A_316 : vector<1x16xf32> to vector<16xf32>
        %parallel_loop3A_318 = vector.shape_cast %parallel_loop3A_313 : vector<16xf32> to vector<1x16xf32>
        tpu.vector_store %arg8[%parallel_loop3A_314, %parallel_loop3A_315], %parallel_loop3A_318 {strides = array<i32>} : memref<128x128xf32, #tpu.memory_space<vmem>>, vector<1x16xf32>,
        %parallel_loop3A_319 = arith.index_cast %parallel_loop3A_233 : i32 to index
        %parallel_loop3A_320 = arith.constant 80 : index
        %parallel_loop3A_321 = tpu.vector_load %arg8[%parallel_loop3A_319, %parallel_loop3A_320] {strides = array<i32>} : memref<128x128xf32, #tpu.memory_space<vmem>>, vector<1x16xf32>,
        %parallel_loop3A_322 = vector.shape_cast %parallel_loop3A_321 : vector<1x16xf32> to vector<16xf32>
        %parallel_loop3A_323 = arith.constant 11.3137083 : f32
        %parallel_loop3A_324 = vector.broadcast %parallel_loop3A_323 : f32 to vector<16xf32>
        %parallel_loop3A_325 = arith.mulf %parallel_loop3A_322, %parallel_loop3A_324 : vector<16xf32>
        %parallel_loop3A_326 = arith.index_cast %parallel_loop3A_233 : i32 to index
        %parallel_loop3A_327 = arith.constant 80 : index
        %parallel_loop3A_328 = tpu.vector_load %arg11[%parallel_loop3A_326, %parallel_loop3A_327] {strides = array<i32>} : memref<128x128xf32, #tpu.memory_space<vmem>>, vector<1x16xf32>,
        %parallel_loop3A_329 = vector.shape_cast %parallel_loop3A_328 : vector<1x16xf32> to vector<16xf32>
        %parallel_loop3A_330 = arith.addf %parallel_loop3A_325, %parallel_loop3A_329 : vector<16xf32>
        %parallel_loop3A_331 = arith.index_cast %parallel_loop3A_233 : i32 to index
        %parallel_loop3A_332 = arith.constant 80 : index
        %parallel_loop3A_333 = tpu.vector_load %arg8[%parallel_loop3A_331, %parallel_loop3A_332] {strides = array<i32>} : memref<128x128xf32, #tpu.memory_space<vmem>>, vector<1x16xf32>,
        %parallel_loop3A_334 = vector.shape_cast %parallel_loop3A_333 : vector<1x16xf32> to vector<16xf32>
        %parallel_loop3A_335 = vector.shape_cast %parallel_loop3A_330 : vector<16xf32> to vector<1x16xf32>
        tpu.vector_store %arg8[%parallel_loop3A_331, %parallel_loop3A_332], %parallel_loop3A_335 {strides = array<i32>} : memref<128x128xf32, #tpu.memory_space<vmem>>, vector<1x16xf32>,
        %parallel_loop3A_336 = arith.index_cast %parallel_loop3A_233 : i32 to index
        %parallel_loop3A_337 = arith.constant 96 : index
        %parallel_loop3A_338 = tpu.vector_load %arg8[%parallel_loop3A_336, %parallel_loop3A_337] {strides = array<i32>} : memref<128x128xf32, #tpu.memory_space<vmem>>, vector<1x16xf32>,
        %parallel_loop3A_339 = vector.shape_cast %parallel_loop3A_338 : vector<1x16xf32> to vector<16xf32>
        %parallel_loop3A_340 = arith.constant 11.3137083 : f32
        %parallel_loop3A_341 = vector.broadcast %parallel_loop3A_340 : f32 to vector<16xf32>
        %parallel_loop3A_342 = arith.mulf %parallel_loop3A_339, %parallel_loop3A_341 : vector<16xf32>
        %parallel_loop3A_343 = arith.index_cast %parallel_loop3A_233 : i32 to index
        %parallel_loop3A_344 = arith.constant 96 : index
        %parallel_loop3A_345 = tpu.vector_load %arg11[%parallel_loop3A_343, %parallel_loop3A_344] {strides = array<i32>} : memref<128x128xf32, #tpu.memory_space<vmem>>, vector<1x16xf32>,
        %parallel_loop3A_346 = vector.shape_cast %parallel_loop3A_345 : vector<1x16xf32> to vector<16xf32>
        %parallel_loop3A_347 = arith.addf %parallel_loop3A_342, %parallel_loop3A_346 : vector<16xf32>
        %parallel_loop3A_348 = arith.index_cast %parallel_loop3A_233 : i32 to index
        %parallel_loop3A_349 = arith.constant 96 : index
        %parallel_loop3A_350 = tpu.vector_load %arg8[%parallel_loop3A_348, %parallel_loop3A_349] {strides = array<i32>} : memref<128x128xf32, #tpu.memory_space<vmem>>, vector<1x16xf32>,
        %parallel_loop3A_351 = vector.shape_cast %parallel_loop3A_350 : vector<1x16xf32> to vector<16xf32>
        %parallel_loop3A_352 = vector.shape_cast %parallel_loop3A_347 : vector<16xf32> to vector<1x16xf32>
        tpu.vector_store %arg8[%parallel_loop3A_348, %parallel_loop3A_349], %parallel_loop3A_352 {strides = array<i32>} : memref<128x128xf32, #tpu.memory_space<vmem>>, vector<1x16xf32>,
        %parallel_loop3A_353 = arith.index_cast %parallel_loop3A_233 : i32 to index
        %parallel_loop3A_354 = arith.constant 112 : index
        %parallel_loop3A_355 = tpu.vector_load %arg8[%parallel_loop3A_353, %parallel_loop3A_354] {strides = array<i32>} : memref<128x128xf32, #tpu.memory_space<vmem>>, vector<1x16xf32>,
        %parallel_loop3A_356 = vector.shape_cast %parallel_loop3A_355 : vector<1x16xf32> to vector<16xf32>
        %parallel_loop3A_357 = arith.constant 11.3137083 : f32
        %parallel_loop3A_358 = vector.broadcast %parallel_loop3A_357 : f32 to vector<16xf32>
        %parallel_loop3A_359 = arith.mulf %parallel_loop3A_356, %parallel_loop3A_358 : vector<16xf32>
        %parallel_loop3A_360 = arith.index_cast %parallel_loop3A_233 : i32 to index
        %parallel_loop3A_361 = arith.constant 112 : index
        %parallel_loop3A_362 = tpu.vector_load %arg11[%parallel_loop3A_360, %parallel_loop3A_361] {strides = array<i32>} : memref<128x128xf32, #tpu.memory_space<vmem>>, vector<1x16xf32>,
        %parallel_loop3A_363 = vector.shape_cast %parallel_loop3A_362 : vector<1x16xf32> to vector<16xf32>
        %parallel_loop3A_364 = arith.addf %parallel_loop3A_359, %parallel_loop3A_363 : vector<16xf32>
        %parallel_loop3A_365 = arith.index_cast %parallel_loop3A_233 : i32 to index
        %parallel_loop3A_366 = arith.constant 112 : index
        %parallel_loop3A_367 = tpu.vector_load %arg8[%parallel_loop3A_365, %parallel_loop3A_366] {strides = array<i32>} : memref<128x128xf32, #tpu.memory_space<vmem>>, vector<1x16xf32>,
        %parallel_loop3A_368 = vector.shape_cast %parallel_loop3A_367 : vector<1x16xf32> to vector<16xf32>
        %parallel_loop3A_369 = vector.shape_cast %parallel_loop3A_364 : vector<16xf32> to vector<1x16xf32>
        tpu.vector_store %arg8[%parallel_loop3A_365, %parallel_loop3A_366], %parallel_loop3A_369 {strides = array<i32>} : memref<128x128xf32, #tpu.memory_space<vmem>>, vector<1x16xf32>,
      } {sc.loop_unroll_factor = 4 : i64, sc.parallel_access}
      %div3A_136 = arith.constant 32 : i32
      %div3A_137 = arith.divsi %add3A_119, %div3A_136 : i32
      %rem3A_138 = arith.constant 32 : i32
      %rem3A_139 = arith.remsi %add3A_119, %rem3A_138 : i32
      %mul3A_140 = arith.constant 512 : i32
      %mul3A_141 = arith.muli %rem3A_139, %mul3A_140 : i32
      %mul3A_142 = arith.constant 128 : i32
      %mul3A_143 = arith.muli %div3A_137, %mul3A_142 : i32
      %add3A_144 = arith.addi %mul3A_141, %mul3A_143 : i32
      %add3A_145 = arith.addi %mul3A_2, %add3A_144 : i32
      %dma_start3A_146 = arith.constant 0 : i32
      %dma_start3A_147 = tpu.memref_slice %arg5[%add3A_145, %dma_start3A_146] : memref<524288x128xf32, #tpu.memory_space<hbm>> -> memref<128x128xf32, #tpu.memory_space<hbm>>
      %dma_start3A_148 = arith.constant 0 : i32
      %dma_start3A_149 = tpu.memref_slice %arg5[%add3A_145, %dma_start3A_148] : memref<524288x128xf32, #tpu.memory_space<hbm>> -> memref<128x128xf32, #tpu.memory_space<hbm>>
      tpu.enqueue_dma source(%arg8 : memref<128x128xf32, #tpu.memory_space<vmem>>) target(%dma_start3A_149 : memref<128x128xf32, #tpu.memory_space<hbm>>) target_semaphore(%arg17 : memref<!tpu.dma_semaphore, #tpu.memory_space<semaphore_mem>>)
      %lt3A = arith.constant 31 : i32
      %lt3A_150 = arith.cmpi slt, %scan3A_66, %lt3A : i32
      %convert_element_type3A_151 = arith.extui %lt3A_150 : i1 to i32
      %cond3A_152 = arith.constant 0 : i32
      %cond3A_153 = arith.cmpi ne, %convert_element_type3A_151, %cond3A_152 : i32
      scf.if %cond3A_153 {
        %dma_wait3A_233 = arith.constant 0 : i32
        %dma_wait3A_234 = tpu.memref_slice %arg5[%mul3A_2, %dma_wait3A_233] : memref<524288x128xf32, #tpu.memory_space<hbm>> -> memref<128x128xf32, #tpu.memory_space<hbm>>
        %dma_wait3A_235 = arith.constant 0 : i32
        %dma_wait3A_236 = tpu.memref_slice %arg5[%mul3A_2, %dma_wait3A_235] : memref<524288x128xf32, #tpu.memory_space<hbm>> -> memref<128x128xf32, #tpu.memory_space<hbm>>
        tpu.wait_dma2 semaphore(%arg16 : memref<!tpu.dma_semaphore, #tpu.memory_space<semaphore_mem>>) src(%arg7 : memref<128x128xf32, #tpu.memory_space<vmem>>) dst(%dma_wait3A_236 : memref<128x128xf32, #tpu.memory_space<hbm>>)
        %add3A_237 = arith.constant 4 : i32
        %add3A_238 = arith.addi %add3A_119, %add3A_237 : i32
        %sub3A = arith.constant 1 : i32
        %sub3A_239 = arith.subi %add3A_238, %sub3A : i32
        %div3A_240 = arith.constant 32 : i32
        %div3A_241 = arith.divsi %sub3A_239, %div3A_240 : i32
        %rem3A_242 = arith.constant 32 : i32
        %rem3A_243 = arith.remsi %sub3A_239, %rem3A_242 : i32
        %mul3A_244 = arith.constant 512 : i32
        %mul3A_245 = arith.muli %rem3A_243, %mul3A_244 : i32
        %mul3A_246 = arith.constant 128 : i32
        %mul3A_247 = arith.muli %div3A_241, %mul3A_246 : i32
        %add3A_248 = arith.addi %mul3A_245, %mul3A_247 : i32
        %dma_start3A_249 = tpu.memref_slice %arg6[%add3A_248] : memref<16384xi32, #tpu.memory_space<vmem>> -> memref<128xi32, #tpu.memory_space<vmem>>
        %dma_start3A_250 = arith.constant 0 : i32
        %dma_start3A_251 = arith.constant 0 : i32
        %dma_start3A_252 = tpu.memref_slice %arg3[%dma_start3A_250, %dma_start3A_251] : memref<100000x128xf32, #tpu.memory_space<hbm>> -> memref<100000x128xf32, #tpu.memory_space<hbm>>
        tpu.enqueue_indirect_dma source(%dma_start3A_252 : memref<100000x128xf32, #tpu.memory_space<hbm>>) target(%arg7 : memref<128x128xf32, #tpu.memory_space<vmem>>) offsets(%dma_start3A_249 : memref<128xi32, #tpu.memory_space<vmem>>) semaphore(%arg12 : memref<!tpu.dma_semaphore, #tpu.memory_space<semaphore_mem>>)
      } else {
      }
      %mul3A_154 = arith.constant 4 : i32
      %mul3A_155 = arith.muli %scan3A_66, %mul3A_154 : i32
      %add3A_156 = arith.constant 2 : i32
      %add3A_157 = arith.addi %mul3A_155, %add3A_156 : i32
      %div3A_158 = arith.constant 32 : i32
      %div3A_159 = arith.divsi %add3A_157, %div3A_158 : i32
      %rem3A_160 = arith.constant 32 : i32
      %rem3A_161 = arith.remsi %add3A_157, %rem3A_160 : i32
      %mul3A_162 = arith.constant 512 : i32
      %mul3A_163 = arith.muli %rem3A_161, %mul3A_162 : i32
      %mul3A_164 = arith.constant 128 : i32
      %mul3A_165 = arith.muli %div3A_159, %mul3A_164 : i32
      %add3A_166 = arith.addi %mul3A_163, %mul3A_165 : i32
      %dma_wait3A_167 = tpu.memref_slice %arg6[%add3A_166] : memref<16384xi32, #tpu.memory_space<vmem>> -> memref<128xi32, #tpu.memory_space<vmem>>
      %dma_wait3A_168 = arith.constant 0 : i32
      %dma_wait3A_169 = arith.constant 0 : i32
      %dma_wait3A_170 = tpu.memref_slice %arg3[%dma_wait3A_168, %dma_wait3A_169] : memref<100000x128xf32, #tpu.memory_space<hbm>> -> memref<100000x128xf32, #tpu.memory_space<hbm>>
      tpu.wait_indirect_dma semaphore(%arg14 : memref<!tpu.dma_semaphore, #tpu.memory_space<semaphore_mem>>) src(%dma_wait3A_170 : memref<100000x128xf32, #tpu.memory_space<hbm>>) dst(%arg9 : memref<128x128xf32, #tpu.memory_space<vmem>>)
      %parallel_loop3A_171 = arith.constant 0 : i32
      %parallel_loop3A_172 = arith.constant 128 : i32
      %parallel_loop3A_173 = arith.constant 1 : i32
      scf.for %parallel_loop3A_233 = %parallel_loop3A_171 to %parallel_loop3A_172 step %parallel_loop3A_173  : i32 {
        %parallel_loop3A_234 = arith.index_cast %parallel_loop3A_233 : i32 to index
        %parallel_loop3A_235 = arith.constant 0 : index
        %parallel_loop3A_236 = tpu.vector_load %arg9[%parallel_loop3A_234, %parallel_loop3A_235] {strides = array<i32>} : memref<128x128xf32, #tpu.memory_space<vmem>>, vector<1x16xf32>,
        %parallel_loop3A_237 = vector.shape_cast %parallel_loop3A_236 : vector<1x16xf32> to vector<16xf32>
        %parallel_loop3A_238 = arith.constant 11.3137083 : f32
        %parallel_loop3A_239 = vector.broadcast %parallel_loop3A_238 : f32 to vector<16xf32>
        %parallel_loop3A_240 = arith.mulf %parallel_loop3A_237, %parallel_loop3A_239 : vector<16xf32>
        %parallel_loop3A_241 = arith.index_cast %parallel_loop3A_233 : i32 to index
        %parallel_loop3A_242 = arith.constant 0 : index
        %parallel_loop3A_243 = tpu.vector_load %arg11[%parallel_loop3A_241, %parallel_loop3A_242] {strides = array<i32>} : memref<128x128xf32, #tpu.memory_space<vmem>>, vector<1x16xf32>,
        %parallel_loop3A_244 = vector.shape_cast %parallel_loop3A_243 : vector<1x16xf32> to vector<16xf32>
        %parallel_loop3A_245 = arith.addf %parallel_loop3A_240, %parallel_loop3A_244 : vector<16xf32>
        %parallel_loop3A_246 = arith.index_cast %parallel_loop3A_233 : i32 to index
        %parallel_loop3A_247 = arith.constant 0 : index
        %parallel_loop3A_248 = tpu.vector_load %arg9[%parallel_loop3A_246, %parallel_loop3A_247] {strides = array<i32>} : memref<128x128xf32, #tpu.memory_space<vmem>>, vector<1x16xf32>,
        %parallel_loop3A_249 = vector.shape_cast %parallel_loop3A_248 : vector<1x16xf32> to vector<16xf32>
        %parallel_loop3A_250 = vector.shape_cast %parallel_loop3A_245 : vector<16xf32> to vector<1x16xf32>
        tpu.vector_store %arg9[%parallel_loop3A_246, %parallel_loop3A_247], %parallel_loop3A_250 {strides = array<i32>} : memref<128x128xf32, #tpu.memory_space<vmem>>, vector<1x16xf32>,
        %parallel_loop3A_251 = arith.index_cast %parallel_loop3A_233 : i32 to index
        %parallel_loop3A_252 = arith.constant 16 : index
        %parallel_loop3A_253 = tpu.vector_load %arg9[%parallel_loop3A_251, %parallel_loop3A_252] {strides = array<i32>} : memref<128x128xf32, #tpu.memory_space<vmem>>, vector<1x16xf32>,
        %parallel_loop3A_254 = vector.shape_cast %parallel_loop3A_253 : vector<1x16xf32> to vector<16xf32>
        %parallel_loop3A_255 = arith.constant 11.3137083 : f32
        %parallel_loop3A_256 = vector.broadcast %parallel_loop3A_255 : f32 to vector<16xf32>
        %parallel_loop3A_257 = arith.mulf %parallel_loop3A_254, %parallel_loop3A_256 : vector<16xf32>
        %parallel_loop3A_258 = arith.index_cast %parallel_loop3A_233 : i32 to index
        %parallel_loop3A_259 = arith.constant 16 : index
        %parallel_loop3A_260 = tpu.vector_load %arg11[%parallel_loop3A_258, %parallel_loop3A_259] {strides = array<i32>} : memref<128x128xf32, #tpu.memory_space<vmem>>, vector<1x16xf32>,
        %parallel_loop3A_261 = vector.shape_cast %parallel_loop3A_260 : vector<1x16xf32> to vector<16xf32>
        %parallel_loop3A_262 = arith.addf %parallel_loop3A_257, %parallel_loop3A_261 : vector<16xf32>
        %parallel_loop3A_263 = arith.index_cast %parallel_loop3A_233 : i32 to index
        %parallel_loop3A_264 = arith.constant 16 : index
        %parallel_loop3A_265 = tpu.vector_load %arg9[%parallel_loop3A_263, %parallel_loop3A_264] {strides = array<i32>} : memref<128x128xf32, #tpu.memory_space<vmem>>, vector<1x16xf32>,
        %parallel_loop3A_266 = vector.shape_cast %parallel_loop3A_265 : vector<1x16xf32> to vector<16xf32>
        %parallel_loop3A_267 = vector.shape_cast %parallel_loop3A_262 : vector<16xf32> to vector<1x16xf32>
        tpu.vector_store %arg9[%parallel_loop3A_263, %parallel_loop3A_264], %parallel_loop3A_267 {strides = array<i32>} : memref<128x128xf32, #tpu.memory_space<vmem>>, vector<1x16xf32>,
        %parallel_loop3A_268 = arith.index_cast %parallel_loop3A_233 : i32 to index
        %parallel_loop3A_269 = arith.constant 32 : index
        %parallel_loop3A_270 = tpu.vector_load %arg9[%parallel_loop3A_268, %parallel_loop3A_269] {strides = array<i32>} : memref<128x128xf32, #tpu.memory_space<vmem>>, vector<1x16xf32>,
        %parallel_loop3A_271 = vector.shape_cast %parallel_loop3A_270 : vector<1x16xf32> to vector<16xf32>
        %parallel_loop3A_272 = arith.constant 11.3137083 : f32
        %parallel_loop3A_273 = vector.broadcast %parallel_loop3A_272 : f32 to vector<16xf32>
        %parallel_loop3A_274 = arith.mulf %parallel_loop3A_271, %parallel_loop3A_273 : vector<16xf32>
        %parallel_loop3A_275 = arith.index_cast %parallel_loop3A_233 : i32 to index
        %parallel_loop3A_276 = arith.constant 32 : index
        %parallel_loop3A_277 = tpu.vector_load %arg11[%parallel_loop3A_275, %parallel_loop3A_276] {strides = array<i32>} : memref<128x128xf32, #tpu.memory_space<vmem>>, vector<1x16xf32>,
        %parallel_loop3A_278 = vector.shape_cast %parallel_loop3A_277 : vector<1x16xf32> to vector<16xf32>
        %parallel_loop3A_279 = arith.addf %parallel_loop3A_274, %parallel_loop3A_278 : vector<16xf32>
        %parallel_loop3A_280 = arith.index_cast %parallel_loop3A_233 : i32 to index
        %parallel_loop3A_281 = arith.constant 32 : index
        %parallel_loop3A_282 = tpu.vector_load %arg9[%parallel_loop3A_280, %parallel_loop3A_281] {strides = array<i32>} : memref<128x128xf32, #tpu.memory_space<vmem>>, vector<1x16xf32>,
        %parallel_loop3A_283 = vector.shape_cast %parallel_loop3A_282 : vector<1x16xf32> to vector<16xf32>
        %parallel_loop3A_284 = vector.shape_cast %parallel_loop3A_279 : vector<16xf32> to vector<1x16xf32>
        tpu.vector_store %arg9[%parallel_loop3A_280, %parallel_loop3A_281], %parallel_loop3A_284 {strides = array<i32>} : memref<128x128xf32, #tpu.memory_space<vmem>>, vector<1x16xf32>,
        %parallel_loop3A_285 = arith.index_cast %parallel_loop3A_233 : i32 to index
        %parallel_loop3A_286 = arith.constant 48 : index
        %parallel_loop3A_287 = tpu.vector_load %arg9[%parallel_loop3A_285, %parallel_loop3A_286] {strides = array<i32>} : memref<128x128xf32, #tpu.memory_space<vmem>>, vector<1x16xf32>,
        %parallel_loop3A_288 = vector.shape_cast %parallel_loop3A_287 : vector<1x16xf32> to vector<16xf32>
        %parallel_loop3A_289 = arith.constant 11.3137083 : f32
        %parallel_loop3A_290 = vector.broadcast %parallel_loop3A_289 : f32 to vector<16xf32>
        %parallel_loop3A_291 = arith.mulf %parallel_loop3A_288, %parallel_loop3A_290 : vector<16xf32>
        %parallel_loop3A_292 = arith.index_cast %parallel_loop3A_233 : i32 to index
        %parallel_loop3A_293 = arith.constant 48 : index
        %parallel_loop3A_294 = tpu.vector_load %arg11[%parallel_loop3A_292, %parallel_loop3A_293] {strides = array<i32>} : memref<128x128xf32, #tpu.memory_space<vmem>>, vector<1x16xf32>,
        %parallel_loop3A_295 = vector.shape_cast %parallel_loop3A_294 : vector<1x16xf32> to vector<16xf32>
        %parallel_loop3A_296 = arith.addf %parallel_loop3A_291, %parallel_loop3A_295 : vector<16xf32>
        %parallel_loop3A_297 = arith.index_cast %parallel_loop3A_233 : i32 to index
        %parallel_loop3A_298 = arith.constant 48 : index
        %parallel_loop3A_299 = tpu.vector_load %arg9[%parallel_loop3A_297, %parallel_loop3A_298] {strides = array<i32>} : memref<128x128xf32, #tpu.memory_space<vmem>>, vector<1x16xf32>,
        %parallel_loop3A_300 = vector.shape_cast %parallel_loop3A_299 : vector<1x16xf32> to vector<16xf32>
        %parallel_loop3A_301 = vector.shape_cast %parallel_loop3A_296 : vector<16xf32> to vector<1x16xf32>
        tpu.vector_store %arg9[%parallel_loop3A_297, %parallel_loop3A_298], %parallel_loop3A_301 {strides = array<i32>} : memref<128x128xf32, #tpu.memory_space<vmem>>, vector<1x16xf32>,
        %parallel_loop3A_302 = arith.index_cast %parallel_loop3A_233 : i32 to index
        %parallel_loop3A_303 = arith.constant 64 : index
        %parallel_loop3A_304 = tpu.vector_load %arg9[%parallel_loop3A_302, %parallel_loop3A_303] {strides = array<i32>} : memref<128x128xf32, #tpu.memory_space<vmem>>, vector<1x16xf32>,
        %parallel_loop3A_305 = vector.shape_cast %parallel_loop3A_304 : vector<1x16xf32> to vector<16xf32>
        %parallel_loop3A_306 = arith.constant 11.3137083 : f32
        %parallel_loop3A_307 = vector.broadcast %parallel_loop3A_306 : f32 to vector<16xf32>
        %parallel_loop3A_308 = arith.mulf %parallel_loop3A_305, %parallel_loop3A_307 : vector<16xf32>
        %parallel_loop3A_309 = arith.index_cast %parallel_loop3A_233 : i32 to index
        %parallel_loop3A_310 = arith.constant 64 : index
        %parallel_loop3A_311 = tpu.vector_load %arg11[%parallel_loop3A_309, %parallel_loop3A_310] {strides = array<i32>} : memref<128x128xf32, #tpu.memory_space<vmem>>, vector<1x16xf32>,
        %parallel_loop3A_312 = vector.shape_cast %parallel_loop3A_311 : vector<1x16xf32> to vector<16xf32>
        %parallel_loop3A_313 = arith.addf %parallel_loop3A_308, %parallel_loop3A_312 : vector<16xf32>
        %parallel_loop3A_314 = arith.index_cast %parallel_loop3A_233 : i32 to index
        %parallel_loop3A_315 = arith.constant 64 : index
        %parallel_loop3A_316 = tpu.vector_load %arg9[%parallel_loop3A_314, %parallel_loop3A_315] {strides = array<i32>} : memref<128x128xf32, #tpu.memory_space<vmem>>, vector<1x16xf32>,
        %parallel_loop3A_317 = vector.shape_cast %parallel_loop3A_316 : vector<1x16xf32> to vector<16xf32>
        %parallel_loop3A_318 = vector.shape_cast %parallel_loop3A_313 : vector<16xf32> to vector<1x16xf32>
        tpu.vector_store %arg9[%parallel_loop3A_314, %parallel_loop3A_315], %parallel_loop3A_318 {strides = array<i32>} : memref<128x128xf32, #tpu.memory_space<vmem>>, vector<1x16xf32>,
        %parallel_loop3A_319 = arith.index_cast %parallel_loop3A_233 : i32 to index
        %parallel_loop3A_320 = arith.constant 80 : index
        %parallel_loop3A_321 = tpu.vector_load %arg9[%parallel_loop3A_319, %parallel_loop3A_320] {strides = array<i32>} : memref<128x128xf32, #tpu.memory_space<vmem>>, vector<1x16xf32>,
        %parallel_loop3A_322 = vector.shape_cast %parallel_loop3A_321 : vector<1x16xf32> to vector<16xf32>
        %parallel_loop3A_323 = arith.constant 11.3137083 : f32
        %parallel_loop3A_324 = vector.broadcast %parallel_loop3A_323 : f32 to vector<16xf32>
        %parallel_loop3A_325 = arith.mulf %parallel_loop3A_322, %parallel_loop3A_324 : vector<16xf32>
        %parallel_loop3A_326 = arith.index_cast %parallel_loop3A_233 : i32 to index
        %parallel_loop3A_327 = arith.constant 80 : index
        %parallel_loop3A_328 = tpu.vector_load %arg11[%parallel_loop3A_326, %parallel_loop3A_327] {strides = array<i32>} : memref<128x128xf32, #tpu.memory_space<vmem>>, vector<1x16xf32>,
        %parallel_loop3A_329 = vector.shape_cast %parallel_loop3A_328 : vector<1x16xf32> to vector<16xf32>
        %parallel_loop3A_330 = arith.addf %parallel_loop3A_325, %parallel_loop3A_329 : vector<16xf32>
        %parallel_loop3A_331 = arith.index_cast %parallel_loop3A_233 : i32 to index
        %parallel_loop3A_332 = arith.constant 80 : index
        %parallel_loop3A_333 = tpu.vector_load %arg9[%parallel_loop3A_331, %parallel_loop3A_332] {strides = array<i32>} : memref<128x128xf32, #tpu.memory_space<vmem>>, vector<1x16xf32>,
        %parallel_loop3A_334 = vector.shape_cast %parallel_loop3A_333 : vector<1x16xf32> to vector<16xf32>
        %parallel_loop3A_335 = vector.shape_cast %parallel_loop3A_330 : vector<16xf32> to vector<1x16xf32>
        tpu.vector_store %arg9[%parallel_loop3A_331, %parallel_loop3A_332], %parallel_loop3A_335 {strides = array<i32>} : memref<128x128xf32, #tpu.memory_space<vmem>>, vector<1x16xf32>,
        %parallel_loop3A_336 = arith.index_cast %parallel_loop3A_233 : i32 to index
        %parallel_loop3A_337 = arith.constant 96 : index
        %parallel_loop3A_338 = tpu.vector_load %arg9[%parallel_loop3A_336, %parallel_loop3A_337] {strides = array<i32>} : memref<128x128xf32, #tpu.memory_space<vmem>>, vector<1x16xf32>,
        %parallel_loop3A_339 = vector.shape_cast %parallel_loop3A_338 : vector<1x16xf32> to vector<16xf32>
        %parallel_loop3A_340 = arith.constant 11.3137083 : f32
        %parallel_loop3A_341 = vector.broadcast %parallel_loop3A_340 : f32 to vector<16xf32>
        %parallel_loop3A_342 = arith.mulf %parallel_loop3A_339, %parallel_loop3A_341 : vector<16xf32>
        %parallel_loop3A_343 = arith.index_cast %parallel_loop3A_233 : i32 to index
        %parallel_loop3A_344 = arith.constant 96 : index
        %parallel_loop3A_345 = tpu.vector_load %arg11[%parallel_loop3A_343, %parallel_loop3A_344] {strides = array<i32>} : memref<128x128xf32, #tpu.memory_space<vmem>>, vector<1x16xf32>,
        %parallel_loop3A_346 = vector.shape_cast %parallel_loop3A_345 : vector<1x16xf32> to vector<16xf32>
        %parallel_loop3A_347 = arith.addf %parallel_loop3A_342, %parallel_loop3A_346 : vector<16xf32>
        %parallel_loop3A_348 = arith.index_cast %parallel_loop3A_233 : i32 to index
        %parallel_loop3A_349 = arith.constant 96 : index
        %parallel_loop3A_350 = tpu.vector_load %arg9[%parallel_loop3A_348, %parallel_loop3A_349] {strides = array<i32>} : memref<128x128xf32, #tpu.memory_space<vmem>>, vector<1x16xf32>,
        %parallel_loop3A_351 = vector.shape_cast %parallel_loop3A_350 : vector<1x16xf32> to vector<16xf32>
        %parallel_loop3A_352 = vector.shape_cast %parallel_loop3A_347 : vector<16xf32> to vector<1x16xf32>
        tpu.vector_store %arg9[%parallel_loop3A_348, %parallel_loop3A_349], %parallel_loop3A_352 {strides = array<i32>} : memref<128x128xf32, #tpu.memory_space<vmem>>, vector<1x16xf32>,
        %parallel_loop3A_353 = arith.index_cast %parallel_loop3A_233 : i32 to index
        %parallel_loop3A_354 = arith.constant 112 : index
        %parallel_loop3A_355 = tpu.vector_load %arg9[%parallel_loop3A_353, %parallel_loop3A_354] {strides = array<i32>} : memref<128x128xf32, #tpu.memory_space<vmem>>, vector<1x16xf32>,
        %parallel_loop3A_356 = vector.shape_cast %parallel_loop3A_355 : vector<1x16xf32> to vector<16xf32>
        %parallel_loop3A_357 = arith.constant 11.3137083 : f32
        %parallel_loop3A_358 = vector.broadcast %parallel_loop3A_357 : f32 to vector<16xf32>
        %parallel_loop3A_359 = arith.mulf %parallel_loop3A_356, %parallel_loop3A_358 : vector<16xf32>
        %parallel_loop3A_360 = arith.index_cast %parallel_loop3A_233 : i32 to index
        %parallel_loop3A_361 = arith.constant 112 : index
        %parallel_loop3A_362 = tpu.vector_load %arg11[%parallel_loop3A_360, %parallel_loop3A_361] {strides = array<i32>} : memref<128x128xf32, #tpu.memory_space<vmem>>, vector<1x16xf32>,
        %parallel_loop3A_363 = vector.shape_cast %parallel_loop3A_362 : vector<1x16xf32> to vector<16xf32>
        %parallel_loop3A_364 = arith.addf %parallel_loop3A_359, %parallel_loop3A_363 : vector<16xf32>
        %parallel_loop3A_365 = arith.index_cast %parallel_loop3A_233 : i32 to index
        %parallel_loop3A_366 = arith.constant 112 : index
        %parallel_loop3A_367 = tpu.vector_load %arg9[%parallel_loop3A_365, %parallel_loop3A_366] {strides = array<i32>} : memref<128x128xf32, #tpu.memory_space<vmem>>, vector<1x16xf32>,
        %parallel_loop3A_368 = vector.shape_cast %parallel_loop3A_367 : vector<1x16xf32> to vector<16xf32>
        %parallel_loop3A_369 = vector.shape_cast %parallel_loop3A_364 : vector<16xf32> to vector<1x16xf32>
        tpu.vector_store %arg9[%parallel_loop3A_365, %parallel_loop3A_366], %parallel_loop3A_369 {strides = array<i32>} : memref<128x128xf32, #tpu.memory_space<vmem>>, vector<1x16xf32>,
      } {sc.loop_unroll_factor = 4 : i64, sc.parallel_access}
      %div3A_174 = arith.constant 32 : i32
      %div3A_175 = arith.divsi %add3A_157, %div3A_174 : i32
      %rem3A_176 = arith.constant 32 : i32
      %rem3A_177 = arith.remsi %add3A_157, %rem3A_176 : i32
      %mul3A_178 = arith.constant 512 : i32
      %mul3A_179 = arith.muli %rem3A_177, %mul3A_178 : i32
      %mul3A_180 = arith.constant 128 : i32
      %mul3A_181 = arith.muli %div3A_175, %mul3A_180 : i32
      %add3A_182 = arith.addi %mul3A_179, %mul3A_181 : i32
      %add3A_183 = arith.addi %mul3A_2, %add3A_182 : i32
      %dma_start3A_184 = arith.constant 0 : i32
      %dma_start3A_185 = tpu.memref_slice %arg5[%add3A_183, %dma_start3A_184] : memref<524288x128xf32, #tpu.memory_space<hbm>> -> memref<128x128xf32, #tpu.memory_space<hbm>>
      %dma_start3A_186 = arith.constant 0 : i32
      %dma_start3A_187 = tpu.memref_slice %arg5[%add3A_183, %dma_start3A_186] : memref<524288x128xf32, #tpu.memory_space<hbm>> -> memref<128x128xf32, #tpu.memory_space<hbm>>
      tpu.enqueue_dma source(%arg9 : memref<128x128xf32, #tpu.memory_space<vmem>>) target(%dma_start3A_187 : memref<128x128xf32, #tpu.memory_space<hbm>>) target_semaphore(%arg18 : memref<!tpu.dma_semaphore, #tpu.memory_space<semaphore_mem>>)
      %lt3A_188 = arith.constant 31 : i32
      %lt3A_189 = arith.cmpi slt, %scan3A_66, %lt3A_188 : i32
      %convert_element_type3A_190 = arith.extui %lt3A_189 : i1 to i32
      %cond3A_191 = arith.constant 0 : i32
      %cond3A_192 = arith.cmpi ne, %convert_element_type3A_190, %cond3A_191 : i32
      scf.if %cond3A_192 {
        %dma_wait3A_233 = arith.constant 0 : i32
        %dma_wait3A_234 = tpu.memref_slice %arg5[%mul3A_2, %dma_wait3A_233] : memref<524288x128xf32, #tpu.memory_space<hbm>> -> memref<128x128xf32, #tpu.memory_space<hbm>>
        %dma_wait3A_235 = arith.constant 0 : i32
        %dma_wait3A_236 = tpu.memref_slice %arg5[%mul3A_2, %dma_wait3A_235] : memref<524288x128xf32, #tpu.memory_space<hbm>> -> memref<128x128xf32, #tpu.memory_space<hbm>>
        tpu.wait_dma2 semaphore(%arg17 : memref<!tpu.dma_semaphore, #tpu.memory_space<semaphore_mem>>) src(%arg8 : memref<128x128xf32, #tpu.memory_space<vmem>>) dst(%dma_wait3A_236 : memref<128x128xf32, #tpu.memory_space<hbm>>)
        %add3A_237 = arith.constant 4 : i32
        %add3A_238 = arith.addi %add3A_157, %add3A_237 : i32
        %sub3A = arith.constant 1 : i32
        %sub3A_239 = arith.subi %add3A_238, %sub3A : i32
        %div3A_240 = arith.constant 32 : i32
        %div3A_241 = arith.divsi %sub3A_239, %div3A_240 : i32
        %rem3A_242 = arith.constant 32 : i32
        %rem3A_243 = arith.remsi %sub3A_239, %rem3A_242 : i32
        %mul3A_244 = arith.constant 512 : i32
        %mul3A_245 = arith.muli %rem3A_243, %mul3A_244 : i32
        %mul3A_246 = arith.constant 128 : i32
        %mul3A_247 = arith.muli %div3A_241, %mul3A_246 : i32
        %add3A_248 = arith.addi %mul3A_245, %mul3A_247 : i32
        %dma_start3A_249 = tpu.memref_slice %arg6[%add3A_248] : memref<16384xi32, #tpu.memory_space<vmem>> -> memref<128xi32, #tpu.memory_space<vmem>>
        %dma_start3A_250 = arith.constant 0 : i32
        %dma_start3A_251 = arith.constant 0 : i32
        %dma_start3A_252 = tpu.memref_slice %arg3[%dma_start3A_250, %dma_start3A_251] : memref<100000x128xf32, #tpu.memory_space<hbm>> -> memref<100000x128xf32, #tpu.memory_space<hbm>>
        tpu.enqueue_indirect_dma source(%dma_start3A_252 : memref<100000x128xf32, #tpu.memory_space<hbm>>) target(%arg8 : memref<128x128xf32, #tpu.memory_space<vmem>>) offsets(%dma_start3A_249 : memref<128xi32, #tpu.memory_space<vmem>>) semaphore(%arg13 : memref<!tpu.dma_semaphore, #tpu.memory_space<semaphore_mem>>)
      } else {
      }
      %mul3A_193 = arith.constant 4 : i32
      %mul3A_194 = arith.muli %scan3A_66, %mul3A_193 : i32
      %add3A_195 = arith.constant 3 : i32
      %add3A_196 = arith.addi %mul3A_194, %add3A_195 : i32
      %div3A_197 = arith.constant 32 : i32
      %div3A_198 = arith.divsi %add3A_196, %div3A_197 : i32
      %rem3A_199 = arith.constant 32 : i32
      %rem3A_200 = arith.remsi %add3A_196, %rem3A_199 : i32
      %mul3A_201 = arith.constant 512 : i32
      %mul3A_202 = arith.muli %rem3A_200, %mul3A_201 : i32
      %mul3A_203 = arith.constant 128 : i32
      %mul3A_204 = arith.muli %div3A_198, %mul3A_203 : i32
      %add3A_205 = arith.addi %mul3A_202, %mul3A_204 : i32
      %dma_wait3A_206 = tpu.memref_slice %arg6[%add3A_205] : memref<16384xi32, #tpu.memory_space<vmem>> -> memref<128xi32, #tpu.memory_space<vmem>>
      %dma_wait3A_207 = arith.constant 0 : i32
      %dma_wait3A_208 = arith.constant 0 : i32
      %dma_wait3A_209 = tpu.memref_slice %arg3[%dma_wait3A_207, %dma_wait3A_208] : memref<100000x128xf32, #tpu.memory_space<hbm>> -> memref<100000x128xf32, #tpu.memory_space<hbm>>
      tpu.wait_indirect_dma semaphore(%arg15 : memref<!tpu.dma_semaphore, #tpu.memory_space<semaphore_mem>>) src(%dma_wait3A_209 : memref<100000x128xf32, #tpu.memory_space<hbm>>) dst(%arg10 : memref<128x128xf32, #tpu.memory_space<vmem>>)
      %parallel_loop3A_210 = arith.constant 0 : i32
      %parallel_loop3A_211 = arith.constant 128 : i32
      %parallel_loop3A_212 = arith.constant 1 : i32
      scf.for %parallel_loop3A_233 = %parallel_loop3A_210 to %parallel_loop3A_211 step %parallel_loop3A_212  : i32 {
        %parallel_loop3A_234 = arith.index_cast %parallel_loop3A_233 : i32 to index
        %parallel_loop3A_235 = arith.constant 0 : index
        %parallel_loop3A_236 = tpu.vector_load %arg10[%parallel_loop3A_234, %parallel_loop3A_235] {strides = array<i32>} : memref<128x128xf32, #tpu.memory_space<vmem>>, vector<1x16xf32>,
        %parallel_loop3A_237 = vector.shape_cast %parallel_loop3A_236 : vector<1x16xf32> to vector<16xf32>
        %parallel_loop3A_238 = arith.constant 11.3137083 : f32
        %parallel_loop3A_239 = vector.broadcast %parallel_loop3A_238 : f32 to vector<16xf32>
        %parallel_loop3A_240 = arith.mulf %parallel_loop3A_237, %parallel_loop3A_239 : vector<16xf32>
        %parallel_loop3A_241 = arith.index_cast %parallel_loop3A_233 : i32 to index
        %parallel_loop3A_242 = arith.constant 0 : index
        %parallel_loop3A_243 = tpu.vector_load %arg11[%parallel_loop3A_241, %parallel_loop3A_242] {strides = array<i32>} : memref<128x128xf32, #tpu.memory_space<vmem>>, vector<1x16xf32>,
        %parallel_loop3A_244 = vector.shape_cast %parallel_loop3A_243 : vector<1x16xf32> to vector<16xf32>
        %parallel_loop3A_245 = arith.addf %parallel_loop3A_240, %parallel_loop3A_244 : vector<16xf32>
        %parallel_loop3A_246 = arith.index_cast %parallel_loop3A_233 : i32 to index
        %parallel_loop3A_247 = arith.constant 0 : index
        %parallel_loop3A_248 = tpu.vector_load %arg10[%parallel_loop3A_246, %parallel_loop3A_247] {strides = array<i32>} : memref<128x128xf32, #tpu.memory_space<vmem>>, vector<1x16xf32>,
        %parallel_loop3A_249 = vector.shape_cast %parallel_loop3A_248 : vector<1x16xf32> to vector<16xf32>
        %parallel_loop3A_250 = vector.shape_cast %parallel_loop3A_245 : vector<16xf32> to vector<1x16xf32>
        tpu.vector_store %arg10[%parallel_loop3A_246, %parallel_loop3A_247], %parallel_loop3A_250 {strides = array<i32>} : memref<128x128xf32, #tpu.memory_space<vmem>>, vector<1x16xf32>,
        %parallel_loop3A_251 = arith.index_cast %parallel_loop3A_233 : i32 to index
        %parallel_loop3A_252 = arith.constant 16 : index
        %parallel_loop3A_253 = tpu.vector_load %arg10[%parallel_loop3A_251, %parallel_loop3A_252] {strides = array<i32>} : memref<128x128xf32, #tpu.memory_space<vmem>>, vector<1x16xf32>,
        %parallel_loop3A_254 = vector.shape_cast %parallel_loop3A_253 : vector<1x16xf32> to vector<16xf32>
        %parallel_loop3A_255 = arith.constant 11.3137083 : f32
        %parallel_loop3A_256 = vector.broadcast %parallel_loop3A_255 : f32 to vector<16xf32>
        %parallel_loop3A_257 = arith.mulf %parallel_loop3A_254, %parallel_loop3A_256 : vector<16xf32>
        %parallel_loop3A_258 = arith.index_cast %parallel_loop3A_233 : i32 to index
        %parallel_loop3A_259 = arith.constant 16 : index
        %parallel_loop3A_260 = tpu.vector_load %arg11[%parallel_loop3A_258, %parallel_loop3A_259] {strides = array<i32>} : memref<128x128xf32, #tpu.memory_space<vmem>>, vector<1x16xf32>,
        %parallel_loop3A_261 = vector.shape_cast %parallel_loop3A_260 : vector<1x16xf32> to vector<16xf32>
        %parallel_loop3A_262 = arith.addf %parallel_loop3A_257, %parallel_loop3A_261 : vector<16xf32>
        %parallel_loop3A_263 = arith.index_cast %parallel_loop3A_233 : i32 to index
        %parallel_loop3A_264 = arith.constant 16 : index
        %parallel_loop3A_265 = tpu.vector_load %arg10[%parallel_loop3A_263, %parallel_loop3A_264] {strides = array<i32>} : memref<128x128xf32, #tpu.memory_space<vmem>>, vector<1x16xf32>,
        %parallel_loop3A_266 = vector.shape_cast %parallel_loop3A_265 : vector<1x16xf32> to vector<16xf32>
        %parallel_loop3A_267 = vector.shape_cast %parallel_loop3A_262 : vector<16xf32> to vector<1x16xf32>
        tpu.vector_store %arg10[%parallel_loop3A_263, %parallel_loop3A_264], %parallel_loop3A_267 {strides = array<i32>} : memref<128x128xf32, #tpu.memory_space<vmem>>, vector<1x16xf32>,
        %parallel_loop3A_268 = arith.index_cast %parallel_loop3A_233 : i32 to index
        %parallel_loop3A_269 = arith.constant 32 : index
        %parallel_loop3A_270 = tpu.vector_load %arg10[%parallel_loop3A_268, %parallel_loop3A_269] {strides = array<i32>} : memref<128x128xf32, #tpu.memory_space<vmem>>, vector<1x16xf32>,
        %parallel_loop3A_271 = vector.shape_cast %parallel_loop3A_270 : vector<1x16xf32> to vector<16xf32>
        %parallel_loop3A_272 = arith.constant 11.3137083 : f32
        %parallel_loop3A_273 = vector.broadcast %parallel_loop3A_272 : f32 to vector<16xf32>
        %parallel_loop3A_274 = arith.mulf %parallel_loop3A_271, %parallel_loop3A_273 : vector<16xf32>
        %parallel_loop3A_275 = arith.index_cast %parallel_loop3A_233 : i32 to index
        %parallel_loop3A_276 = arith.constant 32 : index
        %parallel_loop3A_277 = tpu.vector_load %arg11[%parallel_loop3A_275, %parallel_loop3A_276] {strides = array<i32>} : memref<128x128xf32, #tpu.memory_space<vmem>>, vector<1x16xf32>,
        %parallel_loop3A_278 = vector.shape_cast %parallel_loop3A_277 : vector<1x16xf32> to vector<16xf32>
        %parallel_loop3A_279 = arith.addf %parallel_loop3A_274, %parallel_loop3A_278 : vector<16xf32>
        %parallel_loop3A_280 = arith.index_cast %parallel_loop3A_233 : i32 to index
        %parallel_loop3A_281 = arith.constant 32 : index
        %parallel_loop3A_282 = tpu.vector_load %arg10[%parallel_loop3A_280, %parallel_loop3A_281] {strides = array<i32>} : memref<128x128xf32, #tpu.memory_space<vmem>>, vector<1x16xf32>,
        %parallel_loop3A_283 = vector.shape_cast %parallel_loop3A_282 : vector<1x16xf32> to vector<16xf32>
        %parallel_loop3A_284 = vector.shape_cast %parallel_loop3A_279 : vector<16xf32> to vector<1x16xf32>
        tpu.vector_store %arg10[%parallel_loop3A_280, %parallel_loop3A_281], %parallel_loop3A_284 {strides = array<i32>} : memref<128x128xf32, #tpu.memory_space<vmem>>, vector<1x16xf32>,
        %parallel_loop3A_285 = arith.index_cast %parallel_loop3A_233 : i32 to index
        %parallel_loop3A_286 = arith.constant 48 : index
        %parallel_loop3A_287 = tpu.vector_load %arg10[%parallel_loop3A_285, %parallel_loop3A_286] {strides = array<i32>} : memref<128x128xf32, #tpu.memory_space<vmem>>, vector<1x16xf32>,
        %parallel_loop3A_288 = vector.shape_cast %parallel_loop3A_287 : vector<1x16xf32> to vector<16xf32>
        %parallel_loop3A_289 = arith.constant 11.3137083 : f32
        %parallel_loop3A_290 = vector.broadcast %parallel_loop3A_289 : f32 to vector<16xf32>
        %parallel_loop3A_291 = arith.mulf %parallel_loop3A_288, %parallel_loop3A_290 : vector<16xf32>
        %parallel_loop3A_292 = arith.index_cast %parallel_loop3A_233 : i32 to index
        %parallel_loop3A_293 = arith.constant 48 : index
        %parallel_loop3A_294 = tpu.vector_load %arg11[%parallel_loop3A_292, %parallel_loop3A_293] {strides = array<i32>} : memref<128x128xf32, #tpu.memory_space<vmem>>, vector<1x16xf32>,
        %parallel_loop3A_295 = vector.shape_cast %parallel_loop3A_294 : vector<1x16xf32> to vector<16xf32>
        %parallel_loop3A_296 = arith.addf %parallel_loop3A_291, %parallel_loop3A_295 : vector<16xf32>
        %parallel_loop3A_297 = arith.index_cast %parallel_loop3A_233 : i32 to index
        %parallel_loop3A_298 = arith.constant 48 : index
        %parallel_loop3A_299 = tpu.vector_load %arg10[%parallel_loop3A_297, %parallel_loop3A_298] {strides = array<i32>} : memref<128x128xf32, #tpu.memory_space<vmem>>, vector<1x16xf32>,
        %parallel_loop3A_300 = vector.shape_cast %parallel_loop3A_299 : vector<1x16xf32> to vector<16xf32>
        %parallel_loop3A_301 = vector.shape_cast %parallel_loop3A_296 : vector<16xf32> to vector<1x16xf32>
        tpu.vector_store %arg10[%parallel_loop3A_297, %parallel_loop3A_298], %parallel_loop3A_301 {strides = array<i32>} : memref<128x128xf32, #tpu.memory_space<vmem>>, vector<1x16xf32>,
        %parallel_loop3A_302 = arith.index_cast %parallel_loop3A_233 : i32 to index
        %parallel_loop3A_303 = arith.constant 64 : index
        %parallel_loop3A_304 = tpu.vector_load %arg10[%parallel_loop3A_302, %parallel_loop3A_303] {strides = array<i32>} : memref<128x128xf32, #tpu.memory_space<vmem>>, vector<1x16xf32>,
        %parallel_loop3A_305 = vector.shape_cast %parallel_loop3A_304 : vector<1x16xf32> to vector<16xf32>
        %parallel_loop3A_306 = arith.constant 11.3137083 : f32
        %parallel_loop3A_307 = vector.broadcast %parallel_loop3A_306 : f32 to vector<16xf32>
        %parallel_loop3A_308 = arith.mulf %parallel_loop3A_305, %parallel_loop3A_307 : vector<16xf32>
        %parallel_loop3A_309 = arith.index_cast %parallel_loop3A_233 : i32 to index
        %parallel_loop3A_310 = arith.constant 64 : index
        %parallel_loop3A_311 = tpu.vector_load %arg11[%parallel_loop3A_309, %parallel_loop3A_310] {strides = array<i32>} : memref<128x128xf32, #tpu.memory_space<vmem>>, vector<1x16xf32>,
        %parallel_loop3A_312 = vector.shape_cast %parallel_loop3A_311 : vector<1x16xf32> to vector<16xf32>
        %parallel_loop3A_313 = arith.addf %parallel_loop3A_308, %parallel_loop3A_312 : vector<16xf32>
        %parallel_loop3A_314 = arith.index_cast %parallel_loop3A_233 : i32 to index
        %parallel_loop3A_315 = arith.constant 64 : index
        %parallel_loop3A_316 = tpu.vector_load %arg10[%parallel_loop3A_314, %parallel_loop3A_315] {strides = array<i32>} : memref<128x128xf32, #tpu.memory_space<vmem>>, vector<1x16xf32>,
        %parallel_loop3A_317 = vector.shape_cast %parallel_loop3A_316 : vector<1x16xf32> to vector<16xf32>
        %parallel_loop3A_318 = vector.shape_cast %parallel_loop3A_313 : vector<16xf32> to vector<1x16xf32>
        tpu.vector_store %arg10[%parallel_loop3A_314, %parallel_loop3A_315], %parallel_loop3A_318 {strides = array<i32>} : memref<128x128xf32, #tpu.memory_space<vmem>>, vector<1x16xf32>,
        %parallel_loop3A_319 = arith.index_cast %parallel_loop3A_233 : i32 to index
        %parallel_loop3A_320 = arith.constant 80 : index
        %parallel_loop3A_321 = tpu.vector_load %arg10[%parallel_loop3A_319, %parallel_loop3A_320] {strides = array<i32>} : memref<128x128xf32, #tpu.memory_space<vmem>>, vector<1x16xf32>,
        %parallel_loop3A_322 = vector.shape_cast %parallel_loop3A_321 : vector<1x16xf32> to vector<16xf32>
        %parallel_loop3A_323 = arith.constant 11.3137083 : f32
        %parallel_loop3A_324 = vector.broadcast %parallel_loop3A_323 : f32 to vector<16xf32>
        %parallel_loop3A_325 = arith.mulf %parallel_loop3A_322, %parallel_loop3A_324 : vector<16xf32>
        %parallel_loop3A_326 = arith.index_cast %parallel_loop3A_233 : i32 to index
        %parallel_loop3A_327 = arith.constant 80 : index
        %parallel_loop3A_328 = tpu.vector_load %arg11[%parallel_loop3A_326, %parallel_loop3A_327] {strides = array<i32>} : memref<128x128xf32, #tpu.memory_space<vmem>>, vector<1x16xf32>,
        %parallel_loop3A_329 = vector.shape_cast %parallel_loop3A_328 : vector<1x16xf32> to vector<16xf32>
        %parallel_loop3A_330 = arith.addf %parallel_loop3A_325, %parallel_loop3A_329 : vector<16xf32>
        %parallel_loop3A_331 = arith.index_cast %parallel_loop3A_233 : i32 to index
        %parallel_loop3A_332 = arith.constant 80 : index
        %parallel_loop3A_333 = tpu.vector_load %arg10[%parallel_loop3A_331, %parallel_loop3A_332] {strides = array<i32>} : memref<128x128xf32, #tpu.memory_space<vmem>>, vector<1x16xf32>,
        %parallel_loop3A_334 = vector.shape_cast %parallel_loop3A_333 : vector<1x16xf32> to vector<16xf32>
        %parallel_loop3A_335 = vector.shape_cast %parallel_loop3A_330 : vector<16xf32> to vector<1x16xf32>
        tpu.vector_store %arg10[%parallel_loop3A_331, %parallel_loop3A_332], %parallel_loop3A_335 {strides = array<i32>} : memref<128x128xf32, #tpu.memory_space<vmem>>, vector<1x16xf32>,
        %parallel_loop3A_336 = arith.index_cast %parallel_loop3A_233 : i32 to index
        %parallel_loop3A_337 = arith.constant 96 : index
        %parallel_loop3A_338 = tpu.vector_load %arg10[%parallel_loop3A_336, %parallel_loop3A_337] {strides = array<i32>} : memref<128x128xf32, #tpu.memory_space<vmem>>, vector<1x16xf32>,
        %parallel_loop3A_339 = vector.shape_cast %parallel_loop3A_338 : vector<1x16xf32> to vector<16xf32>
        %parallel_loop3A_340 = arith.constant 11.3137083 : f32
        %parallel_loop3A_341 = vector.broadcast %parallel_loop3A_340 : f32 to vector<16xf32>
        %parallel_loop3A_342 = arith.mulf %parallel_loop3A_339, %parallel_loop3A_341 : vector<16xf32>
        %parallel_loop3A_343 = arith.index_cast %parallel_loop3A_233 : i32 to index
        %parallel_loop3A_344 = arith.constant 96 : index
        %parallel_loop3A_345 = tpu.vector_load %arg11[%parallel_loop3A_343, %parallel_loop3A_344] {strides = array<i32>} : memref<128x128xf32, #tpu.memory_space<vmem>>, vector<1x16xf32>,
        %parallel_loop3A_346 = vector.shape_cast %parallel_loop3A_345 : vector<1x16xf32> to vector<16xf32>
        %parallel_loop3A_347 = arith.addf %parallel_loop3A_342, %parallel_loop3A_346 : vector<16xf32>
        %parallel_loop3A_348 = arith.index_cast %parallel_loop3A_233 : i32 to index
        %parallel_loop3A_349 = arith.constant 96 : index
        %parallel_loop3A_350 = tpu.vector_load %arg10[%parallel_loop3A_348, %parallel_loop3A_349] {strides = array<i32>} : memref<128x128xf32, #tpu.memory_space<vmem>>, vector<1x16xf32>,
        %parallel_loop3A_351 = vector.shape_cast %parallel_loop3A_350 : vector<1x16xf32> to vector<16xf32>
        %parallel_loop3A_352 = vector.shape_cast %parallel_loop3A_347 : vector<16xf32> to vector<1x16xf32>
        tpu.vector_store %arg10[%parallel_loop3A_348, %parallel_loop3A_349], %parallel_loop3A_352 {strides = array<i32>} : memref<128x128xf32, #tpu.memory_space<vmem>>, vector<1x16xf32>,
        %parallel_loop3A_353 = arith.index_cast %parallel_loop3A_233 : i32 to index
        %parallel_loop3A_354 = arith.constant 112 : index
        %parallel_loop3A_355 = tpu.vector_load %arg10[%parallel_loop3A_353, %parallel_loop3A_354] {strides = array<i32>} : memref<128x128xf32, #tpu.memory_space<vmem>>, vector<1x16xf32>,
        %parallel_loop3A_356 = vector.shape_cast %parallel_loop3A_355 : vector<1x16xf32> to vector<16xf32>
        %parallel_loop3A_357 = arith.constant 11.3137083 : f32
        %parallel_loop3A_358 = vector.broadcast %parallel_loop3A_357 : f32 to vector<16xf32>
        %parallel_loop3A_359 = arith.mulf %parallel_loop3A_356, %parallel_loop3A_358 : vector<16xf32>
        %parallel_loop3A_360 = arith.index_cast %parallel_loop3A_233 : i32 to index
        %parallel_loop3A_361 = arith.constant 112 : index
        %parallel_loop3A_362 = tpu.vector_load %arg11[%parallel_loop3A_360, %parallel_loop3A_361] {strides = array<i32>} : memref<128x128xf32, #tpu.memory_space<vmem>>, vector<1x16xf32>,
        %parallel_loop3A_363 = vector.shape_cast %parallel_loop3A_362 : vector<1x16xf32> to vector<16xf32>
        %parallel_loop3A_364 = arith.addf %parallel_loop3A_359, %parallel_loop3A_363 : vector<16xf32>
        %parallel_loop3A_365 = arith.index_cast %parallel_loop3A_233 : i32 to index
        %parallel_loop3A_366 = arith.constant 112 : index
        %parallel_loop3A_367 = tpu.vector_load %arg10[%parallel_loop3A_365, %parallel_loop3A_366] {strides = array<i32>} : memref<128x128xf32, #tpu.memory_space<vmem>>, vector<1x16xf32>,
        %parallel_loop3A_368 = vector.shape_cast %parallel_loop3A_367 : vector<1x16xf32> to vector<16xf32>
        %parallel_loop3A_369 = vector.shape_cast %parallel_loop3A_364 : vector<16xf32> to vector<1x16xf32>
        tpu.vector_store %arg10[%parallel_loop3A_365, %parallel_loop3A_366], %parallel_loop3A_369 {strides = array<i32>} : memref<128x128xf32, #tpu.memory_space<vmem>>, vector<1x16xf32>,
      } {sc.loop_unroll_factor = 4 : i64, sc.parallel_access}
      %div3A_213 = arith.constant 32 : i32
      %div3A_214 = arith.divsi %add3A_196, %div3A_213 : i32
      %rem3A_215 = arith.constant 32 : i32
      %rem3A_216 = arith.remsi %add3A_196, %rem3A_215 : i32
      %mul3A_217 = arith.constant 512 : i32
      %mul3A_218 = arith.muli %rem3A_216, %mul3A_217 : i32
      %mul3A_219 = arith.constant 128 : i32
      %mul3A_220 = arith.muli %div3A_214, %mul3A_219 : i32
      %add3A_221 = arith.addi %mul3A_218, %mul3A_220 : i32
      %add3A_222 = arith.addi %mul3A_2, %add3A_221 : i32
      %dma_start3A_223 = arith.constant 0 : i32
      %dma_start3A_224 = tpu.memref_slice %arg5[%add3A_222, %dma_start3A_223] : memref<524288x128xf32, #tpu.memory_space<hbm>> -> memref<128x128xf32, #tpu.memory_space<hbm>>
      %dma_start3A_225 = arith.constant 0 : i32
      %dma_start3A_226 = tpu.memref_slice %arg5[%add3A_222, %dma_start3A_225] : memref<524288x128xf32, #tpu.memory_space<hbm>> -> memref<128x128xf32, #tpu.memory_space<hbm>>
      tpu.enqueue_dma source(%arg10 : memref<128x128xf32, #tpu.memory_space<vmem>>) target(%dma_start3A_226 : memref<128x128xf32, #tpu.memory_space<hbm>>) target_semaphore(%arg19 : memref<!tpu.dma_semaphore, #tpu.memory_space<semaphore_mem>>)
      %lt3A_227 = arith.constant 31 : i32
      %lt3A_228 = arith.cmpi slt, %scan3A_66, %lt3A_227 : i32
      %convert_element_type3A_229 = arith.extui %lt3A_228 : i1 to i32
      %cond3A_230 = arith.constant 0 : i32
      %cond3A_231 = arith.cmpi ne, %convert_element_type3A_229, %cond3A_230 : i32
      scf.if %cond3A_231 {
        %dma_wait3A_233 = arith.constant 0 : i32
        %dma_wait3A_234 = tpu.memref_slice %arg5[%mul3A_2, %dma_wait3A_233] : memref<524288x128xf32, #tpu.memory_space<hbm>> -> memref<128x128xf32, #tpu.memory_space<hbm>>
        %dma_wait3A_235 = arith.constant 0 : i32
        %dma_wait3A_236 = tpu.memref_slice %arg5[%mul3A_2, %dma_wait3A_235] : memref<524288x128xf32, #tpu.memory_space<hbm>> -> memref<128x128xf32, #tpu.memory_space<hbm>>
        tpu.wait_dma2 semaphore(%arg18 : memref<!tpu.dma_semaphore, #tpu.memory_space<semaphore_mem>>) src(%arg9 : memref<128x128xf32, #tpu.memory_space<vmem>>) dst(%dma_wait3A_236 : memref<128x128xf32, #tpu.memory_space<hbm>>)
        %add3A_237 = arith.constant 4 : i32
        %add3A_238 = arith.addi %add3A_196, %add3A_237 : i32
        %sub3A = arith.constant 1 : i32
        %sub3A_239 = arith.subi %add3A_238, %sub3A : i32
        %div3A_240 = arith.constant 32 : i32
        %div3A_241 = arith.divsi %sub3A_239, %div3A_240 : i32
        %rem3A_242 = arith.constant 32 : i32
        %rem3A_243 = arith.remsi %sub3A_239, %rem3A_242 : i32
        %mul3A_244 = arith.constant 512 : i32
        %mul3A_245 = arith.muli %rem3A_243, %mul3A_244 : i32
        %mul3A_246 = arith.constant 128 : i32
        %mul3A_247 = arith.muli %div3A_241, %mul3A_246 : i32
        %add3A_248 = arith.addi %mul3A_245, %mul3A_247 : i32
        %dma_start3A_249 = tpu.memref_slice %arg6[%add3A_248] : memref<16384xi32, #tpu.memory_space<vmem>> -> memref<128xi32, #tpu.memory_space<vmem>>
        %dma_start3A_250 = arith.constant 0 : i32
        %dma_start3A_251 = arith.constant 0 : i32
        %dma_start3A_252 = tpu.memref_slice %arg3[%dma_start3A_250, %dma_start3A_251] : memref<100000x128xf32, #tpu.memory_space<hbm>> -> memref<100000x128xf32, #tpu.memory_space<hbm>>
        tpu.enqueue_indirect_dma source(%dma_start3A_252 : memref<100000x128xf32, #tpu.memory_space<hbm>>) target(%arg9 : memref<128x128xf32, #tpu.memory_space<vmem>>) offsets(%dma_start3A_249 : memref<128xi32, #tpu.memory_space<vmem>>) semaphore(%arg14 : memref<!tpu.dma_semaphore, #tpu.memory_space<semaphore_mem>>)
      } else {
      }
      %scan3A_232 = arith.constant 0 : i32
      scf.yield %scan3A_232 : i32
    }
    %scan3A_50 = arith.constant 32 : i32
    %dma_wait3A = arith.constant 0 : i32
    %dma_wait3A_51 = tpu.memref_slice %arg5[%mul3A_2, %dma_wait3A] : memref<524288x128xf32, #tpu.memory_space<hbm>> -> memref<128x128xf32, #tpu.memory_space<hbm>>
    %dma_wait3A_52 = arith.constant 0 : i32
    %dma_wait3A_53 = tpu.memref_slice %arg5[%mul3A_2, %dma_wait3A_52] : memref<524288x128xf32, #tpu.memory_space<hbm>> -> memref<128x128xf32, #tpu.memory_space<hbm>>
    tpu.wait_dma2 semaphore(%arg16 : memref<!tpu.dma_semaphore, #tpu.memory_space<semaphore_mem>>) src(%arg7 : memref<128x128xf32, #tpu.memory_space<vmem>>) dst(%dma_wait3A_53 : memref<128x128xf32, #tpu.memory_space<hbm>>)
    %dma_wait3A_54 = arith.constant 0 : i32
    %dma_wait3A_55 = tpu.memref_slice %arg5[%mul3A_2, %dma_wait3A_54] : memref<524288x128xf32, #tpu.memory_space<hbm>> -> memref<128x128xf32, #tpu.memory_space<hbm>>
    %dma_wait3A_56 = arith.constant 0 : i32
    %dma_wait3A_57 = tpu.memref_slice %arg5[%mul3A_2, %dma_wait3A_56] : memref<524288x128xf32, #tpu.memory_space<hbm>> -> memref<128x128xf32, #tpu.memory_space<hbm>>
    tpu.wait_dma2 semaphore(%arg17 : memref<!tpu.dma_semaphore, #tpu.memory_space<semaphore_mem>>) src(%arg8 : memref<128x128xf32, #tpu.memory_space<vmem>>) dst(%dma_wait3A_57 : memref<128x128xf32, #tpu.memory_space<hbm>>)
    %dma_wait3A_58 = arith.constant 0 : i32
    %dma_wait3A_59 = tpu.memref_slice %arg5[%mul3A_2, %dma_wait3A_58] : memref<524288x128xf32, #tpu.memory_space<hbm>> -> memref<128x128xf32, #tpu.memory_space<hbm>>
    %dma_wait3A_60 = arith.constant 0 : i32
    %dma_wait3A_61 = tpu.memref_slice %arg5[%mul3A_2, %dma_wait3A_60] : memref<524288x128xf32, #tpu.memory_space<hbm>> -> memref<128x128xf32, #tpu.memory_space<hbm>>
    tpu.wait_dma2 semaphore(%arg18 : memref<!tpu.dma_semaphore, #tpu.memory_space<semaphore_mem>>) src(%arg9 : memref<128x128xf32, #tpu.memory_space<vmem>>) dst(%dma_wait3A_61 : memref<128x128xf32, #tpu.memory_space<hbm>>)
    %dma_wait3A_62 = arith.constant 0 : i32
    %dma_wait3A_63 = tpu.memref_slice %arg5[%mul3A_2, %dma_wait3A_62] : memref<524288x128xf32, #tpu.memory_space<hbm>> -> memref<128x128xf32, #tpu.memory_space<hbm>>
    %dma_wait3A_64 = arith.constant 0 : i32
    %dma_wait3A_65 = tpu.memref_slice %arg5[%mul3A_2, %dma_wait3A_64] : memref<524288x128xf32, #tpu.memory_space<hbm>> -> memref<128x128xf32, #tpu.memory_space<hbm>>
    tpu.wait_dma2 semaphore(%arg19 : memref<!tpu.dma_semaphore, #tpu.memory_space<semaphore_mem>>) src(%arg10 : memref<128x128xf32, #tpu.memory_space<vmem>>) dst(%dma_wait3A_65 : memref<128x128xf32, #tpu.memory_space<hbm>>)
    return
  }
}

</mosaic_0001>

<sc_bundles>
// kernel: kernel.3.cloned.1.call-start
scs
__scs_entry_jumppad:
0x0: {  	(pc) =	sbr.rel $0x88, $3  }
0x1: {  	(tag) =	ssettag $0x0;
	lr =	simm.s32 $0x1  }
0x2: {  	[smem:$0x3F9E] =	sst lr;
	_ =	strace $0xD0000000  }
0x3: {  	_ = 	snop  }
0x4: {  	_ = 	snop  }
0x5: {  	_ = 	snop  }
0x6: {  	_ = 	snop  }
0x7: {  	_ = 	snop  }
__scs_overlays_trampoline_lowered:
0x8: {  	[smem:$0x3FAD] =	sst s0  }
0x9: {  	[smem:$0x3FAE] =	sst s1  }
0xa: {  	[smem:$0x3FAF] =	sst s2  }
0xb: {  	[smem:$0x3FB0] =	sst s3  }
0xc: {  	[smem:$0x3FB1] =	sst s4  }
0xd: {  	[smem:$0x3FB2] =	sst s5  }
0xe: {  	[smem:$0x3FB3] =	sst s6  }
0xf: {  	[smem:$0x3FB4] =	sst s7  }
0x10: {  	[smem:$0x3FB5] =	sst s8  }
0x11: {  	[smem:$0x3FB6] =	sst s9;
	s0 =	simm.s32 @!p0 $0x0  }
0x12: {  	s1 =	sld [smem:$0x3F9C];
	s0 =	simm.s32 @p0 $0x1  }
0x13: {  	[smem:$0x3FB7] =	sst s0;
	s0 =	simm.s32 @!p1 $0x0  }
0x14: {  	s2 =	sld [smem:$0x3F9B];
	s0 =	simm.s32 @p1 $0x1  }
0x15: {  	[smem:$0x3FB8] =	sst s0;
	s0 =	simm.s32 @!p2 $0x0  }
0x16: {  	s3 =	sld [smem:$0x3FDB];
	s0 =	simm.s32 @p2 $0x1  }
0x17: {  	s4 =	simm.s32 $0x1BF5;
	[smem:$0x3FBA] =	sst s0  }
0x18: {  	s0 =	sld [smem:$0x3F9D];
	_ =	swait.ge [sflag:s4], $0x0  }
0x19: {  	s7 =	sld [smem:$0x3F9E]  }
0x1a: {  	s8 =	sadd.s32 $0xFFFFE003, lr  }
0x1b: {  	s9 =	sadd.s32 $0xFFFFFEF7, lr;
	s5 =	simm.s32 $0xFFFFFFFF;
	p2 =	slt.u32 s8, $0xFFFFF086  }
0x1c: {  	p1 =	slt.u32 s9, $0xF7A;
	s5 =	simm.s32 @!p2 $0x0  }
0x1d: {  	s5 =	simm.s32 @p1 $0x1;
	p0 =	seq.s32 s7, s2  }
0x1e: {  	s7 =	smul.u32 @!p0 $0xF7A, s2;
	p2 =	seq.s32 @!p0 s5, $0x0  }
0x1f: {  	s9 =	smul.u32 $0xF7A, s1;
	s8 =	simm.s32 @!p0 $0x1BF5;
	p2 =	por !p2, p0  }
0x20: {  	[sflag:s8] =	ssyncset.s32 @!p0 $0xFFFFF086;
	s6 =	sadd.s32 @!p0 s3, s7;
	s7 =	simm.s32 @!p0 $0x108  }
0x21: {  	s3 =	sadd.s32 s3, s9;
	s6 =	sadd.s32 @!p0 $0x88, s6;
	s7 =	simm.s32 @p2 $0x1082  }
0x22: {  	[simem:s7], [sflag:s8] =	dma.local @!p0 [hbm:s6], $0xF7A  }
0x23: {  	s9 =	sor.u32 $0xD0000000, s2;
	s6 =	simm.s32 $0x108;
	_ =	swait.ge @!p0 [sflag:s8], $0x0  }
0x24: {  	s3 =	sadd.s32 $0x88, s3;
	s6 =	simm.s32 @!p1 $0x1082;
	[sflag:s4] =	ssyncset.s32 $0xFFFFF086  }
0x25: {  	[simem:s6], [sflag:s4] =	dma.local [hbm:s3], $0xF7A  }
0x26: {  	[smem:$0x3F9E] =	sst s1;
	(tag) =	ssettag s2;
	_ =	strace s9  }
0x27: {  	s1 =	sld [smem:$0x3FAE]  }
0x28: {  	s2 =	sld [smem:$0x3FAF]  }
0x29: {  	s4 =	sld [smem:$0x3FB1]  }
0x2a: {  	p0 =	seq.s32 s5, $0x0;
	s5 =	sld [smem:$0x3FB2]  }
0x2b: {  	s6 =	sld [smem:$0x3FB3]  }
0x2c: {  	s7 =	sld [smem:$0x3FB4]  }
0x2d: {  	s3 =	simm.s32 $0x108;
	s8 =	sld [smem:$0x3FB5]  }
0x2e: {  	s3 =	simm.s32 @!p0 $0x1082;
	s9 =	sld [smem:$0x3FB6]  }
0x2f: {  	lr =	sadd.s32 s0, s3;
	s0 =	sld [smem:$0x3FAD]  }
0x30: {  	s3 =	sld [smem:$0x3FB0]  }
0x31: {  	[smem:$0x3FB9] =	sst s10  }
0x32: {  	s10 =	sld [smem:$0x3FB7];
	_ =	sdelay $0x3  }
0x33: {  	p0 =	seq.s32 s10, $0x1;
	s10 =	sld [smem:$0x3FB9];
	_ =	sdelay $0x3  }
0x34: {  	[smem:$0x3FB9] =	sst s10  }
0x35: {  	s10 =	sld [smem:$0x3FB8];
	_ =	sdelay $0x3  }
0x36: {  	p1 =	seq.s32 s10, $0x1;
	s10 =	sld [smem:$0x3FB9];
	_ =	sdelay $0x3  }
0x37: {  	[smem:$0x3FB9] =	sst s10  }
0x38: {  	s10 =	sld [smem:$0x3FBA]  }
0x39: {  	_ = 	snop;
	(pc) =	sbr.ind lr, $3  }
0x3a: {  	_ = 	snop  }
0x3b: {  	_ = 	snop  }
0x3c: {  	p2 =	seq.s32 s10, $0x1;
	s10 =	sld [smem:$0x3FB9]  }
0x3d: {  	_ =	shalt  }
0x3e: {  	_ =	shalt  }
0x3f: {  	_ =	shalt  }
0x40: {  	_ =	shalt  }
0x41: {  	_ =	shalt  }
0x42: {  	_ =	shalt  }
0x43: {  	_ =	shalt  }
0x44: {  	_ =	shalt  }
0x45: {  	_ =	shalt  }
0x46: {  	_ =	shalt  }
0x47: {  	_ =	shalt  }
0x48: {  	_ =	shalt  }
0x49: {  	_ =	shalt  }
0x4a: {  	_ =	shalt  }
0x4b: {  	_ =	shalt  }
0x4c: {  	_ =	shalt  }
0x4d: {  	_ =	shalt  }
0x4e: {  	_ =	shalt  }
0x4f: {  	_ =	shalt  }
0x50: {  	_ =	shalt  }
0x51: {  	_ =	shalt  }
0x52: {  	_ =	shalt  }
0x53: {  	_ =	shalt  }
0x54: {  	_ =	shalt  }
0x55: {  	_ =	shalt  }
0x56: {  	_ =	shalt  }
0x57: {  	_ =	shalt  }
0x58: {  	_ =	shalt  }
0x59: {  	_ =	shalt  }
0x5a: {  	_ =	shalt  }
0x5b: {  	_ =	shalt  }
0x5c: {  	_ =	shalt  }
0x5d: {  	_ =	shalt  }
0x5e: {  	_ =	shalt  }
0x5f: {  	_ =	shalt  }
0x60: {  	_ =	shalt  }
0x61: {  	_ =	shalt  }
0x62: {  	_ =	shalt  }
0x63: {  	_ =	shalt  }
0x64: {  	_ =	shalt  }
0x65: {  	_ =	shalt  }
0x66: {  	_ =	shalt  }
0x67: {  	_ =	shalt  }
0x68: {  	_ =	shalt  }
0x69: {  	_ =	shalt  }
0x6a: {  	_ =	shalt  }
0x6b: {  	_ =	shalt  }
0x6c: {  	_ =	shalt  }
0x6d: {  	_ =	shalt  }
0x6e: {  	_ =	shalt  }
0x6f: {  	_ =	shalt  }
0x70: {  	_ =	shalt  }
0x71: {  	_ =	shalt  }
0x72: {  	_ =	shalt  }
0x73: {  	_ =	shalt  }
0x74: {  	_ =	shalt  }
0x75: {  	_ =	shalt  }
0x76: {  	_ =	shalt  }
0x77: {  	_ =	shalt  }
0x78: {  	_ =	shalt  }
0x79: {  	_ =	shalt  }
0x7a: {  	_ =	shalt  }
0x7b: {  	_ =	shalt  }
0x7c: {  	_ =	shalt  }
0x7d: {  	_ =	shalt  }
0x7e: {  	_ =	shalt  }
0x7f: {  	_ =	shalt  }
0x80: {  	_ =	shalt  }
0x81: {  	_ =	shalt  }
0x82: {  	_ =	shalt  }
0x83: {  	_ =	shalt  }
0x84: {  	_ =	shalt  }
0x85: {  	_ =	shalt  }
0x86: {  	_ =	shalt  }
0x87: {  	_ =	shalt  }
.Lfunc_end0:
.L_simem_size_0:
called_computation_lowered:
.L_overlay_start_0:
0x88: {  	s2 =	sld [smem:$0x3FD9]  }
0x89: {  	s3 =	sld [smem:$0x3FFE];
	_ =	sdelay $0x1  }
0x8a: {  	s1 =	srdreg.scid  }
0x8b: {  	s0 =	sand.u32 $0x1, s1  }
0x8c: {  	s17 =	sshll.u32 s0, $0xA;
	s2 =	sadd.s32 s3, s2  }
0x8d: {  	s2 =	sadd.s32 s2, s17  }
0x8e: {  	[smem:$0x3FC5] =	sst s2  }
0x8f: {  	_ = 	snop  }
0x90: {  	s2 =	sld [smem:$0x3FC8]  }
0x91: {  	s18 =	sld [smem:$0x3FC7]  }
0x92: {  	s4 =	sld [smem:$0x3FD0];
	(tm) =	ssettm $0x1  }
0x93: {  	s5 =	sld [smem:$0x3FFB];
	_ =	sdelay $0x3  }
0x94: {  	_ =	strace s5  }
0x95: {  	s5 =	sld [smem:$0x3FFC];
	_ =	sdelay $0x3  }
0x96: {  	_ =	strace s5  }
0x97: {  	s5 =	sld [smem:$0x3FFD];
	_ =	sdelay $0x3  }
0x98: {  	_ =	strace s5  }
0x99: {  	_ =	strace $0x8FFFFFFF  }
0x9a: {  	s19 =	sld [smem:$0x3FDB];
	_ =	sdelay $0x1  }
0x9b: {  	s6 =	simm.s32 $_scs_section_size  }
0x9c: {  	s7 =	simm.s32 $_size__tile_overlayer_lowered;
	s8 =	simm.s32 $_tile_overlayer_lowered  }
0x9d: {  	s22 =	simm.s32 $0x1BFF;
	s21 =	sshll.u32 s8, $0x1;
	s5 =	sadd.s32 s6, s19  }
0x9e: {  	s9 =	simm.s32 $0x0;
	s20 =	sshll.u32 s7, $0x1;
	s7 =	sadd.s32 s21, s5  }
0x9f: {  	[timem:s9], [sflag:s22] =	dma.local [hbm:s7], s20  }
0xa0: {  	_ =	swait.ge [sflag:s22], s20  }
0xa1: {  	s6 =	ssub.s32 $0x0, s20;
	[sflag:s22] =	ssyncset.done $0x0  }
0xa2: {  	[sflag:s22] =	ssyncadd.s32 s6;
	_ =	sdelay $0x1  }
0xa3: {  	s23 =	simm.s32 $0x1B8B  }
0xa4: {  	_ =	swait.ge [sflag:s23], $0x1  }
0xa5: {  	[sflag:s23] =	ssyncset.done $0x0  }
0xa6: {  	s25 =	simm.s32 $0x1B8E;
	s24 =	sld [smem:$0x3FFE];
	[sflag:s23] =	ssyncadd.s32 $0xFFFFFFFF  }
0xa7: {  	s26 =	simm.s32 $execute0_lowered;
	[smem:$0x3FD2] =	sst s25  }
0xa8: {  	s7 =	sshll.u32 s26, $0x1;
	_ =	strace $0x80000046;
	[dreg:$0x1] =	wrdreg $0xFFFFFFFF  }
0xa9: {  	s28 =	simm.s32 $_size_execute0_lowered;
	s5 =	sadd.s32 s5, s7;
	[dreg:$0x0] =	wrdreg $0x0  }
0xaa: {  	s7 =	sshll.u32 s28, $0x1;
	[dreg:$0x2] =	wrdreg s5  }
0xab: {  	[dreg:$0x3] =	wrdreg s7  }
0xac: {  	[dreg:$0x4] =	wrdreg $0xC0  }
0xad: {  	_ =	task [dreg:s9], $0x5FFFF  }
0xae: {  	[dreg:$0x1] =	wrdreg $0xFFFFFFFF  }
0xaf: {  	[dreg:$0x0] =	wrdreg $0x60  }
0xb0: {  	[dreg:$0x2] =	wrdreg s24  }
0xb1: {  	[dreg:$0x3] =	wrdreg s2  }
0xb2: {  	[dreg:$0x4] =	wrdreg s18  }
0xb3: {  	[dreg:$0x5] =	wrdreg s4  }
0xb4: {  	[dreg:$0x6] =	wrdreg $0x9  }
0xb5: {  	_ =	task.clear_ibuf [dreg:s9], $0x7FFFF;
	_ =	strace $0x90000046  }
0xb6: {  	s29 =	simm.s32 $0x9;
	_ =	strace $0x80000048  }
0xb7: {  	_ =	swait.ge [sflag:s29], $0x1  }
0xb8: {  	[sflag:s29] =	ssyncadd.s32 $0xFFFFFFFF  }
0xb9: {  	_ =	strace $0x90000048  }
0xba: {  	_ =	sfence  }
0xbb: {  	s30 =	sld [smem:$0x0];
	_ =	sdelay $0x2  }
0xbc: {  	s31 =	sshll.u32 s1, $0xD;
	s1 =	sshrl.u32 s1, $0x2  }
0xbd: {  	s3 =	sand.u32 $0x4000, s31;
	s1 =	sadd.s32 s1, s30  }
0xbe: {  	s0 =	sor.u32 s3, s0;
	s1 =	sshll.u32 s1, $0x11  }
0xbf: {  	s0 =	sor.u32 s1, s0  }
0xc0: {  	s0 =	sadd.s32 $0x8F2B, s0  }
0xc1: {  	[sflag:s0] =	ssyncadd.remote.s32 $0x1  }
0xc2: {  	_ =	sfence.sel $0xFFFF  }
0xc3: {  	[dreg:$0x0] =	wrdreg $0xFFFFFFFF;
	(pc) =	sbr.abs _section_cstart, $3  }
0xc4: {  	[dreg:$0x1] =	wrdreg $0xFFFFFFFF  }
0xc5: {  	_ =	task.clear_ibuf [dreg:s9], $0x2FFFF;
	_ =	strace $0x9FFFFFFF  }
0xc6: {  	(tm) =	ssettm $0x7FFFFFFF  }
0xc7: {  	_ =	shalt  }
tec
execute0_lowered:
.L_overlay_start_1:
0x0: {  	(tag) =	ssettag $0x1  }
0x1: {  	s0 =	rddreg [dreg:$0x0]  }
0x2: {  	s1 =	rddreg [dreg:$0x1]  }
0x3: {  	s2 =	srdreg.scid;
	s3 =	rddreg [dreg:$0x2]  }
0x4: {  	s5 =	stileid.u32;
	s4 =	rddreg [dreg:$0x3]  }
0x5: {  	s9 =	simm.s32 $0x9;
	s11 =	simm.s32 $0x80;
	s12 =	simm.s32 $0x4000  }
0x6: {  	s14 =	simm.s32 $0x8000;
	s16 =	simm.s32 $0xC000;
	s17 =	simm.s32 $0x1  }
0x7: {  	s18 =	simm.s32 $0x10000;
	s19 =	simm.s32 $0x2;
	s20 =	simm.s32 $0x3  }
0x8: {  	s21 =	simm.s32 $0x4;
	s22 =	simm.s32 $0x5;
	s23 =	simm.s32 $0x6  }
0x9: {  	s24 =	simm.s32 $0x7;
	s25 =	simm.s32 $0x8;
	s2 =	sand.u32 $0x1, s2  }
.Ltmp0:
0xa: {  	s5 =	sshll.u32 s5, $0xF;
	s6 =	sshll.u32 s2, $0xE;
	(pc) =	sbr.rel .LBB2_1-.Ltmp0, $4  }
0xb: {  	s26 =	simm.s32 $0x0;
	s2 =	ssub.s32 $0x2, s2;
	s5 =	sor.u32 s6, s5  }
0xc: {  	s6 =	simm.s32 $0x0;
	s8 =	sshrl.u32 s2, $0x1;
	s7 =	sshrl.u32 s5, $0x3  }
0xd: {  	[smem:$0x7FF] =	sst s6;
	s2 =	ssub.s32 s2, s8;
	s0 =	sadd.s32 s7, s0  }
0xe: {  	_ =	strace $0x80000047;
	s8 =	smax.u32 s2, $0x1;
	s7 =	sadd.s32 $0x400, s0  }
.LBB2_12:
0xf: {  	_ =	swait.ge [sflag:s22], $0x4000  }
0x10: {  	[sflag:s22] =	ssyncset.done $0x0  }
0x11: {  	[sflag:s22] =	ssyncadd.s32 $0xFFFFC000  }
0x12: {  	_ =	swait.ge [sflag:s23], $0x4000  }
0x13: {  	[sflag:s23] =	ssyncset.done $0x0  }
0x14: {  	s26 =	sadd.s32 $0x1, s26;
	[sflag:s23] =	ssyncadd.s32 $0xFFFFC000  }
0x15: {  	p0 =	sne.s32 s26, s8;
	_ =	swait.ge [sflag:s24], $0x4000  }
.Ltmp1:
0x16: {  	[sflag:s24] =	ssyncset.done $0x0;
	(pc) =	sbr.rel @!p0 .LBB2_13-.Ltmp1, $4  }
0x17: {  	[sflag:s24] =	ssyncadd.s32 $0xFFFFC000  }
0x18: {  	_ =	swait.ge [sflag:s25], $0x4000  }
0x19: {  	[sflag:s25] =	ssyncset.done $0x0  }
0x1a: {  	[sflag:s25] =	ssyncadd.s32 $0xFFFFC000  }
.LBB2_1:
0x1b: {  	[tilespmem:s6], [sflag:$0x9] =	stream.linear.gather [hbm4b:s7+s6], $0x4000, $0x38;
	[tilespmem:$0x18000] =	vst v63  }
0x1c: {  	_ =	swait.ge [sflag:s9], $0x4000  }
0x1d: {  	[sflag:s9] =	ssyncset.done $0x0  }
0x1e: {  	s0 =	simm.s32 $0x14000;
	[sflag:s9] =	ssyncadd.s32 $0xFFFFC000  }
0x1f: {  	[tilespmem:s0], [sflag:$0x9] =	stream.linear.gather [hbm4b:s3+s6], $0x4000, $0x38;
	[tilespmem:$0x18000] =	vst v63  }
0x20: {  	_ =	swait.ge [sflag:s9], $0x4000  }
0x21: {  	[sflag:s9] =	ssyncset.done $0x0  }
0x22: {  	[sflag:s9] =	ssyncadd.s32 $0xFFFFC000  }
0x23: {  	[tilespmem:s12], [sflag:$0x1] =	stream.indirect.gather [hbm4b:s1+s11], $0x80, s6, s11, $0xb8;
	[tilespmem:$0x18000] =	vst v63  }
0x24: {  	s30 =	simm.s32 $0x200  }
0x25: {  	[tilespmem:s14], [sflag:$0x2] =	stream.indirect.gather [hbm4b:s1+s11], $0x80, s30, s11, $0xb8;
	[tilespmem:$0x18000] =	vst v63  }
0x26: {  	s31 =	simm.s32 $0x400;
	s28 =	simm.s32 $0x0  }
0x27: {  	[tilespmem:s16], [sflag:$0x3] =	stream.indirect.gather [hbm4b:s1+s11], $0x80, s31, s11, $0xb8;
	[tilespmem:$0x18000] =	vst v63  }
.LBB2_2:
0x28: {  	s0 =	sand.u32 $0x7, s28;
	p0 =	seq.s32 s28, $0x0  }
0x29: {  	p1 =	sne.s32 @!p0 s0, $0x0  }
0x2a: {  	p1 =	por p1, p0  }
0x2b: {  	s0 =	sshll.u32 @!p1 s28, $0x8  }
0x2c: {  	s2 =	simm.s32 @!p1 $0x0;
	s10 =	simm.s32 @!p1 $0x14000;
	s0 =	sadd.s32 @!p1 s3, s0  }
0x2d: {  	[tilespmem:s10], [sflag:$0x9] =	stream.linear.gather @!p1 [hbm4b:s0+s2], $0x4000, $0x38;
	[tilespmem:$0x18000] =	vst v63  }
0x2e: {  	s0 =	simm.s32 @!p1 $0x9  }
0x2f: {  	_ =	swait.ge @!p1 [sflag:s0], $0x4000  }
0x30: {  	[sflag:s0] =	ssyncset.done @!p1 $0x0  }
0x31: {  	[sflag:s0] =	ssyncadd.s32 @!p1 $0xFFFFC000  }
0x32: {  	_ =	swait.ge [sflag:s17], $0x4000  }
0x33: {  	[sflag:s17] =	ssyncset.done $0x0  }
0x34: {  	s29 =	simm.s32 $0x4100;
	[sflag:s17] =	ssyncadd.s32 $0xFFFFC000  }
0x35: {  	v0 =	vld [tilespmem:s29+$0x80]  }
0x36: {  	s30 =	simm.s32 $0x14100;
	v1 =	vld [tilespmem:s29+$0xFFFFFF80]  }
0x37: {  	v2 =	vld [tilespmem:s30+$0x80]  }
0x38: {  	v3 =	vld [tilespmem:s29+$0xFFFFFF00]  }
0x39: {  	v4 =	vld [tilespmem:s29+$0x0]  }
0x3a: {  	v5 =	vld [tilespmem:s30+$0xFFFFFF00]  }
0x3b: {  	v6 =	vld [tilespmem:s30+$0xFFFFFF80]  }
0x3c: {  	v7 =	vld [tilespmem:s30+$0x0]  }
0x3d: {  	s31 =	simm.s32 $0x4300;
	v8 =	vld [tilespmem:s29+$0xFFFFFF10]  }
0x3e: {  	s0 =	simm.s32 $0x14300;
	v10 =	vld [tilespmem:s31+$0xFFFFFF80];
	v0 =	vmul.f32 $1.131370830e+01, v0  }
0x3f: {  	v11 =	vld [tilespmem:s0+$0x80]  }
0x40: {  	v12 =	vld [tilespmem:s31+$0xFFFFFF00];
	v3 =	vmul.f32 $1.131370830e+01, v3;
	v0 =	vadd.f32 v2, v0  }
0x41: {  	v2 =	vld [tilespmem:s29+$0x90]  }
0x42: {  	v13 =	vld [tilespmem:s31+$0x0];
	v1 =	vmul.f32 $1.131370830e+01, v1;
	v3 =	vadd.f32 v5, v3;
	[tilespmem:s29+$0x80] =	vst v0  }
0x43: {  	v0 =	vld [tilespmem:s30+$0x90]  }
0x44: {  	v4 =	vmul.f32 $1.131370830e+01, v4;
	v1 =	vadd.f32 v6, v1;
	v5 =	vld [tilespmem:s29+$0xFFFFFF90];
	[tilespmem:s29+$0xFFFFFF00] =	vst v3  }
0x45: {  	v3 =	vld [tilespmem:s30+$0xFFFFFF10]  }
0x46: {  	v6 =	vld [tilespmem:s29+$0x10];
	[tilespmem:s29+$0xFFFFFF80] =	vst v1;
	v1 =	vadd.f32 v7, v4;
	v2 =	vmul.f32 $1.131370830e+01, v2  }
0x47: {  	v4 =	vld [tilespmem:s30+$0xFFFFFF90]  }
0x48: {  	[tilespmem:s29+$0x0] =	vst v1;
	v1 =	vld [tilespmem:s29+$0xA0];
	v0 =	vadd.f32 v0, v2;
	v2 =	vmul.f32 $1.131370830e+01, v8  }
0x49: {  	v8 =	vld [tilespmem:s30+$0x10]  }
0x4a: {  	v7 =	vld [tilespmem:s29+$0xFFFFFF20];
	v5 =	vmul.f32 $1.131370830e+01, v5;
	[tilespmem:s29+$0x90] =	vst v0;
	v2 =	vadd.f32 v3, v2  }
0x4b: {  	v0 =	vld [tilespmem:s30+$0xA0]  }
0x4c: {  	v4 =	vadd.f32 v4, v5;
	v5 =	vmul.f32 $1.131370830e+01, v6;
	v3 =	vld [tilespmem:s29+$0xFFFFFFA0];
	[tilespmem:s29+$0xFFFFFF10] =	vst v2  }
0x4d: {  	v2 =	vld [tilespmem:s30+$0xFFFFFF20]  }
0x4e: {  	v6 =	vld [tilespmem:s29+$0x20];
	v1 =	vmul.f32 $1.131370830e+01, v1;
	[tilespmem:s29+$0xFFFFFF90] =	vst v4;
	v4 =	vadd.f32 v8, v5  }
0x4f: {  	v5 =	vld [tilespmem:s30+$0xFFFFFFA0]  }
0x50: {  	[tilespmem:s29+$0x10] =	vst v4;
	v4 =	vld [tilespmem:s29+$0xB0];
	v0 =	vadd.f32 v0, v1;
	v1 =	vmul.f32 $1.131370830e+01, v7  }
0x51: {  	v7 =	vld [tilespmem:s30+$0x20]  }
0x52: {  	v8 =	vld [tilespmem:s29+$0xFFFFFF30];
	v3 =	vmul.f32 $1.131370830e+01, v3;
	[tilespmem:s29+$0xA0] =	vst v0;
	v1 =	vadd.f32 v2, v1  }
0x53: {  	v0 =	vld [tilespmem:s30+$0xB0]  }
0x54: {  	v2 =	vld [tilespmem:s29+$0xFFFFFFB0];
	v3 =	vadd.f32 v5, v3;
	v5 =	vmul.f32 $1.131370830e+01, v6;
	[tilespmem:s29+$0xFFFFFF20] =	vst v1  }
0x55: {  	v1 =	vmul.f32 $1.131370830e+01, v4;
	v4 =	vld [tilespmem:s30+$0xFFFFFF30]  }
0x56: {  	v6 =	vld [tilespmem:s29+$0x30];
	[tilespmem:s29+$0xFFFFFFA0] =	vst v3;
	v3 =	vadd.f32 v7, v5  }
0x57: {  	v5 =	vld [tilespmem:s30+$0xFFFFFFB0]  }
0x58: {  	[tilespmem:s29+$0x20] =	vst v3;
	v3 =	vld [tilespmem:s29+$0xC0];
	v0 =	vadd.f32 v0, v1;
	v1 =	vmul.f32 $1.131370830e+01, v8  }
0x59: {  	v8 =	vld [tilespmem:s30+$0x30]  }
0x5a: {  	v7 =	vld [tilespmem:s29+$0xFFFFFF40];
	v2 =	vmul.f32 $1.131370830e+01, v2;
	[tilespmem:s29+$0xB0] =	vst v0;
	v1 =	vadd.f32 v4, v1  }
0x5b: {  	v0 =	vld [tilespmem:s30+$0xC0]  }
0x5c: {  	v4 =	vld [tilespmem:s29+$0xFFFFFFC0];
	v2 =	vadd.f32 v5, v2;
	v5 =	vmul.f32 $1.131370830e+01, v6;
	[tilespmem:s29+$0xFFFFFF30] =	vst v1  }
0x5d: {  	v1 =	vmul.f32 $1.131370830e+01, v3;
	v3 =	vld [tilespmem:s30+$0xFFFFFF40]  }
0x5e: {  	v6 =	vld [tilespmem:s29+$0x40];
	[tilespmem:s29+$0xFFFFFFB0] =	vst v2;
	v2 =	vadd.f32 v8, v5  }
0x5f: {  	v5 =	vld [tilespmem:s30+$0xFFFFFFC0]  }
0x60: {  	[tilespmem:s29+$0x30] =	vst v2;
	v2 =	vld [tilespmem:s29+$0xD0];
	v0 =	vadd.f32 v0, v1;
	v1 =	vmul.f32 $1.131370830e+01, v7  }
0x61: {  	v8 =	vld [tilespmem:s29+$0xFFFFFF50]  }
0x62: {  	v7 =	vld [tilespmem:s30+$0x40];
	[tilespmem:s29+$0xC0] =	vst v0;
	v1 =	vadd.f32 v3, v1  }
0x63: {  	v4 =	vmul.f32 $1.131370830e+01, v4;
	v0 =	vld [tilespmem:s30+$0xD0]  }
0x64: {  	v14 =	vld [tilespmem:s0+$0xFFFFFF00];
	[tilespmem:s29+$0xFFFFFF40] =	vst v1  }
0x65: {  	v4 =	vadd.f32 v5, v4;
	v5 =	vmul.f32 $1.131370830e+01, v6;
	v1 =	vmul.f32 $1.131370830e+01, v2;
	v2 =	vld [tilespmem:s30+$0xFFFFFF50]  }
0x66: {  	v15 =	vld [tilespmem:s0+$0xFFFFFF80]  }
0x67: {  	v16 =	vld [tilespmem:s0+$0x0];
	[tilespmem:s29+$0xFFFFFFC0] =	vst v4;
	v4 =	vadd.f32 v7, v5  }
0x68: {  	v17 =	vld [tilespmem:s31+$0xFFFFFF10];
	v0 =	vadd.f32 v0, v1;
	v1 =	vmul.f32 $1.131370830e+01, v8  }
0x69: {  	[tilespmem:s29+$0x40] =	vst v4;
	v4 =	vld [tilespmem:s29+$0xE0]  }
0x6a: {  	v7 =	vld [tilespmem:s29+$0xFFFFFF60];
	[tilespmem:s29+$0xD0] =	vst v0;
	v1 =	vadd.f32 v2, v1  }
0x6b: {  	v0 =	vld [tilespmem:s30+$0xE0]  }
0x6c: {  	v26 =	vld [tilespmem:s31+$0xFFFFFF90];
	[tilespmem:s29+$0xFFFFFF50] =	vst v1  }
0x6d: {  	v9 =	vld [tilespmem:s30+$0xFFFFFF60]  }
0x6e: {  	v27 =	vld [tilespmem:s31+$0x10];
	v1 =	vmul.f32 $1.131370830e+01, v4  }
0x6f: {  	v28 =	vld [tilespmem:s31+$0xFFFFFF20]  }
0x70: {  	v29 =	vld [tilespmem:s31+$0xA0];
	v0 =	vadd.f32 v0, v1;
	v1 =	vmul.f32 $1.131370830e+01, v7  }
0x71: {  	v32 =	vld [tilespmem:s31+$0xFFFFFFA0]  }
0x72: {  	v36 =	vld [tilespmem:s31+$0xB0];
	v9 =	vadd.f32 v9, v1  }
0x73: {  	v39 =	vld [tilespmem:s31+$0xFFFFFFB0]  }
0x74: {  	[tilespmem:s29+$0xFFFFFF60] =	vst v9;
	v9 =	vld [tilespmem:s31+$0x80]  }
0x75: {  	v40 =	vld [tilespmem:s31+$0x30]  }
0x76: {  	v47 =	vld [tilespmem:s31+$0xFFFFFFC0]  }
0x77: {  	v48 =	vld [tilespmem:s31+$0x40]  }
0x78: {  	v49 =	vld [tilespmem:s31+$0xFFFFFF50]  }
0x79: {  	v51 =	vld [tilespmem:s31+$0xD0];
	v9 =	vmul.f32 $1.131370830e+01, v9  }
0x7a: {  	v54 =	vld [tilespmem:s31+$0x50]  }
0x7b: {  	v57 =	vld [tilespmem:s31+$0xE0];
	v9 =	vadd.f32 v11, v9  }
0x7c: {  	v12 =	vmul.f32 $1.131370830e+01, v12;
	v11 =	vld [tilespmem:s31+$0x90]  }
0x7d: {  	v59 =	vld [tilespmem:s31+$0xFFFFFFE0];
	v13 =	vmul.f32 $1.131370830e+01, v13;
	[tilespmem:s31+$0x80] =	vst v9  }
0x7e: {  	v12 =	vadd.f32 v14, v12;
	v9 =	vmul.f32 $1.131370830e+01, v10;
	v10 =	vld [tilespmem:s0+$0x90]  }
0x7f: {  	v60 =	vld [tilespmem:s31+$0x60];
	v13 =	vadd.f32 v16, v13  }
0x80: {  	v61 =	vld [tilespmem:s31+$0xFFFFFF70];
	[tilespmem:s31+$0xFFFFFF00] =	vst v12;
	v9 =	vadd.f32 v15, v9  }
0x81: {  	[tilespmem:s31+$0x0] =	vst v13;
	v12 =	vld [tilespmem:s0+$0xFFFFFF10];
	v11 =	vmul.f32 $1.131370830e+01, v11  }
0x82: {  	v30 =	vld [tilespmem:s0+$0x10];
	[tilespmem:s31+$0xFFFFFF80] =	vst v9  }
0x83: {  	v9 =	vld [tilespmem:s0+$0xFFFFFF90];
	v10 =	vadd.f32 v10, v11  }
0x84: {  	v3 =	vld [tilespmem:s29+$0xFFFFFFD0]  }
0x85: {  	v6 =	vld [tilespmem:s29+$0x50];
	v11 =	vmul.f32 $1.131370830e+01, v17;
	[tilespmem:s31+$0x90] =	vst v10  }
0x86: {  	v10 =	vmul.f32 $1.131370830e+01, v26;
	v31 =	vld [tilespmem:s0+$0xA0]  }
0x87: {  	v5 =	vld [tilespmem:s30+$0xFFFFFFD0];
	v11 =	vadd.f32 v12, v11  }
0x88: {  	v8 =	vld [tilespmem:s30+$0x50];
	v15 =	vmul.f32 $1.131370830e+01, v27;
	v9 =	vadd.f32 v9, v10  }
0x89: {  	v10 =	vld [tilespmem:s31+$0x20];
	[tilespmem:s31+$0xFFFFFF10] =	vst v11;
	v11 =	vmul.f32 $1.131370830e+01, v29  }
0x8a: {  	v15 =	vadd.f32 v30, v15;
	v33 =	vld [tilespmem:s0+$0xFFFFFF20];
	[tilespmem:s31+$0xFFFFFF90] =	vst v9  }
0x8b: {  	v34 =	vld [tilespmem:s0+$0xFFFFFFA0];
	v11 =	vadd.f32 v31, v11  }
0x8c: {  	v2 =	vld [tilespmem:s29+$0xFFFFFFE0];
	[tilespmem:s31+$0x10] =	vst v15  }
0x8d: {  	v35 =	vmul.f32 $1.131370830e+01, v28;
	v3 =	vmul.f32 $1.131370830e+01, v3;
	v37 =	vld [tilespmem:s0+$0x20];
	[tilespmem:s31+$0xA0] =	vst v11  }
0x8e: {  	v11 =	vmul.f32 $1.131370830e+01, v32;
	v38 =	vld [tilespmem:s0+$0xB0]  }
0x8f: {  	v5 =	vadd.f32 v5, v3;
	v3 =	vld [tilespmem:s29+$0x60];
	v13 =	vadd.f32 v33, v35  }
0x90: {  	v9 =	vld [tilespmem:s31+$0xFFFFFF30];
	v10 =	vmul.f32 $1.131370830e+01, v10;
	v11 =	vadd.f32 v34, v11  }
0x91: {  	v41 =	vmul.f32 $1.131370830e+01, v36;
	v4 =	vld [tilespmem:s29+$0xFFFFFF70];
	[tilespmem:s31+$0xFFFFFF20] =	vst v13  }
0x92: {  	v10 =	vadd.f32 v37, v10;
	v42 =	vld [tilespmem:s0+$0xFFFFFF30];
	[tilespmem:s31+$0xFFFFFFA0] =	vst v11  }
0x93: {  	v43 =	vld [tilespmem:s0+$0xFFFFFFB0];
	v12 =	vadd.f32 v38, v41  }
0x94: {  	[tilespmem:s31+$0x20] =	vst v10;
	v10 =	vld [tilespmem:s31+$0xC0]  }
0x95: {  	v6 =	vmul.f32 $1.131370830e+01, v6;
	v9 =	vmul.f32 $1.131370830e+01, v9;
	v44 =	vld [tilespmem:s0+$0x30];
	[tilespmem:s31+$0xB0] =	vst v12  }
0x96: {  	v45 =	vmul.f32 $1.131370830e+01, v39;
	[tilespmem:s29+$0xFFFFFFD0] =	vst v5;
	v46 =	vld [tilespmem:s0+$0xC0]  }
0x97: {  	v5 =	vadd.f32 v8, v6;
	v6 =	vld [tilespmem:s30+$0xFFFFFFE0];
	v9 =	vadd.f32 v42, v9  }
0x98: {  	v17 =	vmul.f32 $1.131370830e+01, v40;
	v11 =	vld [tilespmem:s31+$0xFFFFFF40];
	v12 =	vadd.f32 v43, v45  }
0x99: {  	v8 =	vld [tilespmem:s29+$0xF0];
	[tilespmem:s31+$0xFFFFFF30] =	vst v9;
	v9 =	vmul.f32 $1.131370830e+01, v10  }
0x9a: {  	v13 =	vadd.f32 v44, v17;
	v10 =	vld [tilespmem:s0+$0xFFFFFF40];
	[tilespmem:s31+$0xFFFFFFB0] =	vst v12  }
0x9b: {  	[tilespmem:s29+$0x50] =	vst v5;
	v50 =	vld [tilespmem:s0+$0xFFFFFFC0];
	v9 =	vadd.f32 v46, v9  }
0x9c: {  	v7 =	vld [tilespmem:s30+$0x60];
	[tilespmem:s31+$0x30] =	vst v13  }
0x9d: {  	v11 =	vmul.f32 $1.131370830e+01, v11;
	v52 =	vld [tilespmem:s0+$0x40];
	[tilespmem:s31+$0xC0] =	vst v9  }
0x9e: {  	v9 =	vmul.f32 $1.131370830e+01, v47;
	v53 =	vld [tilespmem:s0+$0xD0]  }
0x9f: {  	v1 =	vld [tilespmem:s29+$0xFFFFFFF0];
	v10 =	vadd.f32 v10, v11  }
0xa0: {  	v16 =	vmul.f32 $1.131370830e+01, v48;
	[tilespmem:s29+$0xE0] =	vst v0;
	v0 =	vld [tilespmem:s29+$0x70];
	v9 =	vadd.f32 v50, v9  }
0xa1: {  	v11 =	vld [tilespmem:s31+$0xFFFFFFD0];
	[tilespmem:s31+$0xFFFFFF40] =	vst v10;
	v10 =	vmul.f32 $1.131370830e+01, v51  }
0xa2: {  	v14 =	vadd.f32 v52, v16;
	v55 =	vld [tilespmem:s0+$0xFFFFFF50];
	[tilespmem:s31+$0xFFFFFFC0] =	vst v9  }
0xa3: {  	v56 =	vld [tilespmem:s0+$0xFFFFFFD0];
	v10 =	vadd.f32 v53, v10  }
0xa4: {  	v2 =	vmul.f32 $1.131370830e+01, v2;
	v5 =	vld [tilespmem:s30+$0xF0];
	[tilespmem:s31+$0x40] =	vst v14  }
0xa5: {  	v12 =	vmul.f32 $1.131370830e+01, v49;
	v58 =	vld [tilespmem:s0+$0x50];
	[tilespmem:s31+$0xD0] =	vst v10  }
0xa6: {  	v2 =	vadd.f32 v6, v2;
	v10 =	vmul.f32 $1.131370830e+01, v11;
	v11 =	vld [tilespmem:s0+$0xE0]  }
0xa7: {  	v6 =	vld [tilespmem:s30+$0xFFFFFF70];
	v12 =	vadd.f32 v55, v12  }
0xa8: {  	[tilespmem:s29+$0xFFFFFFE0] =	vst v2;
	v17 =	vmul.f32 $1.131370830e+01, v54;
	v9 =	vld [tilespmem:s31+$0xFFFFFF60];
	v10 =	vadd.f32 v56, v10  }
0xa9: {  	v2 =	vld [tilespmem:s30+$0xFFFFFFF0];
	v14 =	vmul.f32 $1.131370830e+01, v57;
	[tilespmem:s31+$0xFFFFFF50] =	vst v12  }
0xaa: {  	v3 =	vmul.f32 $1.131370830e+01, v3;
	v62 =	vld [tilespmem:s0+$0xFFFFFF60];
	[tilespmem:s31+$0xFFFFFFD0] =	vst v10;
	v10 =	vadd.f32 v58, v17  }
0xab: {  	v8 =	vmul.f32 $1.131370830e+01, v8;
	v63 =	vld [tilespmem:s0+$0xFFFFFFE0];
	v11 =	vadd.f32 v11, v14  }
0xac: {  	v4 =	vmul.f32 $1.131370830e+01, v4;
	v3 =	vadd.f32 v7, v3;
	v7 =	vld [tilespmem:s31+$0xF0];
	[tilespmem:s31+$0x50] =	vst v10  }
0xad: {  	v5 =	vadd.f32 v5, v8;
	v8 =	vmul.f32 $1.131370830e+01, v9;
	v9 =	vld [tilespmem:s0+$0x60];
	[tilespmem:s31+$0xE0] =	vst v11  }
0xae: {  	[tilespmem:s29+$0x60] =	vst v3;
	v3 =	vadd.f32 v6, v4;
	v6 =	vmul.f32 $1.131370830e+01, v59;
	v10 =	vld [tilespmem:s0+$0xF0]  }
0xaf: {  	v1 =	vmul.f32 $1.131370830e+01, v1;
	[tilespmem:s29+$0xF0] =	vst v5;
	v4 =	vld [tilespmem:s31+$0xFFFFFFF0];
	v5 =	vadd.f32 v62, v8  }
0xb0: {  	[tilespmem:s29+$0xFFFFFF70] =	vst v3;
	v3 =	vld [tilespmem:s31+$0x70];
	v8 =	vmul.f32 $1.131370830e+01, v60;
	v6 =	vadd.f32 v63, v6  }
0xb1: {  	v1 =	vadd.f32 v2, v1;
	v7 =	vmul.f32 $1.131370830e+01, v7;
	[tilespmem:s31+$0xFFFFFF60] =	vst v5;
	v5 =	vld [tilespmem:s30+$0x70]  }
0xb2: {  	v2 =	vld [tilespmem:s0+$0xFFFFFF70];
	[tilespmem:s31+$0xFFFFFFE0] =	vst v6;
	v8 =	vadd.f32 v9, v8  }
0xb3: {  	s13 =	simm.s32 $0x4500;
	s2 =	simm.s32 $0x4;
	s10 =	simm.s32 $0x14300;
	v0 =	vmul.f32 $1.131370830e+01, v0;
	[tilespmem:s29+$0xFFFFFFF0] =	vst v1;
	v1 =	vmul.f32 $1.131370830e+01, v61;
	v6 =	vld [tilespmem:s0+$0xFFFFFFF0];
	v7 =	vadd.f32 v10, v7  }
.LBB2_3:
0xb4: {  	v9 =	vld [tilespmem:s13+$0x80];
	s2 =	sadd.s32 $0x4, s2;
	v4 =	vmul.f32 $1.131370830e+01, v4;
	[tilespmem:s31+$0x60] =	vst v8  }
0xb5: {  	s0 =	sadd.s32 $0x200, s0;
	v8 =	vld [tilespmem:s13+$0xFFFFFF80];
	p1 =	slt.u32 s2, $0x7C;
	v3 =	vmul.f32 $1.131370830e+01, v3;
	[tilespmem:s31+$0xF0] =	vst v7  }
0xb6: {  	v7 =	vld [tilespmem:s0+$0x80];
	v5 =	vadd.f32 v5, v0  }
0xb7: {  	v10 =	vld [tilespmem:s13+$0x0];
	v1 =	vadd.f32 v2, v1;
	v0 =	vmov v3  }
0xb8: {  	v2 =	vld [tilespmem:s13+$0xFFFFFF00];
	v3 =	vadd.f32 v6, v4;
	[tilespmem:s29+$0x70] =	vst v5;
	s29 =	smov.u32 s31;
	s31 =	smov.u32 s13  }
0xb9: {  	v4 =	vld [tilespmem:s0+$0xFFFFFF00];
	v5 =	vmul.f32 $1.131370830e+01, v9;
	[tilespmem:s29+$0xFFFFFF70] =	vst v1  }
0xba: {  	v1 =	vmul.f32 $1.131370830e+01, v8;
	v6 =	vld [tilespmem:s0+$0xFFFFFF80];
	[tilespmem:s29+$0xFFFFFFF0] =	vst v3  }
0xbb: {  	v3 =	vld [tilespmem:s0+$0x0];
	v5 =	vadd.f32 v7, v5  }
0xbc: {  	v7 =	vmul.f32 $1.131370830e+01, v10;
	v8 =	vld [tilespmem:s13+$0x90]  }
0xbd: {  	v2 =	vmul.f32 $1.131370830e+01, v2;
	v9 =	vld [tilespmem:s13+$0xFFFFFF10];
	[tilespmem:s13+$0x80] =	vst v5  }
0xbe: {  	v5 =	vld [tilespmem:s0+$0x90]  }
0xbf: {  	v2 =	vadd.f32 v4, v2;
	v1 =	vadd.f32 v6, v1;
	v4 =	vld [tilespmem:s13+$0xFFFFFF90]  }
0xc0: {  	v3 =	vadd.f32 v3, v7;
	v6 =	vld [tilespmem:s13+$0x10]  }
0xc1: {  	[tilespmem:s13+$0xFFFFFF00] =	vst v2;
	v2 =	vld [tilespmem:s13+$0xFFFFFF20];
	v7 =	vmul.f32 $1.131370830e+01, v8  }
0xc2: {  	v8 =	vmul.f32 $1.131370830e+01, v9;
	v9 =	vld [tilespmem:s0+$0xFFFFFF10];
	[tilespmem:s13+$0xFFFFFF80] =	vst v1  }
0xc3: {  	v1 =	vld [tilespmem:s0+$0xFFFFFF90];
	[tilespmem:s13+$0x0] =	vst v3;
	v3 =	vadd.f32 v5, v7  }
0xc4: {  	v4 =	vmul.f32 $1.131370830e+01, v4;
	v5 =	vld [tilespmem:s13+$0xA0]  }
0xc5: {  	v6 =	vmul.f32 $1.131370830e+01, v6;
	v7 =	vld [tilespmem:s0+$0x10];
	[tilespmem:s13+$0x90] =	vst v3  }
0xc6: {  	v2 =	vmul.f32 $1.131370830e+01, v2;
	v3 =	vld [tilespmem:s0+$0xA0]  }
0xc7: {  	v8 =	vadd.f32 v9, v8;
	v9 =	vld [tilespmem:s13+$0xFFFFFFA0]  }
0xc8: {  	v1 =	vadd.f32 v1, v4;
	v4 =	vld [tilespmem:s13+$0x20]  }
0xc9: {  	[tilespmem:s13+$0xFFFFFF10] =	vst v8;
	v8 =	vld [tilespmem:s13+$0xFFFFFF30];
	v5 =	vmul.f32 $1.131370830e+01, v5  }
0xca: {  	v10 =	vld [tilespmem:s0+$0xFFFFFF20];
	[tilespmem:s13+$0xFFFFFF90] =	vst v1;
	v1 =	vadd.f32 v7, v6  }
0xcb: {  	v6 =	vld [tilespmem:s0+$0xFFFFFFA0];
	v3 =	vadd.f32 v3, v5  }
0xcc: {  	v5 =	vmul.f32 $1.131370830e+01, v9;
	[tilespmem:s13+$0x10] =	vst v1;
	v1 =	vld [tilespmem:s13+$0xB0]  }
0xcd: {  	v4 =	vmul.f32 $1.131370830e+01, v4;
	v7 =	vld [tilespmem:s0+$0x20];
	[tilespmem:s13+$0xA0] =	vst v3  }
0xce: {  	v3 =	vmul.f32 $1.131370830e+01, v8;
	v8 =	vld [tilespmem:s0+$0xB0]  }
0xcf: {  	v2 =	vadd.f32 v10, v2;
	v9 =	vld [tilespmem:s13+$0xFFFFFFB0]  }
0xd0: {  	v5 =	vadd.f32 v6, v5;
	v6 =	vld [tilespmem:s13+$0x30]  }
0xd1: {  	[tilespmem:s13+$0xFFFFFF20] =	vst v2;
	v2 =	vld [tilespmem:s13+$0xFFFFFF40];
	v1 =	vmul.f32 $1.131370830e+01, v1  }
0xd2: {  	v10 =	vld [tilespmem:s0+$0xFFFFFF30];
	[tilespmem:s13+$0xFFFFFFA0] =	vst v5;
	v4 =	vadd.f32 v7, v4  }
0xd3: {  	v5 =	vld [tilespmem:s0+$0xFFFFFFB0];
	v1 =	vadd.f32 v8, v1  }
0xd4: {  	v7 =	vmul.f32 $1.131370830e+01, v9;
	[tilespmem:s13+$0x20] =	vst v4;
	v4 =	vld [tilespmem:s13+$0xC0]  }
0xd5: {  	v6 =	vmul.f32 $1.131370830e+01, v6;
	v8 =	vld [tilespmem:s0+$0x30];
	[tilespmem:s13+$0xB0] =	vst v1  }
0xd6: {  	v1 =	vmul.f32 $1.131370830e+01, v2;
	v2 =	vld [tilespmem:s0+$0xC0]  }
0xd7: {  	v3 =	vadd.f32 v10, v3;
	v9 =	vld [tilespmem:s13+$0xFFFFFFC0]  }
0xd8: {  	v5 =	vadd.f32 v5, v7;
	v7 =	vld [tilespmem:s13+$0x40]  }
0xd9: {  	[tilespmem:s13+$0xFFFFFF30] =	vst v3;
	v3 =	vld [tilespmem:s13+$0xFFFFFF50];
	v4 =	vmul.f32 $1.131370830e+01, v4  }
0xda: {  	v10 =	vld [tilespmem:s0+$0xFFFFFF40];
	[tilespmem:s13+$0xFFFFFFB0] =	vst v5;
	v5 =	vadd.f32 v8, v6  }
0xdb: {  	v6 =	vld [tilespmem:s0+$0xFFFFFFC0];
	v2 =	vadd.f32 v2, v4  }
0xdc: {  	v4 =	vmul.f32 $1.131370830e+01, v9;
	[tilespmem:s13+$0x30] =	vst v5;
	v5 =	vld [tilespmem:s13+$0xD0]  }
0xdd: {  	v7 =	vmul.f32 $1.131370830e+01, v7;
	v8 =	vld [tilespmem:s0+$0x40];
	[tilespmem:s13+$0xC0] =	vst v2  }
0xde: {  	v2 =	vmul.f32 $1.131370830e+01, v3;
	v3 =	vld [tilespmem:s0+$0xD0]  }
0xdf: {  	v1 =	vadd.f32 v10, v1;
	v9 =	vld [tilespmem:s13+$0xFFFFFFD0]  }
0xe0: {  	v4 =	vadd.f32 v6, v4;
	v6 =	vld [tilespmem:s13+$0x50]  }
0xe1: {  	[tilespmem:s13+$0xFFFFFF40] =	vst v1;
	v1 =	vld [tilespmem:s13+$0xFFFFFF60];
	v5 =	vmul.f32 $1.131370830e+01, v5  }
0xe2: {  	v10 =	vld [tilespmem:s0+$0xFFFFFF50];
	[tilespmem:s13+$0xFFFFFFC0] =	vst v4;
	v4 =	vadd.f32 v8, v7  }
0xe3: {  	v7 =	vld [tilespmem:s0+$0xFFFFFFD0];
	v3 =	vadd.f32 v3, v5  }
0xe4: {  	v5 =	vmul.f32 $1.131370830e+01, v9;
	[tilespmem:s13+$0x40] =	vst v4;
	v4 =	vld [tilespmem:s13+$0xE0]  }
0xe5: {  	v6 =	vmul.f32 $1.131370830e+01, v6;
	v8 =	vld [tilespmem:s0+$0x50];
	[tilespmem:s13+$0xD0] =	vst v3  }
0xe6: {  	v3 =	vmul.f32 $1.131370830e+01, v1;
	v1 =	vld [tilespmem:s0+$0xE0]  }
0xe7: {  	v2 =	vadd.f32 v10, v2;
	v9 =	vld [tilespmem:s13+$0xFFFFFFE0]  }
0xe8: {  	v5 =	vadd.f32 v7, v5;
	v7 =	vld [tilespmem:s13+$0x60]  }
0xe9: {  	[tilespmem:s13+$0xFFFFFF50] =	vst v2;
	v2 =	vld [tilespmem:s13+$0xFFFFFF70];
	v4 =	vmul.f32 $1.131370830e+01, v4  }
0xea: {  	v10 =	vld [tilespmem:s0+$0xFFFFFF60];
	[tilespmem:s13+$0xFFFFFFD0] =	vst v5;
	v5 =	vadd.f32 v8, v6  }
0xeb: {  	v6 =	vld [tilespmem:s0+$0xFFFFFFE0];
	v1 =	vadd.f32 v1, v4  }
0xec: {  	v8 =	vmul.f32 $1.131370830e+01, v9;
	[tilespmem:s13+$0x50] =	vst v5;
	v5 =	vld [tilespmem:s13+$0xF0]  }
0xed: {  	v7 =	vmul.f32 $1.131370830e+01, v7;
	v9 =	vld [tilespmem:s0+$0x60];
	[tilespmem:s13+$0xE0] =	vst v1  }
0xee: {  	v1 =	vmul.f32 $1.131370830e+01, v2;
	v11 =	vld [tilespmem:s0+$0xF0]  }
.Ltmp2:
0xef: {  	v2 =	vadd.f32 v10, v3;
	v4 =	vld [tilespmem:s13+$0xFFFFFFF0];
	(pc) =	sbr.rel @p1 .LBB2_3-.Ltmp2, $4  }
0xf0: {  	v6 =	vadd.f32 v6, v8;
	v3 =	vld [tilespmem:s13+$0x70]  }
0xf1: {  	[tilespmem:s13+$0xFFFFFF60] =	vst v2;
	v10 =	vmul.f32 $1.131370830e+01, v5;
	v5 =	vld [tilespmem:s10+$0x70];
	s10 =	smov.u32 s0  }
0xf2: {  	v2 =	vld [tilespmem:s0+$0xFFFFFF70];
	[tilespmem:s13+$0xFFFFFFE0] =	vst v6;
	v8 =	vadd.f32 v9, v7  }
0xf3: {  	s13 =	sadd.s32 $0x200, s13;
	v6 =	vld [tilespmem:s0+$0xFFFFFFF0];
	v7 =	vadd.f32 v11, v10  }
0xf4: {  	[tilespmem:s31+$0x60] =	vst v8  }
0xf5: {  	v8 =	vld [tilespmem:s10+$0x70];
	_ =	sdelay $0x1  }
0xf6: {  	v4 =	vmul.f32 $1.131370830e+01, v4;
	s0 =	sshll.u32 s28, $0xB;
	s2 =	sshll.u32 s28, $0x4;
	v0 =	vadd.f32 v5, v0  }
0xf7: {  	v3 =	vmul.f32 $1.131370830e+01, v3;
	[tilespmem:s31+$0xF0] =	vst v7;
	s0 =	sand.u32 $0x3800, s0;
	s2 =	sand.u32 $0x180, s2;
	v1 =	vadd.f32 v2, v1  }
0xf8: {  	s0 =	sor.u32 s2, s0;
	v2 =	vadd.f32 v6, v4;
	[tilespmem:s29+$0x70] =	vst v0  }
0xf9: {  	s0 =	sor.u32 s5, s0;
	[tilespmem:s31+$0xFFFFFF70] =	vst v1;
	v0 =	vadd.f32 v8, v3  }
0xfa: {  	s30 =	sshll.u32 s0, $0x4;
	[tilespmem:s31+$0xFFFFFFF0] =	vst v2  }
0xfb: {  	s0 =	sadd.s32 s4, s30;
	[tilespmem:s31+$0x70] =	vst v0  }
0xfc: {  	[hbm4b:s0+s6] =	stream.linear.scatter [tilespmem:s12], [sflag:$0x5], $0x4000, $0x38;
	[tilespmem:$0x18000] =	vst v63  }
0xfd: {  	s2 =	sshll.u32 @!p0 s28, $0x4;
	s0 =	sshll.u32 @!p0 s28, $0xB  }
0xfe: {  	s10 =	simm.s32 @!p0 $0x8;
	s2 =	sand.u32 @!p0 $0x180, s2;
	s0 =	sand.u32 @!p0 $0x3800, s0  }
0xff: {  	_ =	swait.ge @!p0 [sflag:s10], $0x4000;
	s0 =	sor.u32 @!p0 s2, s0  }
0x100: {  	[sflag:s10] =	ssyncset.done @!p0 $0x0;
	s0 =	sor.u32 @!p0 $0x600, s0  }
0x101: {  	[sflag:s10] =	ssyncadd.s32 @!p0 $0xFFFFC000;
	s0 =	simm.s32 @p0 $0x600  }
0x102: {  	[tilespmem:s18], [sflag:$0x4] =	stream.indirect.gather [hbm4b:s1+s11], $0x80, s0, s11, $0xb8;
	[tilespmem:$0x18000] =	vst v63  }
0x103: {  	_ =	swait.ge [sflag:s19], $0x4000  }
0x104: {  	[sflag:s19] =	ssyncset.done $0x0  }
0x105: {  	s31 =	simm.s32 $0x8100;
	[sflag:s19] =	ssyncadd.s32 $0xFFFFC000  }
0x106: {  	v0 =	vld [tilespmem:s31+$0x80]  }
0x107: {  	s29 =	simm.s32 $0x14100;
	v1 =	vld [tilespmem:s31+$0xFFFFFF80]  }
0x108: {  	v2 =	vld [tilespmem:s29+$0x80]  }
0x109: {  	v3 =	vld [tilespmem:s31+$0xFFFFFF00]  }
0x10a: {  	v4 =	vld [tilespmem:s31+$0x0]  }
0x10b: {  	v5 =	vld [tilespmem:s29+$0xFFFFFF00]  }
0x10c: {  	v6 =	vld [tilespmem:s29+$0xFFFFFF80]  }
0x10d: {  	v7 =	vld [tilespmem:s29+$0x0]  }
0x10e: {  	s2 =	simm.s32 $0x8300;
	v8 =	vld [tilespmem:s31+$0xFFFFFF10]  }
0x10f: {  	s0 =	simm.s32 $0x14300;
	v10 =	vld [tilespmem:s2+$0xFFFFFF80];
	v0 =	vmul.f32 $1.131370830e+01, v0  }
0x110: {  	v11 =	vld [tilespmem:s0+$0x80]  }
0x111: {  	v12 =	vld [tilespmem:s2+$0xFFFFFF00];
	v3 =	vmul.f32 $1.131370830e+01, v3;
	v0 =	vadd.f32 v2, v0  }
0x112: {  	v2 =	vld [tilespmem:s31+$0x90]  }
0x113: {  	v13 =	vld [tilespmem:s2+$0x0];
	v1 =	vmul.f32 $1.131370830e+01, v1;
	v3 =	vadd.f32 v5, v3;
	[tilespmem:s31+$0x80] =	vst v0  }
0x114: {  	v0 =	vld [tilespmem:s29+$0x90]  }
0x115: {  	v4 =	vmul.f32 $1.131370830e+01, v4;
	v1 =	vadd.f32 v6, v1;
	v5 =	vld [tilespmem:s31+$0xFFFFFF90];
	[tilespmem:s31+$0xFFFFFF00] =	vst v3  }
0x116: {  	v3 =	vld [tilespmem:s29+$0xFFFFFF10]  }
0x117: {  	v6 =	vld [tilespmem:s31+$0x10];
	[tilespmem:s31+$0xFFFFFF80] =	vst v1;
	v1 =	vadd.f32 v7, v4;
	v2 =	vmul.f32 $1.131370830e+01, v2  }
0x118: {  	v4 =	vld [tilespmem:s29+$0xFFFFFF90]  }
0x119: {  	[tilespmem:s31+$0x0] =	vst v1;
	v1 =	vld [tilespmem:s31+$0xA0];
	v0 =	vadd.f32 v0, v2;
	v2 =	vmul.f32 $1.131370830e+01, v8  }
0x11a: {  	v8 =	vld [tilespmem:s29+$0x10]  }
0x11b: {  	v7 =	vld [tilespmem:s31+$0xFFFFFF20];
	v5 =	vmul.f32 $1.131370830e+01, v5;
	[tilespmem:s31+$0x90] =	vst v0;
	v2 =	vadd.f32 v3, v2  }
0x11c: {  	v0 =	vld [tilespmem:s29+$0xA0]  }
0x11d: {  	v4 =	vadd.f32 v4, v5;
	v5 =	vmul.f32 $1.131370830e+01, v6;
	v3 =	vld [tilespmem:s31+$0xFFFFFFA0];
	[tilespmem:s31+$0xFFFFFF10] =	vst v2  }
0x11e: {  	v2 =	vld [tilespmem:s29+$0xFFFFFF20]  }
0x11f: {  	v6 =	vld [tilespmem:s31+$0x20];
	v1 =	vmul.f32 $1.131370830e+01, v1;
	[tilespmem:s31+$0xFFFFFF90] =	vst v4;
	v4 =	vadd.f32 v8, v5  }
0x120: {  	v5 =	vld [tilespmem:s29+$0xFFFFFFA0]  }
0x121: {  	[tilespmem:s31+$0x10] =	vst v4;
	v4 =	vld [tilespmem:s31+$0xB0];
	v0 =	vadd.f32 v0, v1;
	v1 =	vmul.f32 $1.131370830e+01, v7  }
0x122: {  	v7 =	vld [tilespmem:s29+$0x20]  }
0x123: {  	v8 =	vld [tilespmem:s31+$0xFFFFFF30];
	v3 =	vmul.f32 $1.131370830e+01, v3;
	[tilespmem:s31+$0xA0] =	vst v0;
	v1 =	vadd.f32 v2, v1  }
0x124: {  	v0 =	vld [tilespmem:s29+$0xB0]  }
0x125: {  	v2 =	vld [tilespmem:s31+$0xFFFFFFB0];
	v3 =	vadd.f32 v5, v3;
	v5 =	vmul.f32 $1.131370830e+01, v6;
	[tilespmem:s31+$0xFFFFFF20] =	vst v1  }
0x126: {  	v1 =	vmul.f32 $1.131370830e+01, v4;
	v4 =	vld [tilespmem:s29+$0xFFFFFF30]  }
0x127: {  	v6 =	vld [tilespmem:s31+$0x30];
	[tilespmem:s31+$0xFFFFFFA0] =	vst v3;
	v3 =	vadd.f32 v7, v5  }
0x128: {  	v5 =	vld [tilespmem:s29+$0xFFFFFFB0]  }
0x129: {  	[tilespmem:s31+$0x20] =	vst v3;
	v3 =	vld [tilespmem:s31+$0xC0];
	v0 =	vadd.f32 v0, v1;
	v1 =	vmul.f32 $1.131370830e+01, v8  }
0x12a: {  	v8 =	vld [tilespmem:s29+$0x30]  }
0x12b: {  	v7 =	vld [tilespmem:s31+$0xFFFFFF40];
	v2 =	vmul.f32 $1.131370830e+01, v2;
	[tilespmem:s31+$0xB0] =	vst v0;
	v1 =	vadd.f32 v4, v1  }
0x12c: {  	v0 =	vld [tilespmem:s29+$0xC0]  }
0x12d: {  	v4 =	vld [tilespmem:s31+$0xFFFFFFC0];
	v2 =	vadd.f32 v5, v2;
	v5 =	vmul.f32 $1.131370830e+01, v6;
	[tilespmem:s31+$0xFFFFFF30] =	vst v1  }
0x12e: {  	v1 =	vmul.f32 $1.131370830e+01, v3;
	v3 =	vld [tilespmem:s29+$0xFFFFFF40]  }
0x12f: {  	v6 =	vld [tilespmem:s31+$0x40];
	[tilespmem:s31+$0xFFFFFFB0] =	vst v2;
	v2 =	vadd.f32 v8, v5  }
0x130: {  	v5 =	vld [tilespmem:s29+$0xFFFFFFC0]  }
0x131: {  	[tilespmem:s31+$0x30] =	vst v2;
	v2 =	vld [tilespmem:s31+$0xD0];
	v0 =	vadd.f32 v0, v1;
	v1 =	vmul.f32 $1.131370830e+01, v7  }
0x132: {  	v8 =	vld [tilespmem:s31+$0xFFFFFF50]  }
0x133: {  	v7 =	vld [tilespmem:s29+$0x40];
	[tilespmem:s31+$0xC0] =	vst v0;
	v1 =	vadd.f32 v3, v1  }
0x134: {  	v4 =	vmul.f32 $1.131370830e+01, v4;
	v0 =	vld [tilespmem:s29+$0xD0]  }
0x135: {  	v14 =	vld [tilespmem:s0+$0xFFFFFF00];
	[tilespmem:s31+$0xFFFFFF40] =	vst v1  }
0x136: {  	v4 =	vadd.f32 v5, v4;
	v5 =	vmul.f32 $1.131370830e+01, v6;
	v1 =	vmul.f32 $1.131370830e+01, v2;
	v2 =	vld [tilespmem:s29+$0xFFFFFF50]  }
0x137: {  	v15 =	vld [tilespmem:s0+$0xFFFFFF80]  }
0x138: {  	v16 =	vld [tilespmem:s0+$0x0];
	[tilespmem:s31+$0xFFFFFFC0] =	vst v4;
	v4 =	vadd.f32 v7, v5  }
0x139: {  	v17 =	vld [tilespmem:s2+$0xFFFFFF10];
	v0 =	vadd.f32 v0, v1;
	v1 =	vmul.f32 $1.131370830e+01, v8  }
0x13a: {  	[tilespmem:s31+$0x40] =	vst v4;
	v4 =	vld [tilespmem:s31+$0xE0]  }
0x13b: {  	v7 =	vld [tilespmem:s31+$0xFFFFFF60];
	[tilespmem:s31+$0xD0] =	vst v0;
	v1 =	vadd.f32 v2, v1  }
0x13c: {  	v0 =	vld [tilespmem:s29+$0xE0]  }
0x13d: {  	v26 =	vld [tilespmem:s2+$0xFFFFFF90];
	[tilespmem:s31+$0xFFFFFF50] =	vst v1  }
0x13e: {  	v9 =	vld [tilespmem:s29+$0xFFFFFF60]  }
0x13f: {  	v27 =	vld [tilespmem:s2+$0x10];
	v1 =	vmul.f32 $1.131370830e+01, v4  }
0x140: {  	v28 =	vld [tilespmem:s2+$0xFFFFFF20]  }
0x141: {  	v29 =	vld [tilespmem:s2+$0xA0];
	v0 =	vadd.f32 v0, v1;
	v1 =	vmul.f32 $1.131370830e+01, v7  }
0x142: {  	v32 =	vld [tilespmem:s2+$0xFFFFFFA0]  }
0x143: {  	v36 =	vld [tilespmem:s2+$0xB0];
	v9 =	vadd.f32 v9, v1  }
0x144: {  	v39 =	vld [tilespmem:s2+$0xFFFFFFB0]  }
0x145: {  	[tilespmem:s31+$0xFFFFFF60] =	vst v9;
	v9 =	vld [tilespmem:s2+$0x80]  }
0x146: {  	v40 =	vld [tilespmem:s2+$0x30]  }
0x147: {  	v47 =	vld [tilespmem:s2+$0xFFFFFFC0]  }
0x148: {  	v48 =	vld [tilespmem:s2+$0x40]  }
0x149: {  	v49 =	vld [tilespmem:s2+$0xFFFFFF50]  }
0x14a: {  	v51 =	vld [tilespmem:s2+$0xD0];
	v9 =	vmul.f32 $1.131370830e+01, v9  }
0x14b: {  	v54 =	vld [tilespmem:s2+$0x50]  }
0x14c: {  	v57 =	vld [tilespmem:s2+$0xE0];
	v9 =	vadd.f32 v11, v9  }
0x14d: {  	v12 =	vmul.f32 $1.131370830e+01, v12;
	v11 =	vld [tilespmem:s2+$0x90]  }
0x14e: {  	v59 =	vld [tilespmem:s2+$0xFFFFFFE0];
	v13 =	vmul.f32 $1.131370830e+01, v13;
	[tilespmem:s2+$0x80] =	vst v9  }
0x14f: {  	v12 =	vadd.f32 v14, v12;
	v9 =	vmul.f32 $1.131370830e+01, v10;
	v10 =	vld [tilespmem:s0+$0x90]  }
0x150: {  	v60 =	vld [tilespmem:s2+$0x60];
	v13 =	vadd.f32 v16, v13  }
0x151: {  	v61 =	vld [tilespmem:s2+$0xFFFFFF70];
	[tilespmem:s2+$0xFFFFFF00] =	vst v12;
	v9 =	vadd.f32 v15, v9  }
0x152: {  	[tilespmem:s2+$0x0] =	vst v13;
	v12 =	vld [tilespmem:s0+$0xFFFFFF10];
	v11 =	vmul.f32 $1.131370830e+01, v11  }
0x153: {  	v30 =	vld [tilespmem:s0+$0x10];
	[tilespmem:s2+$0xFFFFFF80] =	vst v9  }
0x154: {  	v9 =	vld [tilespmem:s0+$0xFFFFFF90];
	v10 =	vadd.f32 v10, v11  }
0x155: {  	v3 =	vld [tilespmem:s31+$0xFFFFFFD0]  }
0x156: {  	v6 =	vld [tilespmem:s31+$0x50];
	v11 =	vmul.f32 $1.131370830e+01, v17;
	[tilespmem:s2+$0x90] =	vst v10  }
0x157: {  	v10 =	vmul.f32 $1.131370830e+01, v26;
	v31 =	vld [tilespmem:s0+$0xA0]  }
0x158: {  	v5 =	vld [tilespmem:s29+$0xFFFFFFD0];
	v11 =	vadd.f32 v12, v11  }
0x159: {  	v8 =	vld [tilespmem:s29+$0x50];
	v15 =	vmul.f32 $1.131370830e+01, v27;
	v9 =	vadd.f32 v9, v10  }
0x15a: {  	v10 =	vld [tilespmem:s2+$0x20];
	[tilespmem:s2+$0xFFFFFF10] =	vst v11;
	v11 =	vmul.f32 $1.131370830e+01, v29  }
0x15b: {  	v15 =	vadd.f32 v30, v15;
	v33 =	vld [tilespmem:s0+$0xFFFFFF20];
	[tilespmem:s2+$0xFFFFFF90] =	vst v9  }
0x15c: {  	v34 =	vld [tilespmem:s0+$0xFFFFFFA0];
	v11 =	vadd.f32 v31, v11  }
0x15d: {  	v2 =	vld [tilespmem:s31+$0xFFFFFFE0];
	[tilespmem:s2+$0x10] =	vst v15  }
0x15e: {  	v35 =	vmul.f32 $1.131370830e+01, v28;
	v3 =	vmul.f32 $1.131370830e+01, v3;
	v37 =	vld [tilespmem:s0+$0x20];
	[tilespmem:s2+$0xA0] =	vst v11  }
0x15f: {  	v11 =	vmul.f32 $1.131370830e+01, v32;
	v38 =	vld [tilespmem:s0+$0xB0]  }
0x160: {  	v5 =	vadd.f32 v5, v3;
	v3 =	vld [tilespmem:s31+$0x60];
	v13 =	vadd.f32 v33, v35  }
0x161: {  	v9 =	vld [tilespmem:s2+$0xFFFFFF30];
	v10 =	vmul.f32 $1.131370830e+01, v10;
	v11 =	vadd.f32 v34, v11  }
0x162: {  	v41 =	vmul.f32 $1.131370830e+01, v36;
	v4 =	vld [tilespmem:s31+$0xFFFFFF70];
	[tilespmem:s2+$0xFFFFFF20] =	vst v13  }
0x163: {  	v10 =	vadd.f32 v37, v10;
	v42 =	vld [tilespmem:s0+$0xFFFFFF30];
	[tilespmem:s2+$0xFFFFFFA0] =	vst v11  }
0x164: {  	v43 =	vld [tilespmem:s0+$0xFFFFFFB0];
	v12 =	vadd.f32 v38, v41  }
0x165: {  	[tilespmem:s2+$0x20] =	vst v10;
	v10 =	vld [tilespmem:s2+$0xC0]  }
0x166: {  	v6 =	vmul.f32 $1.131370830e+01, v6;
	v9 =	vmul.f32 $1.131370830e+01, v9;
	v44 =	vld [tilespmem:s0+$0x30];
	[tilespmem:s2+$0xB0] =	vst v12  }
0x167: {  	v45 =	vmul.f32 $1.131370830e+01, v39;
	[tilespmem:s31+$0xFFFFFFD0] =	vst v5;
	v46 =	vld [tilespmem:s0+$0xC0]  }
0x168: {  	v5 =	vadd.f32 v8, v6;
	v6 =	vld [tilespmem:s29+$0xFFFFFFE0];
	v9 =	vadd.f32 v42, v9  }
0x169: {  	v17 =	vmul.f32 $1.131370830e+01, v40;
	v11 =	vld [tilespmem:s2+$0xFFFFFF40];
	v12 =	vadd.f32 v43, v45  }
0x16a: {  	v8 =	vld [tilespmem:s31+$0xF0];
	[tilespmem:s2+$0xFFFFFF30] =	vst v9;
	v9 =	vmul.f32 $1.131370830e+01, v10  }
0x16b: {  	v13 =	vadd.f32 v44, v17;
	v10 =	vld [tilespmem:s0+$0xFFFFFF40];
	[tilespmem:s2+$0xFFFFFFB0] =	vst v12  }
0x16c: {  	[tilespmem:s31+$0x50] =	vst v5;
	v50 =	vld [tilespmem:s0+$0xFFFFFFC0];
	v9 =	vadd.f32 v46, v9  }
0x16d: {  	v7 =	vld [tilespmem:s29+$0x60];
	[tilespmem:s2+$0x30] =	vst v13  }
0x16e: {  	v11 =	vmul.f32 $1.131370830e+01, v11;
	v52 =	vld [tilespmem:s0+$0x40];
	[tilespmem:s2+$0xC0] =	vst v9  }
0x16f: {  	v9 =	vmul.f32 $1.131370830e+01, v47;
	v53 =	vld [tilespmem:s0+$0xD0]  }
0x170: {  	v1 =	vld [tilespmem:s31+$0xFFFFFFF0];
	v10 =	vadd.f32 v10, v11  }
0x171: {  	v16 =	vmul.f32 $1.131370830e+01, v48;
	[tilespmem:s31+$0xE0] =	vst v0;
	v0 =	vld [tilespmem:s31+$0x70];
	v9 =	vadd.f32 v50, v9  }
0x172: {  	v11 =	vld [tilespmem:s2+$0xFFFFFFD0];
	[tilespmem:s2+$0xFFFFFF40] =	vst v10;
	v10 =	vmul.f32 $1.131370830e+01, v51  }
0x173: {  	v14 =	vadd.f32 v52, v16;
	v55 =	vld [tilespmem:s0+$0xFFFFFF50];
	[tilespmem:s2+$0xFFFFFFC0] =	vst v9  }
0x174: {  	v56 =	vld [tilespmem:s0+$0xFFFFFFD0];
	v10 =	vadd.f32 v53, v10  }
0x175: {  	v2 =	vmul.f32 $1.131370830e+01, v2;
	v5 =	vld [tilespmem:s29+$0xF0];
	[tilespmem:s2+$0x40] =	vst v14  }
0x176: {  	v12 =	vmul.f32 $1.131370830e+01, v49;
	v58 =	vld [tilespmem:s0+$0x50];
	[tilespmem:s2+$0xD0] =	vst v10  }
0x177: {  	v2 =	vadd.f32 v6, v2;
	v10 =	vmul.f32 $1.131370830e+01, v11;
	v11 =	vld [tilespmem:s0+$0xE0]  }
0x178: {  	v6 =	vld [tilespmem:s29+$0xFFFFFF70];
	v12 =	vadd.f32 v55, v12  }
0x179: {  	[tilespmem:s31+$0xFFFFFFE0] =	vst v2;
	v17 =	vmul.f32 $1.131370830e+01, v54;
	v9 =	vld [tilespmem:s2+$0xFFFFFF60];
	v10 =	vadd.f32 v56, v10  }
0x17a: {  	v2 =	vld [tilespmem:s29+$0xFFFFFFF0];
	v14 =	vmul.f32 $1.131370830e+01, v57;
	[tilespmem:s2+$0xFFFFFF50] =	vst v12  }
0x17b: {  	v3 =	vmul.f32 $1.131370830e+01, v3;
	v62 =	vld [tilespmem:s0+$0xFFFFFF60];
	[tilespmem:s2+$0xFFFFFFD0] =	vst v10;
	v10 =	vadd.f32 v58, v17  }
0x17c: {  	v8 =	vmul.f32 $1.131370830e+01, v8;
	v63 =	vld [tilespmem:s0+$0xFFFFFFE0];
	v11 =	vadd.f32 v11, v14  }
0x17d: {  	v4 =	vmul.f32 $1.131370830e+01, v4;
	v3 =	vadd.f32 v7, v3;
	v7 =	vld [tilespmem:s2+$0xF0];
	[tilespmem:s2+$0x50] =	vst v10  }
0x17e: {  	v5 =	vadd.f32 v5, v8;
	v8 =	vmul.f32 $1.131370830e+01, v9;
	v9 =	vld [tilespmem:s0+$0x60];
	[tilespmem:s2+$0xE0] =	vst v11  }
0x17f: {  	[tilespmem:s31+$0x60] =	vst v3;
	v3 =	vadd.f32 v6, v4;
	v6 =	vmul.f32 $1.131370830e+01, v59;
	v10 =	vld [tilespmem:s0+$0xF0]  }
0x180: {  	v1 =	vmul.f32 $1.131370830e+01, v1;
	[tilespmem:s31+$0xF0] =	vst v5;
	v4 =	vld [tilespmem:s2+$0xFFFFFFF0];
	v5 =	vadd.f32 v62, v8  }
0x181: {  	[tilespmem:s31+$0xFFFFFF70] =	vst v3;
	v3 =	vld [tilespmem:s2+$0x70];
	v8 =	vmul.f32 $1.131370830e+01, v60;
	v6 =	vadd.f32 v63, v6  }
0x182: {  	v1 =	vadd.f32 v2, v1;
	v7 =	vmul.f32 $1.131370830e+01, v7;
	v2 =	vld [tilespmem:s29+$0x70];
	[tilespmem:s2+$0xFFFFFF60] =	vst v5  }
0x183: {  	s15 =	simm.s32 $0x8500;
	v5 =	vld [tilespmem:s0+$0xFFFFFF70];
	[tilespmem:s2+$0xFFFFFFE0] =	vst v6;
	v8 =	vadd.f32 v9, v8  }
0x184: {  	s13 =	simm.s32 $0x14300;
	s10 =	simm.s32 $0x4;
	v0 =	vmul.f32 $1.131370830e+01, v0;
	s29 =	sshll.u32 s28, $0x2;
	[tilespmem:s31+$0xFFFFFFF0] =	vst v1;
	v1 =	vmul.f32 $1.131370830e+01, v61;
	v6 =	vld [tilespmem:s0+$0xFFFFFFF0];
	v7 =	vadd.f32 v10, v7  }
.LBB2_5:
0x185: {  	v9 =	vld [tilespmem:s15+$0x80];
	s10 =	sadd.s32 $0x4, s10;
	v4 =	vmul.f32 $1.131370830e+01, v4;
	[tilespmem:s2+$0x60] =	vst v8  }
0x186: {  	s0 =	sadd.s32 $0x200, s0;
	v8 =	vld [tilespmem:s15+$0xFFFFFF80];
	p0 =	slt.u32 s10, $0x7C;
	v3 =	vmul.f32 $1.131370830e+01, v3;
	[tilespmem:s2+$0xF0] =	vst v7  }
0x187: {  	v7 =	vld [tilespmem:s0+$0x80];
	v2 =	vadd.f32 v2, v0  }
0x188: {  	v10 =	vld [tilespmem:s15+$0x0];
	v1 =	vadd.f32 v5, v1;
	v0 =	vmov v3  }
0x189: {  	v3 =	vld [tilespmem:s15+$0xFFFFFF00];
	v4 =	vadd.f32 v6, v4;
	[tilespmem:s31+$0x70] =	vst v2;
	s31 =	smov.u32 s2;
	s2 =	smov.u32 s15  }
0x18a: {  	v2 =	vld [tilespmem:s0+$0xFFFFFF00];
	v5 =	vmul.f32 $1.131370830e+01, v9;
	[tilespmem:s31+$0xFFFFFF70] =	vst v1  }
0x18b: {  	v1 =	vmul.f32 $1.131370830e+01, v8;
	v6 =	vld [tilespmem:s0+$0xFFFFFF80];
	[tilespmem:s31+$0xFFFFFFF0] =	vst v4  }
0x18c: {  	v4 =	vld [tilespmem:s0+$0x0];
	v5 =	vadd.f32 v7, v5  }
0x18d: {  	v7 =	vmul.f32 $1.131370830e+01, v10;
	v8 =	vld [tilespmem:s15+$0x90]  }
0x18e: {  	v3 =	vmul.f32 $1.131370830e+01, v3;
	v9 =	vld [tilespmem:s15+$0xFFFFFF10];
	[tilespmem:s15+$0x80] =	vst v5  }
0x18f: {  	v5 =	vld [tilespmem:s0+$0x90]  }
0x190: {  	v2 =	vadd.f32 v2, v3;
	v1 =	vadd.f32 v6, v1;
	v3 =	vld [tilespmem:s15+$0xFFFFFF90]  }
0x191: {  	v4 =	vadd.f32 v4, v7;
	v6 =	vld [tilespmem:s15+$0x10]  }
0x192: {  	[tilespmem:s15+$0xFFFFFF00] =	vst v2;
	v2 =	vld [tilespmem:s15+$0xFFFFFF20];
	v7 =	vmul.f32 $1.131370830e+01, v8  }
0x193: {  	v8 =	vmul.f32 $1.131370830e+01, v9;
	v9 =	vld [tilespmem:s0+$0xFFFFFF10];
	[tilespmem:s15+$0xFFFFFF80] =	vst v1  }
0x194: {  	v1 =	vld [tilespmem:s0+$0xFFFFFF90];
	[tilespmem:s15+$0x0] =	vst v4;
	v4 =	vadd.f32 v5, v7  }
0x195: {  	v3 =	vmul.f32 $1.131370830e+01, v3;
	v5 =	vld [tilespmem:s15+$0xA0]  }
0x196: {  	v6 =	vmul.f32 $1.131370830e+01, v6;
	v7 =	vld [tilespmem:s0+$0x10];
	[tilespmem:s15+$0x90] =	vst v4  }
0x197: {  	v2 =	vmul.f32 $1.131370830e+01, v2;
	v4 =	vld [tilespmem:s0+$0xA0]  }
0x198: {  	v8 =	vadd.f32 v9, v8;
	v9 =	vld [tilespmem:s15+$0xFFFFFFA0]  }
0x199: {  	v1 =	vadd.f32 v1, v3;
	v3 =	vld [tilespmem:s15+$0x20]  }
0x19a: {  	[tilespmem:s15+$0xFFFFFF10] =	vst v8;
	v8 =	vld [tilespmem:s15+$0xFFFFFF30];
	v5 =	vmul.f32 $1.131370830e+01, v5  }
0x19b: {  	v10 =	vld [tilespmem:s0+$0xFFFFFF20];
	[tilespmem:s15+$0xFFFFFF90] =	vst v1;
	v1 =	vadd.f32 v7, v6  }
0x19c: {  	v6 =	vld [tilespmem:s0+$0xFFFFFFA0];
	v4 =	vadd.f32 v4, v5  }
0x19d: {  	v5 =	vmul.f32 $1.131370830e+01, v9;
	[tilespmem:s15+$0x10] =	vst v1;
	v1 =	vld [tilespmem:s15+$0xB0]  }
0x19e: {  	v3 =	vmul.f32 $1.131370830e+01, v3;
	v7 =	vld [tilespmem:s0+$0x20];
	[tilespmem:s15+$0xA0] =	vst v4  }
0x19f: {  	v4 =	vmul.f32 $1.131370830e+01, v8;
	v8 =	vld [tilespmem:s0+$0xB0]  }
0x1a0: {  	v2 =	vadd.f32 v10, v2;
	v9 =	vld [tilespmem:s15+$0xFFFFFFB0]  }
0x1a1: {  	v5 =	vadd.f32 v6, v5;
	v6 =	vld [tilespmem:s15+$0x30]  }
0x1a2: {  	[tilespmem:s15+$0xFFFFFF20] =	vst v2;
	v2 =	vld [tilespmem:s15+$0xFFFFFF40];
	v1 =	vmul.f32 $1.131370830e+01, v1  }
0x1a3: {  	v10 =	vld [tilespmem:s0+$0xFFFFFF30];
	[tilespmem:s15+$0xFFFFFFA0] =	vst v5;
	v3 =	vadd.f32 v7, v3  }
0x1a4: {  	v5 =	vld [tilespmem:s0+$0xFFFFFFB0];
	v1 =	vadd.f32 v8, v1  }
0x1a5: {  	v7 =	vmul.f32 $1.131370830e+01, v9;
	[tilespmem:s15+$0x20] =	vst v3;
	v3 =	vld [tilespmem:s15+$0xC0]  }
0x1a6: {  	v6 =	vmul.f32 $1.131370830e+01, v6;
	v8 =	vld [tilespmem:s0+$0x30];
	[tilespmem:s15+$0xB0] =	vst v1  }
0x1a7: {  	v1 =	vmul.f32 $1.131370830e+01, v2;
	v2 =	vld [tilespmem:s0+$0xC0]  }
0x1a8: {  	v4 =	vadd.f32 v10, v4;
	v9 =	vld [tilespmem:s15+$0xFFFFFFC0]  }
0x1a9: {  	v5 =	vadd.f32 v5, v7;
	v7 =	vld [tilespmem:s15+$0x40]  }
0x1aa: {  	[tilespmem:s15+$0xFFFFFF30] =	vst v4;
	v4 =	vld [tilespmem:s15+$0xFFFFFF50];
	v3 =	vmul.f32 $1.131370830e+01, v3  }
0x1ab: {  	v10 =	vld [tilespmem:s0+$0xFFFFFF40];
	[tilespmem:s15+$0xFFFFFFB0] =	vst v5;
	v5 =	vadd.f32 v8, v6  }
0x1ac: {  	v6 =	vld [tilespmem:s0+$0xFFFFFFC0];
	v2 =	vadd.f32 v2, v3  }
0x1ad: {  	v3 =	vmul.f32 $1.131370830e+01, v9;
	[tilespmem:s15+$0x30] =	vst v5;
	v5 =	vld [tilespmem:s15+$0xD0]  }
0x1ae: {  	v7 =	vmul.f32 $1.131370830e+01, v7;
	v8 =	vld [tilespmem:s0+$0x40];
	[tilespmem:s15+$0xC0] =	vst v2  }
0x1af: {  	v2 =	vmul.f32 $1.131370830e+01, v4;
	v4 =	vld [tilespmem:s0+$0xD0]  }
0x1b0: {  	v1 =	vadd.f32 v10, v1;
	v9 =	vld [tilespmem:s15+$0xFFFFFFD0]  }
0x1b1: {  	v3 =	vadd.f32 v6, v3;
	v6 =	vld [tilespmem:s15+$0x50]  }
0x1b2: {  	[tilespmem:s15+$0xFFFFFF40] =	vst v1;
	v1 =	vld [tilespmem:s15+$0xFFFFFF60];
	v5 =	vmul.f32 $1.131370830e+01, v5  }
0x1b3: {  	v10 =	vld [tilespmem:s0+$0xFFFFFF50];
	[tilespmem:s15+$0xFFFFFFC0] =	vst v3;
	v3 =	vadd.f32 v8, v7  }
0x1b4: {  	v7 =	vld [tilespmem:s0+$0xFFFFFFD0];
	v4 =	vadd.f32 v4, v5  }
0x1b5: {  	v5 =	vmul.f32 $1.131370830e+01, v9;
	[tilespmem:s15+$0x40] =	vst v3;
	v3 =	vld [tilespmem:s15+$0xE0]  }
0x1b6: {  	v6 =	vmul.f32 $1.131370830e+01, v6;
	v8 =	vld [tilespmem:s0+$0x50];
	[tilespmem:s15+$0xD0] =	vst v4  }
0x1b7: {  	v4 =	vmul.f32 $1.131370830e+01, v1;
	v1 =	vld [tilespmem:s0+$0xE0]  }
0x1b8: {  	v2 =	vadd.f32 v10, v2;
	v9 =	vld [tilespmem:s15+$0xFFFFFFE0]  }
0x1b9: {  	v5 =	vadd.f32 v7, v5;
	v7 =	vld [tilespmem:s15+$0x60]  }
0x1ba: {  	[tilespmem:s15+$0xFFFFFF50] =	vst v2;
	v2 =	vld [tilespmem:s15+$0xFFFFFF70];
	v3 =	vmul.f32 $1.131370830e+01, v3  }
0x1bb: {  	v10 =	vld [tilespmem:s0+$0xFFFFFF60];
	[tilespmem:s15+$0xFFFFFFD0] =	vst v5;
	v5 =	vadd.f32 v8, v6  }
0x1bc: {  	v6 =	vld [tilespmem:s0+$0xFFFFFFE0];
	v1 =	vadd.f32 v1, v3  }
0x1bd: {  	v3 =	vmul.f32 $1.131370830e+01, v9;
	[tilespmem:s15+$0x50] =	vst v5;
	v5 =	vld [tilespmem:s15+$0xF0]  }
0x1be: {  	v7 =	vmul.f32 $1.131370830e+01, v7;
	v8 =	vld [tilespmem:s0+$0x60];
	[tilespmem:s15+$0xE0] =	vst v1  }
0x1bf: {  	v1 =	vmul.f32 $1.131370830e+01, v2;
	v9 =	vld [tilespmem:s0+$0xF0]  }
.Ltmp3:
0x1c0: {  	v2 =	vadd.f32 v10, v4;
	v4 =	vld [tilespmem:s15+$0xFFFFFFF0];
	(pc) =	sbr.rel @p0 .LBB2_5-.Ltmp3, $4  }
0x1c1: {  	v6 =	vadd.f32 v6, v3;
	v3 =	vld [tilespmem:s15+$0x70]  }
0x1c2: {  	[tilespmem:s15+$0xFFFFFF60] =	vst v2;
	v10 =	vmul.f32 $1.131370830e+01, v5;
	v2 =	vld [tilespmem:s13+$0x70];
	s13 =	smov.u32 s0  }
0x1c3: {  	v5 =	vld [tilespmem:s0+$0xFFFFFF70];
	[tilespmem:s15+$0xFFFFFFE0] =	vst v6;
	v8 =	vadd.f32 v8, v7  }
0x1c4: {  	s15 =	sadd.s32 $0x200, s15;
	v6 =	vld [tilespmem:s0+$0xFFFFFFF0];
	v7 =	vadd.f32 v9, v10  }
0x1c5: {  	[tilespmem:s2+$0x60] =	vst v8  }
0x1c6: {  	v8 =	vld [tilespmem:s13+$0x70];
	_ =	sdelay $0x1  }
0x1c7: {  	v4 =	vmul.f32 $1.131370830e+01, v4;
	v0 =	vadd.f32 v2, v0  }
0x1c8: {  	[tilespmem:s2+$0xF0] =	vst v7;
	v2 =	vmul.f32 $1.131370830e+01, v3;
	v1 =	vadd.f32 v5, v1  }
0x1c9: {  	v3 =	vadd.f32 v6, v4;
	[tilespmem:s31+$0x70] =	vst v0  }
0x1ca: {  	[tilespmem:s2+$0xFFFFFF70] =	vst v1;
	v0 =	vadd.f32 v8, v2  }
0x1cb: {  	s30 =	sadd.s32 s30, s4;
	[tilespmem:s2+$0xFFFFFFF0] =	vst v3  }
0x1cc: {  	p0 =	seq.s32 s28, $0x1F;
	s0 =	sadd.s32 $0x2000, s30;
	[tilespmem:s2+$0x70] =	vst v0  }
0x1cd: {  	[hbm4b:s0+s6] =	stream.linear.scatter [tilespmem:s14], [sflag:$0x6], $0x4000, $0x38;
	[tilespmem:$0x18000] =	vst v63  }
0x1ce: {  	s0 =	sadd.s32 @!p0 $0x4, s29  }
0x1cf: {  	s2 =	simm.s32 @!p0 $0x5;
	s10 =	sshll.u32 @!p0 s0, $0x2  }
0x1d0: {  	_ =	swait.ge @!p0 [sflag:s2], $0x4000;
	s0 =	sshrl.u32 @!p0 s0, $0x5;
	s10 =	sand.u32 @!p0 $0x70, s10  }
0x1d1: {  	[sflag:s2] =	ssyncset.done @!p0 $0x0;
	s0 =	sadd.s32 @!p0 s0, s10  }
0x1d2: {  	[sflag:s2] =	ssyncadd.s32 @!p0 $0xFFFFC000;
	s0 =	sshll.u32 @!p0 s0, $0x7  }
0x1d3: {  	s2 =	simm.s32 @!p0 $0x80;
	s10 =	simm.s32 @!p0 $0x4000;
	s0 =	sand.u32 @!p0 $0x3FFFFF80, s0  }
0x1d4: {  	[tilespmem:s10], [sflag:$0x1] =	stream.indirect.gather @!p0 [hbm4b:s1+s2], $0x80, s0, s2, $0xb8;
	[tilespmem:$0x18000] =	vst v63  }
0x1d5: {  	_ =	swait.ge [sflag:s20], $0x4000  }
0x1d6: {  	[sflag:s20] =	ssyncset.done $0x0  }
0x1d7: {  	s31 =	simm.s32 $0xC100;
	[sflag:s20] =	ssyncadd.s32 $0xFFFFC000  }
0x1d8: {  	v0 =	vld [tilespmem:s31+$0x80]  }
0x1d9: {  	s15 =	simm.s32 $0x14100;
	v1 =	vld [tilespmem:s31+$0xFFFFFF80]  }
0x1da: {  	v2 =	vld [tilespmem:s15+$0x80]  }
0x1db: {  	v3 =	vld [tilespmem:s31+$0xFFFFFF00]  }
0x1dc: {  	v4 =	vld [tilespmem:s31+$0x0]  }
0x1dd: {  	v5 =	vld [tilespmem:s15+$0xFFFFFF00]  }
0x1de: {  	v6 =	vld [tilespmem:s15+$0xFFFFFF80]  }
0x1df: {  	v7 =	vld [tilespmem:s15+$0x0]  }
0x1e0: {  	s2 =	simm.s32 $0xC300;
	v8 =	vld [tilespmem:s31+$0xFFFFFF10]  }
0x1e1: {  	s0 =	simm.s32 $0x14300;
	v10 =	vld [tilespmem:s2+$0xFFFFFF80];
	v0 =	vmul.f32 $1.131370830e+01, v0  }
0x1e2: {  	v11 =	vld [tilespmem:s0+$0x80]  }
0x1e3: {  	v12 =	vld [tilespmem:s2+$0xFFFFFF00];
	v3 =	vmul.f32 $1.131370830e+01, v3;
	v0 =	vadd.f32 v2, v0  }
0x1e4: {  	v2 =	vld [tilespmem:s31+$0x90]  }
0x1e5: {  	v13 =	vld [tilespmem:s2+$0x0];
	v1 =	vmul.f32 $1.131370830e+01, v1;
	v3 =	vadd.f32 v5, v3;
	[tilespmem:s31+$0x80] =	vst v0  }
0x1e6: {  	v0 =	vld [tilespmem:s15+$0x90]  }
0x1e7: {  	v4 =	vmul.f32 $1.131370830e+01, v4;
	v1 =	vadd.f32 v6, v1;
	v5 =	vld [tilespmem:s31+$0xFFFFFF90];
	[tilespmem:s31+$0xFFFFFF00] =	vst v3  }
0x1e8: {  	v3 =	vld [tilespmem:s15+$0xFFFFFF10]  }
0x1e9: {  	v6 =	vld [tilespmem:s31+$0x10];
	[tilespmem:s31+$0xFFFFFF80] =	vst v1;
	v1 =	vadd.f32 v7, v4;
	v2 =	vmul.f32 $1.131370830e+01, v2  }
0x1ea: {  	v4 =	vld [tilespmem:s15+$0xFFFFFF90]  }
0x1eb: {  	[tilespmem:s31+$0x0] =	vst v1;
	v1 =	vld [tilespmem:s31+$0xA0];
	v0 =	vadd.f32 v0, v2;
	v2 =	vmul.f32 $1.131370830e+01, v8  }
0x1ec: {  	v8 =	vld [tilespmem:s15+$0x10]  }
0x1ed: {  	v7 =	vld [tilespmem:s31+$0xFFFFFF20];
	v5 =	vmul.f32 $1.131370830e+01, v5;
	[tilespmem:s31+$0x90] =	vst v0;
	v2 =	vadd.f32 v3, v2  }
0x1ee: {  	v0 =	vld [tilespmem:s15+$0xA0]  }
0x1ef: {  	v4 =	vadd.f32 v4, v5;
	v5 =	vmul.f32 $1.131370830e+01, v6;
	v3 =	vld [tilespmem:s31+$0xFFFFFFA0];
	[tilespmem:s31+$0xFFFFFF10] =	vst v2  }
0x1f0: {  	v2 =	vld [tilespmem:s15+$0xFFFFFF20]  }
0x1f1: {  	v6 =	vld [tilespmem:s31+$0x20];
	v1 =	vmul.f32 $1.131370830e+01, v1;
	[tilespmem:s31+$0xFFFFFF90] =	vst v4;
	v4 =	vadd.f32 v8, v5  }
0x1f2: {  	v5 =	vld [tilespmem:s15+$0xFFFFFFA0]  }
0x1f3: {  	[tilespmem:s31+$0x10] =	vst v4;
	v4 =	vld [tilespmem:s31+$0xB0];
	v0 =	vadd.f32 v0, v1;
	v1 =	vmul.f32 $1.131370830e+01, v7  }
0x1f4: {  	v7 =	vld [tilespmem:s15+$0x20]  }
0x1f5: {  	v8 =	vld [tilespmem:s31+$0xFFFFFF30];
	v3 =	vmul.f32 $1.131370830e+01, v3;
	[tilespmem:s31+$0xA0] =	vst v0;
	v1 =	vadd.f32 v2, v1  }
0x1f6: {  	v0 =	vld [tilespmem:s15+$0xB0]  }
0x1f7: {  	v2 =	vld [tilespmem:s31+$0xFFFFFFB0];
	v3 =	vadd.f32 v5, v3;
	v5 =	vmul.f32 $1.131370830e+01, v6;
	[tilespmem:s31+$0xFFFFFF20] =	vst v1  }
0x1f8: {  	v1 =	vmul.f32 $1.131370830e+01, v4;
	v4 =	vld [tilespmem:s15+$0xFFFFFF30]  }
0x1f9: {  	v6 =	vld [tilespmem:s31+$0x30];
	[tilespmem:s31+$0xFFFFFFA0] =	vst v3;
	v3 =	vadd.f32 v7, v5  }
0x1fa: {  	v5 =	vld [tilespmem:s15+$0xFFFFFFB0]  }
0x1fb: {  	[tilespmem:s31+$0x20] =	vst v3;
	v3 =	vld [tilespmem:s31+$0xC0];
	v0 =	vadd.f32 v0, v1;
	v1 =	vmul.f32 $1.131370830e+01, v8  }
0x1fc: {  	v8 =	vld [tilespmem:s15+$0x30]  }
0x1fd: {  	v7 =	vld [tilespmem:s31+$0xFFFFFF40];
	v2 =	vmul.f32 $1.131370830e+01, v2;
	[tilespmem:s31+$0xB0] =	vst v0;
	v1 =	vadd.f32 v4, v1  }
0x1fe: {  	v0 =	vld [tilespmem:s15+$0xC0]  }
0x1ff: {  	v4 =	vld [tilespmem:s31+$0xFFFFFFC0];
	v2 =	vadd.f32 v5, v2;
	v5 =	vmul.f32 $1.131370830e+01, v6;
	[tilespmem:s31+$0xFFFFFF30] =	vst v1  }
0x200: {  	v1 =	vmul.f32 $1.131370830e+01, v3;
	v3 =	vld [tilespmem:s15+$0xFFFFFF40]  }
0x201: {  	v6 =	vld [tilespmem:s31+$0x40];
	[tilespmem:s31+$0xFFFFFFB0] =	vst v2;
	v2 =	vadd.f32 v8, v5  }
0x202: {  	v5 =	vld [tilespmem:s15+$0xFFFFFFC0]  }
0x203: {  	[tilespmem:s31+$0x30] =	vst v2;
	v2 =	vld [tilespmem:s31+$0xD0];
	v0 =	vadd.f32 v0, v1;
	v1 =	vmul.f32 $1.131370830e+01, v7  }
0x204: {  	v8 =	vld [tilespmem:s31+$0xFFFFFF50]  }
0x205: {  	v7 =	vld [tilespmem:s15+$0x40];
	[tilespmem:s31+$0xC0] =	vst v0;
	v1 =	vadd.f32 v3, v1  }
0x206: {  	v4 =	vmul.f32 $1.131370830e+01, v4;
	v0 =	vld [tilespmem:s15+$0xD0]  }
0x207: {  	v14 =	vld [tilespmem:s0+$0xFFFFFF00];
	[tilespmem:s31+$0xFFFFFF40] =	vst v1  }
0x208: {  	v4 =	vadd.f32 v5, v4;
	v5 =	vmul.f32 $1.131370830e+01, v6;
	v1 =	vmul.f32 $1.131370830e+01, v2;
	v2 =	vld [tilespmem:s15+$0xFFFFFF50]  }
0x209: {  	v15 =	vld [tilespmem:s0+$0xFFFFFF80]  }
0x20a: {  	v16 =	vld [tilespmem:s0+$0x0];
	[tilespmem:s31+$0xFFFFFFC0] =	vst v4;
	v4 =	vadd.f32 v7, v5  }
0x20b: {  	v17 =	vld [tilespmem:s2+$0xFFFFFF10];
	v0 =	vadd.f32 v0, v1;
	v1 =	vmul.f32 $1.131370830e+01, v8  }
0x20c: {  	[tilespmem:s31+$0x40] =	vst v4;
	v4 =	vld [tilespmem:s31+$0xE0]  }
0x20d: {  	v7 =	vld [tilespmem:s31+$0xFFFFFF60];
	[tilespmem:s31+$0xD0] =	vst v0;
	v1 =	vadd.f32 v2, v1  }
0x20e: {  	v0 =	vld [tilespmem:s15+$0xE0]  }
0x20f: {  	v26 =	vld [tilespmem:s2+$0xFFFFFF90];
	[tilespmem:s31+$0xFFFFFF50] =	vst v1  }
0x210: {  	v9 =	vld [tilespmem:s15+$0xFFFFFF60]  }
0x211: {  	v27 =	vld [tilespmem:s2+$0x10];
	v1 =	vmul.f32 $1.131370830e+01, v4  }
0x212: {  	v28 =	vld [tilespmem:s2+$0xFFFFFF20]  }
0x213: {  	v29 =	vld [tilespmem:s2+$0xA0];
	v0 =	vadd.f32 v0, v1;
	v1 =	vmul.f32 $1.131370830e+01, v7  }
0x214: {  	v32 =	vld [tilespmem:s2+$0xFFFFFFA0]  }
0x215: {  	v36 =	vld [tilespmem:s2+$0xB0];
	v9 =	vadd.f32 v9, v1  }
0x216: {  	v39 =	vld [tilespmem:s2+$0xFFFFFFB0]  }
0x217: {  	[tilespmem:s31+$0xFFFFFF60] =	vst v9;
	v9 =	vld [tilespmem:s2+$0x80]  }
0x218: {  	v40 =	vld [tilespmem:s2+$0x30]  }
0x219: {  	v47 =	vld [tilespmem:s2+$0xFFFFFFC0]  }
0x21a: {  	v48 =	vld [tilespmem:s2+$0x40]  }
0x21b: {  	v49 =	vld [tilespmem:s2+$0xFFFFFF50]  }
0x21c: {  	v51 =	vld [tilespmem:s2+$0xD0];
	v9 =	vmul.f32 $1.131370830e+01, v9  }
0x21d: {  	v54 =	vld [tilespmem:s2+$0x50]  }
0x21e: {  	v57 =	vld [tilespmem:s2+$0xE0];
	v9 =	vadd.f32 v11, v9  }
0x21f: {  	v12 =	vmul.f32 $1.131370830e+01, v12;
	v11 =	vld [tilespmem:s2+$0x90]  }
0x220: {  	v59 =	vld [tilespmem:s2+$0xFFFFFFE0];
	v13 =	vmul.f32 $1.131370830e+01, v13;
	[tilespmem:s2+$0x80] =	vst v9  }
0x221: {  	v12 =	vadd.f32 v14, v12;
	v9 =	vmul.f32 $1.131370830e+01, v10;
	v10 =	vld [tilespmem:s0+$0x90]  }
0x222: {  	v60 =	vld [tilespmem:s2+$0x60];
	v13 =	vadd.f32 v16, v13  }
0x223: {  	v61 =	vld [tilespmem:s2+$0xFFFFFF70];
	[tilespmem:s2+$0xFFFFFF00] =	vst v12;
	v9 =	vadd.f32 v15, v9  }
0x224: {  	[tilespmem:s2+$0x0] =	vst v13;
	v12 =	vld [tilespmem:s0+$0xFFFFFF10];
	v11 =	vmul.f32 $1.131370830e+01, v11  }
0x225: {  	v30 =	vld [tilespmem:s0+$0x10];
	[tilespmem:s2+$0xFFFFFF80] =	vst v9  }
0x226: {  	v9 =	vld [tilespmem:s0+$0xFFFFFF90];
	v10 =	vadd.f32 v10, v11  }
0x227: {  	v3 =	vld [tilespmem:s31+$0xFFFFFFD0]  }
0x228: {  	v6 =	vld [tilespmem:s31+$0x50];
	v11 =	vmul.f32 $1.131370830e+01, v17;
	[tilespmem:s2+$0x90] =	vst v10  }
0x229: {  	v10 =	vmul.f32 $1.131370830e+01, v26;
	v31 =	vld [tilespmem:s0+$0xA0]  }
0x22a: {  	v5 =	vld [tilespmem:s15+$0xFFFFFFD0];
	v11 =	vadd.f32 v12, v11  }
0x22b: {  	v8 =	vld [tilespmem:s15+$0x50];
	v15 =	vmul.f32 $1.131370830e+01, v27;
	v9 =	vadd.f32 v9, v10  }
0x22c: {  	v10 =	vld [tilespmem:s2+$0x20];
	[tilespmem:s2+$0xFFFFFF10] =	vst v11;
	v11 =	vmul.f32 $1.131370830e+01, v29  }
0x22d: {  	v15 =	vadd.f32 v30, v15;
	v33 =	vld [tilespmem:s0+$0xFFFFFF20];
	[tilespmem:s2+$0xFFFFFF90] =	vst v9  }
0x22e: {  	v34 =	vld [tilespmem:s0+$0xFFFFFFA0];
	v11 =	vadd.f32 v31, v11  }
0x22f: {  	v2 =	vld [tilespmem:s31+$0xFFFFFFE0];
	[tilespmem:s2+$0x10] =	vst v15  }
0x230: {  	v35 =	vmul.f32 $1.131370830e+01, v28;
	v3 =	vmul.f32 $1.131370830e+01, v3;
	v37 =	vld [tilespmem:s0+$0x20];
	[tilespmem:s2+$0xA0] =	vst v11  }
0x231: {  	v11 =	vmul.f32 $1.131370830e+01, v32;
	v38 =	vld [tilespmem:s0+$0xB0]  }
0x232: {  	v5 =	vadd.f32 v5, v3;
	v3 =	vld [tilespmem:s31+$0x60];
	v13 =	vadd.f32 v33, v35  }
0x233: {  	v9 =	vld [tilespmem:s2+$0xFFFFFF30];
	v10 =	vmul.f32 $1.131370830e+01, v10;
	v11 =	vadd.f32 v34, v11  }
0x234: {  	v41 =	vmul.f32 $1.131370830e+01, v36;
	v4 =	vld [tilespmem:s31+$0xFFFFFF70];
	[tilespmem:s2+$0xFFFFFF20] =	vst v13  }
0x235: {  	v10 =	vadd.f32 v37, v10;
	v42 =	vld [tilespmem:s0+$0xFFFFFF30];
	[tilespmem:s2+$0xFFFFFFA0] =	vst v11  }
0x236: {  	v43 =	vld [tilespmem:s0+$0xFFFFFFB0];
	v12 =	vadd.f32 v38, v41  }
0x237: {  	[tilespmem:s2+$0x20] =	vst v10;
	v10 =	vld [tilespmem:s2+$0xC0]  }
0x238: {  	v6 =	vmul.f32 $1.131370830e+01, v6;
	v9 =	vmul.f32 $1.131370830e+01, v9;
	v44 =	vld [tilespmem:s0+$0x30];
	[tilespmem:s2+$0xB0] =	vst v12  }
0x239: {  	v45 =	vmul.f32 $1.131370830e+01, v39;
	[tilespmem:s31+$0xFFFFFFD0] =	vst v5;
	v46 =	vld [tilespmem:s0+$0xC0]  }
0x23a: {  	v5 =	vadd.f32 v8, v6;
	v6 =	vld [tilespmem:s15+$0xFFFFFFE0];
	v9 =	vadd.f32 v42, v9  }
0x23b: {  	v17 =	vmul.f32 $1.131370830e+01, v40;
	v11 =	vld [tilespmem:s2+$0xFFFFFF40];
	v12 =	vadd.f32 v43, v45  }
0x23c: {  	v8 =	vld [tilespmem:s31+$0xF0];
	[tilespmem:s2+$0xFFFFFF30] =	vst v9;
	v9 =	vmul.f32 $1.131370830e+01, v10  }
0x23d: {  	v13 =	vadd.f32 v44, v17;
	v10 =	vld [tilespmem:s0+$0xFFFFFF40];
	[tilespmem:s2+$0xFFFFFFB0] =	vst v12  }
0x23e: {  	[tilespmem:s31+$0x50] =	vst v5;
	v50 =	vld [tilespmem:s0+$0xFFFFFFC0];
	v9 =	vadd.f32 v46, v9  }
0x23f: {  	v7 =	vld [tilespmem:s15+$0x60];
	[tilespmem:s2+$0x30] =	vst v13  }
0x240: {  	v11 =	vmul.f32 $1.131370830e+01, v11;
	v52 =	vld [tilespmem:s0+$0x40];
	[tilespmem:s2+$0xC0] =	vst v9  }
0x241: {  	v9 =	vmul.f32 $1.131370830e+01, v47;
	v53 =	vld [tilespmem:s0+$0xD0]  }
0x242: {  	v1 =	vld [tilespmem:s31+$0xFFFFFFF0];
	v10 =	vadd.f32 v10, v11  }
0x243: {  	v16 =	vmul.f32 $1.131370830e+01, v48;
	[tilespmem:s31+$0xE0] =	vst v0;
	v0 =	vld [tilespmem:s31+$0x70];
	v9 =	vadd.f32 v50, v9  }
0x244: {  	v11 =	vld [tilespmem:s2+$0xFFFFFFD0];
	[tilespmem:s2+$0xFFFFFF40] =	vst v10;
	v10 =	vmul.f32 $1.131370830e+01, v51  }
0x245: {  	v14 =	vadd.f32 v52, v16;
	v55 =	vld [tilespmem:s0+$0xFFFFFF50];
	[tilespmem:s2+$0xFFFFFFC0] =	vst v9  }
0x246: {  	v56 =	vld [tilespmem:s0+$0xFFFFFFD0];
	v10 =	vadd.f32 v53, v10  }
0x247: {  	v2 =	vmul.f32 $1.131370830e+01, v2;
	v5 =	vld [tilespmem:s15+$0xF0];
	[tilespmem:s2+$0x40] =	vst v14  }
0x248: {  	v12 =	vmul.f32 $1.131370830e+01, v49;
	v58 =	vld [tilespmem:s0+$0x50];
	[tilespmem:s2+$0xD0] =	vst v10  }
0x249: {  	v2 =	vadd.f32 v6, v2;
	v10 =	vmul.f32 $1.131370830e+01, v11;
	v11 =	vld [tilespmem:s0+$0xE0]  }
0x24a: {  	v6 =	vld [tilespmem:s15+$0xFFFFFF70];
	v12 =	vadd.f32 v55, v12  }
0x24b: {  	[tilespmem:s31+$0xFFFFFFE0] =	vst v2;
	v17 =	vmul.f32 $1.131370830e+01, v54;
	v9 =	vld [tilespmem:s2+$0xFFFFFF60];
	v10 =	vadd.f32 v56, v10  }
0x24c: {  	v2 =	vld [tilespmem:s15+$0xFFFFFFF0];
	v14 =	vmul.f32 $1.131370830e+01, v57;
	[tilespmem:s2+$0xFFFFFF50] =	vst v12  }
0x24d: {  	v3 =	vmul.f32 $1.131370830e+01, v3;
	v62 =	vld [tilespmem:s0+$0xFFFFFF60];
	[tilespmem:s2+$0xFFFFFFD0] =	vst v10;
	v10 =	vadd.f32 v58, v17  }
0x24e: {  	v8 =	vmul.f32 $1.131370830e+01, v8;
	v63 =	vld [tilespmem:s0+$0xFFFFFFE0];
	v11 =	vadd.f32 v11, v14  }
0x24f: {  	v4 =	vmul.f32 $1.131370830e+01, v4;
	v3 =	vadd.f32 v7, v3;
	v7 =	vld [tilespmem:s2+$0xF0];
	[tilespmem:s2+$0x50] =	vst v10  }
0x250: {  	v5 =	vadd.f32 v5, v8;
	v8 =	vmul.f32 $1.131370830e+01, v9;
	v9 =	vld [tilespmem:s0+$0x60];
	[tilespmem:s2+$0xE0] =	vst v11  }
0x251: {  	[tilespmem:s31+$0x60] =	vst v3;
	v3 =	vadd.f32 v6, v4;
	v6 =	vmul.f32 $1.131370830e+01, v59;
	v10 =	vld [tilespmem:s0+$0xF0]  }
0x252: {  	v1 =	vmul.f32 $1.131370830e+01, v1;
	[tilespmem:s31+$0xF0] =	vst v5;
	v4 =	vld [tilespmem:s2+$0xFFFFFFF0];
	v5 =	vadd.f32 v62, v8  }
0x253: {  	[tilespmem:s31+$0xFFFFFF70] =	vst v3;
	v3 =	vld [tilespmem:s2+$0x70];
	v8 =	vmul.f32 $1.131370830e+01, v60;
	v6 =	vadd.f32 v63, v6  }
0x254: {  	v1 =	vadd.f32 v2, v1;
	v7 =	vmul.f32 $1.131370830e+01, v7;
	v2 =	vld [tilespmem:s15+$0x70];
	[tilespmem:s2+$0xFFFFFF60] =	vst v5  }
0x255: {  	v5 =	vld [tilespmem:s0+$0xFFFFFF70];
	[tilespmem:s2+$0xFFFFFFE0] =	vst v6;
	v8 =	vadd.f32 v9, v8  }
0x256: {  	s13 =	simm.s32 $0x14300;
	s10 =	simm.s32 $0x4;
	v0 =	vmul.f32 $1.131370830e+01, v0;
	s15 =	simm.s32 $0xC500;
	[tilespmem:s31+$0xFFFFFFF0] =	vst v1;
	v1 =	vmul.f32 $1.131370830e+01, v61;
	v6 =	vld [tilespmem:s0+$0xFFFFFFF0];
	v7 =	vadd.f32 v10, v7  }
.LBB2_7:
0x257: {  	v9 =	vld [tilespmem:s15+$0x80];
	s10 =	sadd.s32 $0x4, s10;
	v4 =	vmul.f32 $1.131370830e+01, v4;
	[tilespmem:s2+$0x60] =	vst v8  }
0x258: {  	s0 =	sadd.s32 $0x200, s0;
	v8 =	vld [tilespmem:s15+$0xFFFFFF80];
	p1 =	slt.u32 s10, $0x7C;
	v3 =	vmul.f32 $1.131370830e+01, v3;
	[tilespmem:s2+$0xF0] =	vst v7  }
0x259: {  	v7 =	vld [tilespmem:s0+$0x80];
	v2 =	vadd.f32 v2, v0  }
0x25a: {  	v10 =	vld [tilespmem:s15+$0x0];
	v1 =	vadd.f32 v5, v1;
	v0 =	vmov v3  }
0x25b: {  	v3 =	vld [tilespmem:s15+$0xFFFFFF00];
	v4 =	vadd.f32 v6, v4;
	[tilespmem:s31+$0x70] =	vst v2;
	s31 =	smov.u32 s2;
	s2 =	smov.u32 s15  }
0x25c: {  	v2 =	vld [tilespmem:s0+$0xFFFFFF00];
	v5 =	vmul.f32 $1.131370830e+01, v9;
	[tilespmem:s31+$0xFFFFFF70] =	vst v1  }
0x25d: {  	v1 =	vmul.f32 $1.131370830e+01, v8;
	v6 =	vld [tilespmem:s0+$0xFFFFFF80];
	[tilespmem:s31+$0xFFFFFFF0] =	vst v4  }
0x25e: {  	v4 =	vld [tilespmem:s0+$0x0];
	v5 =	vadd.f32 v7, v5  }
0x25f: {  	v7 =	vmul.f32 $1.131370830e+01, v10;
	v8 =	vld [tilespmem:s15+$0x90]  }
0x260: {  	v3 =	vmul.f32 $1.131370830e+01, v3;
	v9 =	vld [tilespmem:s15+$0xFFFFFF10];
	[tilespmem:s15+$0x80] =	vst v5  }
0x261: {  	v5 =	vld [tilespmem:s0+$0x90]  }
0x262: {  	v2 =	vadd.f32 v2, v3;
	v1 =	vadd.f32 v6, v1;
	v3 =	vld [tilespmem:s15+$0xFFFFFF90]  }
0x263: {  	v4 =	vadd.f32 v4, v7;
	v6 =	vld [tilespmem:s15+$0x10]  }
0x264: {  	[tilespmem:s15+$0xFFFFFF00] =	vst v2;
	v2 =	vld [tilespmem:s15+$0xFFFFFF20];
	v7 =	vmul.f32 $1.131370830e+01, v8  }
0x265: {  	v8 =	vmul.f32 $1.131370830e+01, v9;
	v9 =	vld [tilespmem:s0+$0xFFFFFF10];
	[tilespmem:s15+$0xFFFFFF80] =	vst v1  }
0x266: {  	v1 =	vld [tilespmem:s0+$0xFFFFFF90];
	[tilespmem:s15+$0x0] =	vst v4;
	v4 =	vadd.f32 v5, v7  }
0x267: {  	v3 =	vmul.f32 $1.131370830e+01, v3;
	v5 =	vld [tilespmem:s15+$0xA0]  }
0x268: {  	v6 =	vmul.f32 $1.131370830e+01, v6;
	v7 =	vld [tilespmem:s0+$0x10];
	[tilespmem:s15+$0x90] =	vst v4  }
0x269: {  	v2 =	vmul.f32 $1.131370830e+01, v2;
	v4 =	vld [tilespmem:s0+$0xA0]  }
0x26a: {  	v8 =	vadd.f32 v9, v8;
	v9 =	vld [tilespmem:s15+$0xFFFFFFA0]  }
0x26b: {  	v1 =	vadd.f32 v1, v3;
	v3 =	vld [tilespmem:s15+$0x20]  }
0x26c: {  	[tilespmem:s15+$0xFFFFFF10] =	vst v8;
	v8 =	vld [tilespmem:s15+$0xFFFFFF30];
	v5 =	vmul.f32 $1.131370830e+01, v5  }
0x26d: {  	v10 =	vld [tilespmem:s0+$0xFFFFFF20];
	[tilespmem:s15+$0xFFFFFF90] =	vst v1;
	v1 =	vadd.f32 v7, v6  }
0x26e: {  	v6 =	vld [tilespmem:s0+$0xFFFFFFA0];
	v4 =	vadd.f32 v4, v5  }
0x26f: {  	v5 =	vmul.f32 $1.131370830e+01, v9;
	[tilespmem:s15+$0x10] =	vst v1;
	v1 =	vld [tilespmem:s15+$0xB0]  }
0x270: {  	v3 =	vmul.f32 $1.131370830e+01, v3;
	v7 =	vld [tilespmem:s0+$0x20];
	[tilespmem:s15+$0xA0] =	vst v4  }
0x271: {  	v4 =	vmul.f32 $1.131370830e+01, v8;
	v8 =	vld [tilespmem:s0+$0xB0]  }
0x272: {  	v2 =	vadd.f32 v10, v2;
	v9 =	vld [tilespmem:s15+$0xFFFFFFB0]  }
0x273: {  	v5 =	vadd.f32 v6, v5;
	v6 =	vld [tilespmem:s15+$0x30]  }
0x274: {  	[tilespmem:s15+$0xFFFFFF20] =	vst v2;
	v2 =	vld [tilespmem:s15+$0xFFFFFF40];
	v1 =	vmul.f32 $1.131370830e+01, v1  }
0x275: {  	v10 =	vld [tilespmem:s0+$0xFFFFFF30];
	[tilespmem:s15+$0xFFFFFFA0] =	vst v5;
	v3 =	vadd.f32 v7, v3  }
0x276: {  	v5 =	vld [tilespmem:s0+$0xFFFFFFB0];
	v1 =	vadd.f32 v8, v1  }
0x277: {  	v7 =	vmul.f32 $1.131370830e+01, v9;
	[tilespmem:s15+$0x20] =	vst v3;
	v3 =	vld [tilespmem:s15+$0xC0]  }
0x278: {  	v6 =	vmul.f32 $1.131370830e+01, v6;
	v8 =	vld [tilespmem:s0+$0x30];
	[tilespmem:s15+$0xB0] =	vst v1  }
0x279: {  	v1 =	vmul.f32 $1.131370830e+01, v2;
	v2 =	vld [tilespmem:s0+$0xC0]  }
0x27a: {  	v4 =	vadd.f32 v10, v4;
	v9 =	vld [tilespmem:s15+$0xFFFFFFC0]  }
0x27b: {  	v5 =	vadd.f32 v5, v7;
	v7 =	vld [tilespmem:s15+$0x40]  }
0x27c: {  	[tilespmem:s15+$0xFFFFFF30] =	vst v4;
	v4 =	vld [tilespmem:s15+$0xFFFFFF50];
	v3 =	vmul.f32 $1.131370830e+01, v3  }
0x27d: {  	v10 =	vld [tilespmem:s0+$0xFFFFFF40];
	[tilespmem:s15+$0xFFFFFFB0] =	vst v5;
	v5 =	vadd.f32 v8, v6  }
0x27e: {  	v6 =	vld [tilespmem:s0+$0xFFFFFFC0];
	v2 =	vadd.f32 v2, v3  }
0x27f: {  	v3 =	vmul.f32 $1.131370830e+01, v9;
	[tilespmem:s15+$0x30] =	vst v5;
	v5 =	vld [tilespmem:s15+$0xD0]  }
0x280: {  	v7 =	vmul.f32 $1.131370830e+01, v7;
	v8 =	vld [tilespmem:s0+$0x40];
	[tilespmem:s15+$0xC0] =	vst v2  }
0x281: {  	v2 =	vmul.f32 $1.131370830e+01, v4;
	v4 =	vld [tilespmem:s0+$0xD0]  }
0x282: {  	v1 =	vadd.f32 v10, v1;
	v9 =	vld [tilespmem:s15+$0xFFFFFFD0]  }
0x283: {  	v3 =	vadd.f32 v6, v3;
	v6 =	vld [tilespmem:s15+$0x50]  }
0x284: {  	[tilespmem:s15+$0xFFFFFF40] =	vst v1;
	v1 =	vld [tilespmem:s15+$0xFFFFFF60];
	v5 =	vmul.f32 $1.131370830e+01, v5  }
0x285: {  	v10 =	vld [tilespmem:s0+$0xFFFFFF50];
	[tilespmem:s15+$0xFFFFFFC0] =	vst v3;
	v3 =	vadd.f32 v8, v7  }
0x286: {  	v7 =	vld [tilespmem:s0+$0xFFFFFFD0];
	v4 =	vadd.f32 v4, v5  }
0x287: {  	v5 =	vmul.f32 $1.131370830e+01, v9;
	[tilespmem:s15+$0x40] =	vst v3;
	v3 =	vld [tilespmem:s15+$0xE0]  }
0x288: {  	v6 =	vmul.f32 $1.131370830e+01, v6;
	v8 =	vld [tilespmem:s0+$0x50];
	[tilespmem:s15+$0xD0] =	vst v4  }
0x289: {  	v4 =	vmul.f32 $1.131370830e+01, v1;
	v1 =	vld [tilespmem:s0+$0xE0]  }
0x28a: {  	v2 =	vadd.f32 v10, v2;
	v9 =	vld [tilespmem:s15+$0xFFFFFFE0]  }
0x28b: {  	v5 =	vadd.f32 v7, v5;
	v7 =	vld [tilespmem:s15+$0x60]  }
0x28c: {  	[tilespmem:s15+$0xFFFFFF50] =	vst v2;
	v2 =	vld [tilespmem:s15+$0xFFFFFF70];
	v3 =	vmul.f32 $1.131370830e+01, v3  }
0x28d: {  	v10 =	vld [tilespmem:s0+$0xFFFFFF60];
	[tilespmem:s15+$0xFFFFFFD0] =	vst v5;
	v5 =	vadd.f32 v8, v6  }
0x28e: {  	v6 =	vld [tilespmem:s0+$0xFFFFFFE0];
	v1 =	vadd.f32 v1, v3  }
0x28f: {  	v3 =	vmul.f32 $1.131370830e+01, v9;
	[tilespmem:s15+$0x50] =	vst v5;
	v5 =	vld [tilespmem:s15+$0xF0]  }
0x290: {  	v7 =	vmul.f32 $1.131370830e+01, v7;
	v8 =	vld [tilespmem:s0+$0x60];
	[tilespmem:s15+$0xE0] =	vst v1  }
0x291: {  	v1 =	vmul.f32 $1.131370830e+01, v2;
	v9 =	vld [tilespmem:s0+$0xF0]  }
.Ltmp4:
0x292: {  	v2 =	vadd.f32 v10, v4;
	v4 =	vld [tilespmem:s15+$0xFFFFFFF0];
	(pc) =	sbr.rel @p1 .LBB2_7-.Ltmp4, $4  }
0x293: {  	v6 =	vadd.f32 v6, v3;
	v3 =	vld [tilespmem:s15+$0x70]  }
0x294: {  	[tilespmem:s15+$0xFFFFFF60] =	vst v2;
	v10 =	vmul.f32 $1.131370830e+01, v5;
	v2 =	vld [tilespmem:s13+$0x70];
	s13 =	smov.u32 s0  }
0x295: {  	v5 =	vld [tilespmem:s0+$0xFFFFFF70];
	[tilespmem:s15+$0xFFFFFFE0] =	vst v6;
	v8 =	vadd.f32 v8, v7  }
0x296: {  	s15 =	sadd.s32 $0x200, s15;
	v6 =	vld [tilespmem:s0+$0xFFFFFFF0];
	v7 =	vadd.f32 v9, v10  }
0x297: {  	[tilespmem:s2+$0x60] =	vst v8  }
0x298: {  	v8 =	vld [tilespmem:s13+$0x70];
	_ =	sdelay $0x1  }
0x299: {  	v4 =	vmul.f32 $1.131370830e+01, v4;
	v0 =	vadd.f32 v2, v0  }
0x29a: {  	[tilespmem:s2+$0xF0] =	vst v7;
	v2 =	vmul.f32 $1.131370830e+01, v3;
	v1 =	vadd.f32 v5, v1  }
0x29b: {  	v3 =	vadd.f32 v6, v4;
	[tilespmem:s31+$0x70] =	vst v0  }
0x29c: {  	[tilespmem:s2+$0xFFFFFF70] =	vst v1;
	v0 =	vadd.f32 v8, v2  }
0x29d: {  	[tilespmem:s2+$0xFFFFFFF0] =	vst v3  }
0x29e: {  	s0 =	sadd.s32 $0x4000, s30;
	[tilespmem:s2+$0x70] =	vst v0  }
0x29f: {  	[hbm4b:s0+s6] =	stream.linear.scatter [tilespmem:s16], [sflag:$0x7], $0x4000, $0x38;
	[tilespmem:$0x18000] =	vst v63  }
0x2a0: {  	s0 =	sadd.s32 @!p0 $0x5, s29  }
0x2a1: {  	s2 =	simm.s32 @!p0 $0x6;
	s10 =	sshll.u32 @!p0 s0, $0x2  }
0x2a2: {  	_ =	swait.ge @!p0 [sflag:s2], $0x4000;
	s0 =	sshrl.u32 @!p0 s0, $0x5;
	s10 =	sand.u32 @!p0 $0x74, s10  }
0x2a3: {  	[sflag:s2] =	ssyncset.done @!p0 $0x0;
	s0 =	sadd.s32 @!p0 s0, s10  }
0x2a4: {  	[sflag:s2] =	ssyncadd.s32 @!p0 $0xFFFFC000;
	s0 =	sshll.u32 @!p0 s0, $0x7  }
0x2a5: {  	s2 =	simm.s32 @!p0 $0x80;
	s10 =	simm.s32 @!p0 $0x8000;
	s0 =	sand.u32 @!p0 $0x3FFFFF80, s0  }
0x2a6: {  	[tilespmem:s10], [sflag:$0x2] =	stream.indirect.gather @!p0 [hbm4b:s1+s2], $0x80, s0, s2, $0xb8;
	[tilespmem:$0x18000] =	vst v63  }
0x2a7: {  	_ =	swait.ge [sflag:s21], $0x4000  }
0x2a8: {  	[sflag:s21] =	ssyncset.done $0x0  }
0x2a9: {  	s31 =	simm.s32 $0x10100;
	[sflag:s21] =	ssyncadd.s32 $0xFFFFC000  }
0x2aa: {  	v0 =	vld [tilespmem:s31+$0x80]  }
0x2ab: {  	s15 =	simm.s32 $0x14100;
	v1 =	vld [tilespmem:s31+$0xFFFFFF80]  }
0x2ac: {  	v2 =	vld [tilespmem:s15+$0x80]  }
0x2ad: {  	v3 =	vld [tilespmem:s31+$0xFFFFFF00]  }
0x2ae: {  	v4 =	vld [tilespmem:s31+$0x0]  }
0x2af: {  	v5 =	vld [tilespmem:s15+$0xFFFFFF00]  }
0x2b0: {  	v6 =	vld [tilespmem:s15+$0xFFFFFF80]  }
0x2b1: {  	v7 =	vld [tilespmem:s15+$0x0]  }
0x2b2: {  	s2 =	simm.s32 $0x10300;
	v8 =	vld [tilespmem:s31+$0xFFFFFF10]  }
0x2b3: {  	s0 =	simm.s32 $0x14300;
	v10 =	vld [tilespmem:s2+$0xFFFFFF80];
	v0 =	vmul.f32 $1.131370830e+01, v0  }
0x2b4: {  	v11 =	vld [tilespmem:s0+$0x80]  }
0x2b5: {  	v12 =	vld [tilespmem:s2+$0xFFFFFF00];
	v3 =	vmul.f32 $1.131370830e+01, v3;
	v0 =	vadd.f32 v2, v0  }
0x2b6: {  	v2 =	vld [tilespmem:s31+$0x90]  }
0x2b7: {  	v13 =	vld [tilespmem:s2+$0x0];
	v1 =	vmul.f32 $1.131370830e+01, v1;
	v3 =	vadd.f32 v5, v3;
	[tilespmem:s31+$0x80] =	vst v0  }
0x2b8: {  	v0 =	vld [tilespmem:s15+$0x90]  }
0x2b9: {  	v4 =	vmul.f32 $1.131370830e+01, v4;
	v1 =	vadd.f32 v6, v1;
	v5 =	vld [tilespmem:s31+$0xFFFFFF90];
	[tilespmem:s31+$0xFFFFFF00] =	vst v3  }
0x2ba: {  	v3 =	vld [tilespmem:s15+$0xFFFFFF10]  }
0x2bb: {  	v6 =	vld [tilespmem:s31+$0x10];
	[tilespmem:s31+$0xFFFFFF80] =	vst v1;
	v1 =	vadd.f32 v7, v4;
	v2 =	vmul.f32 $1.131370830e+01, v2  }
0x2bc: {  	v4 =	vld [tilespmem:s15+$0xFFFFFF90]  }
0x2bd: {  	[tilespmem:s31+$0x0] =	vst v1;
	v1 =	vld [tilespmem:s31+$0xA0];
	v0 =	vadd.f32 v0, v2;
	v2 =	vmul.f32 $1.131370830e+01, v8  }
0x2be: {  	v8 =	vld [tilespmem:s15+$0x10]  }
0x2bf: {  	v7 =	vld [tilespmem:s31+$0xFFFFFF20];
	v5 =	vmul.f32 $1.131370830e+01, v5;
	[tilespmem:s31+$0x90] =	vst v0;
	v2 =	vadd.f32 v3, v2  }
0x2c0: {  	v0 =	vld [tilespmem:s15+$0xA0]  }
0x2c1: {  	v4 =	vadd.f32 v4, v5;
	v5 =	vmul.f32 $1.131370830e+01, v6;
	v3 =	vld [tilespmem:s31+$0xFFFFFFA0];
	[tilespmem:s31+$0xFFFFFF10] =	vst v2  }
0x2c2: {  	v2 =	vld [tilespmem:s15+$0xFFFFFF20]  }
0x2c3: {  	v6 =	vld [tilespmem:s31+$0x20];
	v1 =	vmul.f32 $1.131370830e+01, v1;
	[tilespmem:s31+$0xFFFFFF90] =	vst v4;
	v4 =	vadd.f32 v8, v5  }
0x2c4: {  	v5 =	vld [tilespmem:s15+$0xFFFFFFA0]  }
0x2c5: {  	[tilespmem:s31+$0x10] =	vst v4;
	v4 =	vld [tilespmem:s31+$0xB0];
	v0 =	vadd.f32 v0, v1;
	v1 =	vmul.f32 $1.131370830e+01, v7  }
0x2c6: {  	v7 =	vld [tilespmem:s15+$0x20]  }
0x2c7: {  	v8 =	vld [tilespmem:s31+$0xFFFFFF30];
	v3 =	vmul.f32 $1.131370830e+01, v3;
	[tilespmem:s31+$0xA0] =	vst v0;
	v1 =	vadd.f32 v2, v1  }
0x2c8: {  	v0 =	vld [tilespmem:s15+$0xB0]  }
0x2c9: {  	v2 =	vld [tilespmem:s31+$0xFFFFFFB0];
	v3 =	vadd.f32 v5, v3;
	v5 =	vmul.f32 $1.131370830e+01, v6;
	[tilespmem:s31+$0xFFFFFF20] =	vst v1  }
0x2ca: {  	v1 =	vmul.f32 $1.131370830e+01, v4;
	v4 =	vld [tilespmem:s15+$0xFFFFFF30]  }
0x2cb: {  	v6 =	vld [tilespmem:s31+$0x30];
	[tilespmem:s31+$0xFFFFFFA0] =	vst v3;
	v3 =	vadd.f32 v7, v5  }
0x2cc: {  	v5 =	vld [tilespmem:s15+$0xFFFFFFB0]  }
0x2cd: {  	[tilespmem:s31+$0x20] =	vst v3;
	v3 =	vld [tilespmem:s31+$0xC0];
	v0 =	vadd.f32 v0, v1;
	v1 =	vmul.f32 $1.131370830e+01, v8  }
0x2ce: {  	v8 =	vld [tilespmem:s15+$0x30]  }
0x2cf: {  	v7 =	vld [tilespmem:s31+$0xFFFFFF40];
	v2 =	vmul.f32 $1.131370830e+01, v2;
	[tilespmem:s31+$0xB0] =	vst v0;
	v1 =	vadd.f32 v4, v1  }
0x2d0: {  	v0 =	vld [tilespmem:s15+$0xC0]  }
0x2d1: {  	v4 =	vld [tilespmem:s31+$0xFFFFFFC0];
	v2 =	vadd.f32 v5, v2;
	v5 =	vmul.f32 $1.131370830e+01, v6;
	[tilespmem:s31+$0xFFFFFF30] =	vst v1  }
0x2d2: {  	v1 =	vmul.f32 $1.131370830e+01, v3;
	v3 =	vld [tilespmem:s15+$0xFFFFFF40]  }
0x2d3: {  	v6 =	vld [tilespmem:s31+$0x40];
	[tilespmem:s31+$0xFFFFFFB0] =	vst v2;
	v2 =	vadd.f32 v8, v5  }
0x2d4: {  	v5 =	vld [tilespmem:s15+$0xFFFFFFC0]  }
0x2d5: {  	[tilespmem:s31+$0x30] =	vst v2;
	v2 =	vld [tilespmem:s31+$0xD0];
	v0 =	vadd.f32 v0, v1;
	v1 =	vmul.f32 $1.131370830e+01, v7  }
0x2d6: {  	v8 =	vld [tilespmem:s31+$0xFFFFFF50]  }
0x2d7: {  	v7 =	vld [tilespmem:s15+$0x40];
	[tilespmem:s31+$0xC0] =	vst v0;
	v1 =	vadd.f32 v3, v1  }
0x2d8: {  	v4 =	vmul.f32 $1.131370830e+01, v4;
	v0 =	vld [tilespmem:s15+$0xD0]  }
0x2d9: {  	v14 =	vld [tilespmem:s0+$0xFFFFFF00];
	[tilespmem:s31+$0xFFFFFF40] =	vst v1  }
0x2da: {  	v4 =	vadd.f32 v5, v4;
	v5 =	vmul.f32 $1.131370830e+01, v6;
	v1 =	vmul.f32 $1.131370830e+01, v2;
	v2 =	vld [tilespmem:s15+$0xFFFFFF50]  }
0x2db: {  	v15 =	vld [tilespmem:s0+$0xFFFFFF80]  }
0x2dc: {  	v16 =	vld [tilespmem:s0+$0x0];
	[tilespmem:s31+$0xFFFFFFC0] =	vst v4;
	v4 =	vadd.f32 v7, v5  }
0x2dd: {  	v17 =	vld [tilespmem:s2+$0xFFFFFF10];
	v0 =	vadd.f32 v0, v1;
	v1 =	vmul.f32 $1.131370830e+01, v8  }
0x2de: {  	[tilespmem:s31+$0x40] =	vst v4;
	v4 =	vld [tilespmem:s31+$0xE0]  }
0x2df: {  	v7 =	vld [tilespmem:s31+$0xFFFFFF60];
	[tilespmem:s31+$0xD0] =	vst v0;
	v1 =	vadd.f32 v2, v1  }
0x2e0: {  	v0 =	vld [tilespmem:s15+$0xE0]  }
0x2e1: {  	v26 =	vld [tilespmem:s2+$0xFFFFFF90];
	[tilespmem:s31+$0xFFFFFF50] =	vst v1  }
0x2e2: {  	v9 =	vld [tilespmem:s15+$0xFFFFFF60]  }
0x2e3: {  	v27 =	vld [tilespmem:s2+$0x10];
	v1 =	vmul.f32 $1.131370830e+01, v4  }
0x2e4: {  	v28 =	vld [tilespmem:s2+$0xFFFFFF20]  }
0x2e5: {  	v29 =	vld [tilespmem:s2+$0xA0];
	v0 =	vadd.f32 v0, v1;
	v1 =	vmul.f32 $1.131370830e+01, v7  }
0x2e6: {  	v32 =	vld [tilespmem:s2+$0xFFFFFFA0]  }
0x2e7: {  	v36 =	vld [tilespmem:s2+$0xB0];
	v9 =	vadd.f32 v9, v1  }
0x2e8: {  	v39 =	vld [tilespmem:s2+$0xFFFFFFB0]  }
0x2e9: {  	[tilespmem:s31+$0xFFFFFF60] =	vst v9;
	v9 =	vld [tilespmem:s2+$0x80]  }
0x2ea: {  	v40 =	vld [tilespmem:s2+$0x30]  }
0x2eb: {  	v47 =	vld [tilespmem:s2+$0xFFFFFFC0]  }
0x2ec: {  	v48 =	vld [tilespmem:s2+$0x40]  }
0x2ed: {  	v49 =	vld [tilespmem:s2+$0xFFFFFF50]  }
0x2ee: {  	v51 =	vld [tilespmem:s2+$0xD0];
	v9 =	vmul.f32 $1.131370830e+01, v9  }
0x2ef: {  	v54 =	vld [tilespmem:s2+$0x50]  }
0x2f0: {  	v57 =	vld [tilespmem:s2+$0xE0];
	v9 =	vadd.f32 v11, v9  }
0x2f1: {  	v12 =	vmul.f32 $1.131370830e+01, v12;
	v11 =	vld [tilespmem:s2+$0x90]  }
0x2f2: {  	v59 =	vld [tilespmem:s2+$0xFFFFFFE0];
	v13 =	vmul.f32 $1.131370830e+01, v13;
	[tilespmem:s2+$0x80] =	vst v9  }
0x2f3: {  	v12 =	vadd.f32 v14, v12;
	v9 =	vmul.f32 $1.131370830e+01, v10;
	v10 =	vld [tilespmem:s0+$0x90]  }
0x2f4: {  	v60 =	vld [tilespmem:s2+$0x60];
	v13 =	vadd.f32 v16, v13  }
0x2f5: {  	v61 =	vld [tilespmem:s2+$0xFFFFFF70];
	[tilespmem:s2+$0xFFFFFF00] =	vst v12;
	v9 =	vadd.f32 v15, v9  }
0x2f6: {  	[tilespmem:s2+$0x0] =	vst v13;
	v12 =	vld [tilespmem:s0+$0xFFFFFF10];
	v11 =	vmul.f32 $1.131370830e+01, v11  }
0x2f7: {  	v30 =	vld [tilespmem:s0+$0x10];
	[tilespmem:s2+$0xFFFFFF80] =	vst v9  }
0x2f8: {  	v9 =	vld [tilespmem:s0+$0xFFFFFF90];
	v10 =	vadd.f32 v10, v11  }
0x2f9: {  	v3 =	vld [tilespmem:s31+$0xFFFFFFD0]  }
0x2fa: {  	v6 =	vld [tilespmem:s31+$0x50];
	v11 =	vmul.f32 $1.131370830e+01, v17;
	[tilespmem:s2+$0x90] =	vst v10  }
0x2fb: {  	v10 =	vmul.f32 $1.131370830e+01, v26;
	v31 =	vld [tilespmem:s0+$0xA0]  }
0x2fc: {  	v5 =	vld [tilespmem:s15+$0xFFFFFFD0];
	v11 =	vadd.f32 v12, v11  }
0x2fd: {  	v8 =	vld [tilespmem:s15+$0x50];
	v15 =	vmul.f32 $1.131370830e+01, v27;
	v9 =	vadd.f32 v9, v10  }
0x2fe: {  	v10 =	vld [tilespmem:s2+$0x20];
	[tilespmem:s2+$0xFFFFFF10] =	vst v11;
	v11 =	vmul.f32 $1.131370830e+01, v29  }
0x2ff: {  	v15 =	vadd.f32 v30, v15;
	v33 =	vld [tilespmem:s0+$0xFFFFFF20];
	[tilespmem:s2+$0xFFFFFF90] =	vst v9  }
0x300: {  	v34 =	vld [tilespmem:s0+$0xFFFFFFA0];
	v11 =	vadd.f32 v31, v11  }
0x301: {  	v2 =	vld [tilespmem:s31+$0xFFFFFFE0];
	[tilespmem:s2+$0x10] =	vst v15  }
0x302: {  	v35 =	vmul.f32 $1.131370830e+01, v28;
	v3 =	vmul.f32 $1.131370830e+01, v3;
	v37 =	vld [tilespmem:s0+$0x20];
	[tilespmem:s2+$0xA0] =	vst v11  }
0x303: {  	v11 =	vmul.f32 $1.131370830e+01, v32;
	v38 =	vld [tilespmem:s0+$0xB0]  }
0x304: {  	v5 =	vadd.f32 v5, v3;
	v3 =	vld [tilespmem:s31+$0x60];
	v13 =	vadd.f32 v33, v35  }
0x305: {  	v9 =	vld [tilespmem:s2+$0xFFFFFF30];
	v10 =	vmul.f32 $1.131370830e+01, v10;
	v11 =	vadd.f32 v34, v11  }
0x306: {  	v41 =	vmul.f32 $1.131370830e+01, v36;
	v4 =	vld [tilespmem:s31+$0xFFFFFF70];
	[tilespmem:s2+$0xFFFFFF20] =	vst v13  }
0x307: {  	v10 =	vadd.f32 v37, v10;
	v42 =	vld [tilespmem:s0+$0xFFFFFF30];
	[tilespmem:s2+$0xFFFFFFA0] =	vst v11  }
0x308: {  	v43 =	vld [tilespmem:s0+$0xFFFFFFB0];
	v12 =	vadd.f32 v38, v41  }
0x309: {  	[tilespmem:s2+$0x20] =	vst v10;
	v10 =	vld [tilespmem:s2+$0xC0]  }
0x30a: {  	v6 =	vmul.f32 $1.131370830e+01, v6;
	v9 =	vmul.f32 $1.131370830e+01, v9;
	v44 =	vld [tilespmem:s0+$0x30];
	[tilespmem:s2+$0xB0] =	vst v12  }
0x30b: {  	v45 =	vmul.f32 $1.131370830e+01, v39;
	[tilespmem:s31+$0xFFFFFFD0] =	vst v5;
	v46 =	vld [tilespmem:s0+$0xC0]  }
0x30c: {  	v5 =	vadd.f32 v8, v6;
	v6 =	vld [tilespmem:s15+$0xFFFFFFE0];
	v9 =	vadd.f32 v42, v9  }
0x30d: {  	v17 =	vmul.f32 $1.131370830e+01, v40;
	v11 =	vld [tilespmem:s2+$0xFFFFFF40];
	v12 =	vadd.f32 v43, v45  }
0x30e: {  	v8 =	vld [tilespmem:s31+$0xF0];
	[tilespmem:s2+$0xFFFFFF30] =	vst v9;
	v9 =	vmul.f32 $1.131370830e+01, v10  }
0x30f: {  	v13 =	vadd.f32 v44, v17;
	v10 =	vld [tilespmem:s0+$0xFFFFFF40];
	[tilespmem:s2+$0xFFFFFFB0] =	vst v12  }
0x310: {  	[tilespmem:s31+$0x50] =	vst v5;
	v50 =	vld [tilespmem:s0+$0xFFFFFFC0];
	v9 =	vadd.f32 v46, v9  }
0x311: {  	v7 =	vld [tilespmem:s15+$0x60];
	[tilespmem:s2+$0x30] =	vst v13  }
0x312: {  	v11 =	vmul.f32 $1.131370830e+01, v11;
	v52 =	vld [tilespmem:s0+$0x40];
	[tilespmem:s2+$0xC0] =	vst v9  }
0x313: {  	v9 =	vmul.f32 $1.131370830e+01, v47;
	v53 =	vld [tilespmem:s0+$0xD0]  }
0x314: {  	v1 =	vld [tilespmem:s31+$0xFFFFFFF0];
	v10 =	vadd.f32 v10, v11  }
0x315: {  	v16 =	vmul.f32 $1.131370830e+01, v48;
	[tilespmem:s31+$0xE0] =	vst v0;
	v0 =	vld [tilespmem:s31+$0x70];
	v9 =	vadd.f32 v50, v9  }
0x316: {  	v11 =	vld [tilespmem:s2+$0xFFFFFFD0];
	[tilespmem:s2+$0xFFFFFF40] =	vst v10;
	v10 =	vmul.f32 $1.131370830e+01, v51  }
0x317: {  	v14 =	vadd.f32 v52, v16;
	v55 =	vld [tilespmem:s0+$0xFFFFFF50];
	[tilespmem:s2+$0xFFFFFFC0] =	vst v9  }
0x318: {  	v56 =	vld [tilespmem:s0+$0xFFFFFFD0];
	v10 =	vadd.f32 v53, v10  }
0x319: {  	v2 =	vmul.f32 $1.131370830e+01, v2;
	v5 =	vld [tilespmem:s15+$0xF0];
	[tilespmem:s2+$0x40] =	vst v14  }
0x31a: {  	v12 =	vmul.f32 $1.131370830e+01, v49;
	v58 =	vld [tilespmem:s0+$0x50];
	[tilespmem:s2+$0xD0] =	vst v10  }
0x31b: {  	v2 =	vadd.f32 v6, v2;
	v10 =	vmul.f32 $1.131370830e+01, v11;
	v11 =	vld [tilespmem:s0+$0xE0]  }
0x31c: {  	v6 =	vld [tilespmem:s15+$0xFFFFFF70];
	v12 =	vadd.f32 v55, v12  }
0x31d: {  	[tilespmem:s31+$0xFFFFFFE0] =	vst v2;
	v17 =	vmul.f32 $1.131370830e+01, v54;
	v9 =	vld [tilespmem:s2+$0xFFFFFF60];
	v10 =	vadd.f32 v56, v10  }
0x31e: {  	v2 =	vld [tilespmem:s15+$0xFFFFFFF0];
	v14 =	vmul.f32 $1.131370830e+01, v57;
	[tilespmem:s2+$0xFFFFFF50] =	vst v12  }
0x31f: {  	v3 =	vmul.f32 $1.131370830e+01, v3;
	v62 =	vld [tilespmem:s0+$0xFFFFFF60];
	[tilespmem:s2+$0xFFFFFFD0] =	vst v10;
	v10 =	vadd.f32 v58, v17  }
0x320: {  	v8 =	vmul.f32 $1.131370830e+01, v8;
	v63 =	vld [tilespmem:s0+$0xFFFFFFE0];
	v11 =	vadd.f32 v11, v14  }
0x321: {  	v4 =	vmul.f32 $1.131370830e+01, v4;
	v3 =	vadd.f32 v7, v3;
	v7 =	vld [tilespmem:s2+$0xF0];
	[tilespmem:s2+$0x50] =	vst v10  }
0x322: {  	v5 =	vadd.f32 v5, v8;
	v8 =	vmul.f32 $1.131370830e+01, v9;
	v9 =	vld [tilespmem:s0+$0x60];
	[tilespmem:s2+$0xE0] =	vst v11  }
0x323: {  	[tilespmem:s31+$0x60] =	vst v3;
	v3 =	vadd.f32 v6, v4;
	v6 =	vmul.f32 $1.131370830e+01, v59;
	v10 =	vld [tilespmem:s0+$0xF0]  }
0x324: {  	v1 =	vmul.f32 $1.131370830e+01, v1;
	[tilespmem:s31+$0xF0] =	vst v5;
	v4 =	vld [tilespmem:s2+$0xFFFFFFF0];
	v5 =	vadd.f32 v62, v8  }
0x325: {  	[tilespmem:s31+$0xFFFFFF70] =	vst v3;
	v3 =	vld [tilespmem:s2+$0x70];
	v8 =	vmul.f32 $1.131370830e+01, v60;
	v6 =	vadd.f32 v63, v6  }
0x326: {  	v1 =	vadd.f32 v2, v1;
	v7 =	vmul.f32 $1.131370830e+01, v7;
	v2 =	vld [tilespmem:s15+$0x70];
	[tilespmem:s2+$0xFFFFFF60] =	vst v5  }
0x327: {  	v5 =	vld [tilespmem:s0+$0xFFFFFF70];
	[tilespmem:s2+$0xFFFFFFE0] =	vst v6;
	v8 =	vadd.f32 v9, v8  }
0x328: {  	s13 =	simm.s32 $0x14300;
	s10 =	simm.s32 $0x4;
	v0 =	vmul.f32 $1.131370830e+01, v0;
	s15 =	simm.s32 $0x10500;
	[tilespmem:s31+$0xFFFFFFF0] =	vst v1;
	v1 =	vmul.f32 $1.131370830e+01, v61;
	v6 =	vld [tilespmem:s0+$0xFFFFFFF0];
	v7 =	vadd.f32 v10, v7  }
.LBB2_9:
0x329: {  	v9 =	vld [tilespmem:s15+$0x80];
	s10 =	sadd.s32 $0x4, s10;
	v4 =	vmul.f32 $1.131370830e+01, v4;
	[tilespmem:s2+$0x60] =	vst v8  }
0x32a: {  	s0 =	sadd.s32 $0x200, s0;
	v8 =	vld [tilespmem:s15+$0xFFFFFF80];
	p1 =	slt.u32 s10, $0x7C;
	v3 =	vmul.f32 $1.131370830e+01, v3;
	[tilespmem:s2+$0xF0] =	vst v7  }
0x32b: {  	v7 =	vld [tilespmem:s0+$0x80];
	v2 =	vadd.f32 v2, v0  }
0x32c: {  	v10 =	vld [tilespmem:s15+$0x0];
	v1 =	vadd.f32 v5, v1;
	v0 =	vmov v3  }
0x32d: {  	v3 =	vld [tilespmem:s15+$0xFFFFFF00];
	v4 =	vadd.f32 v6, v4;
	[tilespmem:s31+$0x70] =	vst v2;
	s31 =	smov.u32 s2;
	s2 =	smov.u32 s15  }
0x32e: {  	v2 =	vld [tilespmem:s0+$0xFFFFFF00];
	v5 =	vmul.f32 $1.131370830e+01, v9;
	[tilespmem:s31+$0xFFFFFF70] =	vst v1  }
0x32f: {  	v1 =	vmul.f32 $1.131370830e+01, v8;
	v6 =	vld [tilespmem:s0+$0xFFFFFF80];
	[tilespmem:s31+$0xFFFFFFF0] =	vst v4  }
0x330: {  	v4 =	vld [tilespmem:s0+$0x0];
	v5 =	vadd.f32 v7, v5  }
0x331: {  	v7 =	vmul.f32 $1.131370830e+01, v10;
	v8 =	vld [tilespmem:s15+$0x90]  }
0x332: {  	v3 =	vmul.f32 $1.131370830e+01, v3;
	v9 =	vld [tilespmem:s15+$0xFFFFFF10];
	[tilespmem:s15+$0x80] =	vst v5  }
0x333: {  	v5 =	vld [tilespmem:s0+$0x90]  }
0x334: {  	v2 =	vadd.f32 v2, v3;
	v1 =	vadd.f32 v6, v1;
	v3 =	vld [tilespmem:s15+$0xFFFFFF90]  }
0x335: {  	v4 =	vadd.f32 v4, v7;
	v6 =	vld [tilespmem:s15+$0x10]  }
0x336: {  	[tilespmem:s15+$0xFFFFFF00] =	vst v2;
	v2 =	vld [tilespmem:s15+$0xFFFFFF20];
	v7 =	vmul.f32 $1.131370830e+01, v8  }
0x337: {  	v8 =	vmul.f32 $1.131370830e+01, v9;
	v9 =	vld [tilespmem:s0+$0xFFFFFF10];
	[tilespmem:s15+$0xFFFFFF80] =	vst v1  }
0x338: {  	v1 =	vld [tilespmem:s0+$0xFFFFFF90];
	[tilespmem:s15+$0x0] =	vst v4;
	v4 =	vadd.f32 v5, v7  }
0x339: {  	v3 =	vmul.f32 $1.131370830e+01, v3;
	v5 =	vld [tilespmem:s15+$0xA0]  }
0x33a: {  	v6 =	vmul.f32 $1.131370830e+01, v6;
	v7 =	vld [tilespmem:s0+$0x10];
	[tilespmem:s15+$0x90] =	vst v4  }
0x33b: {  	v2 =	vmul.f32 $1.131370830e+01, v2;
	v4 =	vld [tilespmem:s0+$0xA0]  }
0x33c: {  	v8 =	vadd.f32 v9, v8;
	v9 =	vld [tilespmem:s15+$0xFFFFFFA0]  }
0x33d: {  	v1 =	vadd.f32 v1, v3;
	v3 =	vld [tilespmem:s15+$0x20]  }
0x33e: {  	[tilespmem:s15+$0xFFFFFF10] =	vst v8;
	v8 =	vld [tilespmem:s15+$0xFFFFFF30];
	v5 =	vmul.f32 $1.131370830e+01, v5  }
0x33f: {  	v10 =	vld [tilespmem:s0+$0xFFFFFF20];
	[tilespmem:s15+$0xFFFFFF90] =	vst v1;
	v1 =	vadd.f32 v7, v6  }
0x340: {  	v6 =	vld [tilespmem:s0+$0xFFFFFFA0];
	v4 =	vadd.f32 v4, v5  }
0x341: {  	v5 =	vmul.f32 $1.131370830e+01, v9;
	[tilespmem:s15+$0x10] =	vst v1;
	v1 =	vld [tilespmem:s15+$0xB0]  }
0x342: {  	v3 =	vmul.f32 $1.131370830e+01, v3;
	v7 =	vld [tilespmem:s0+$0x20];
	[tilespmem:s15+$0xA0] =	vst v4  }
0x343: {  	v4 =	vmul.f32 $1.131370830e+01, v8;
	v8 =	vld [tilespmem:s0+$0xB0]  }
0x344: {  	v2 =	vadd.f32 v10, v2;
	v9 =	vld [tilespmem:s15+$0xFFFFFFB0]  }
0x345: {  	v5 =	vadd.f32 v6, v5;
	v6 =	vld [tilespmem:s15+$0x30]  }
0x346: {  	[tilespmem:s15+$0xFFFFFF20] =	vst v2;
	v2 =	vld [tilespmem:s15+$0xFFFFFF40];
	v1 =	vmul.f32 $1.131370830e+01, v1  }
0x347: {  	v10 =	vld [tilespmem:s0+$0xFFFFFF30];
	[tilespmem:s15+$0xFFFFFFA0] =	vst v5;
	v3 =	vadd.f32 v7, v3  }
0x348: {  	v5 =	vld [tilespmem:s0+$0xFFFFFFB0];
	v1 =	vadd.f32 v8, v1  }
0x349: {  	v7 =	vmul.f32 $1.131370830e+01, v9;
	[tilespmem:s15+$0x20] =	vst v3;
	v3 =	vld [tilespmem:s15+$0xC0]  }
0x34a: {  	v6 =	vmul.f32 $1.131370830e+01, v6;
	v8 =	vld [tilespmem:s0+$0x30];
	[tilespmem:s15+$0xB0] =	vst v1  }
0x34b: {  	v1 =	vmul.f32 $1.131370830e+01, v2;
	v2 =	vld [tilespmem:s0+$0xC0]  }
0x34c: {  	v4 =	vadd.f32 v10, v4;
	v9 =	vld [tilespmem:s15+$0xFFFFFFC0]  }
0x34d: {  	v5 =	vadd.f32 v5, v7;
	v7 =	vld [tilespmem:s15+$0x40]  }
0x34e: {  	[tilespmem:s15+$0xFFFFFF30] =	vst v4;
	v4 =	vld [tilespmem:s15+$0xFFFFFF50];
	v3 =	vmul.f32 $1.131370830e+01, v3  }
0x34f: {  	v10 =	vld [tilespmem:s0+$0xFFFFFF40];
	[tilespmem:s15+$0xFFFFFFB0] =	vst v5;
	v5 =	vadd.f32 v8, v6  }
0x350: {  	v6 =	vld [tilespmem:s0+$0xFFFFFFC0];
	v2 =	vadd.f32 v2, v3  }
0x351: {  	v3 =	vmul.f32 $1.131370830e+01, v9;
	[tilespmem:s15+$0x30] =	vst v5;
	v5 =	vld [tilespmem:s15+$0xD0]  }
0x352: {  	v7 =	vmul.f32 $1.131370830e+01, v7;
	v8 =	vld [tilespmem:s0+$0x40];
	[tilespmem:s15+$0xC0] =	vst v2  }
0x353: {  	v2 =	vmul.f32 $1.131370830e+01, v4;
	v4 =	vld [tilespmem:s0+$0xD0]  }
0x354: {  	v1 =	vadd.f32 v10, v1;
	v9 =	vld [tilespmem:s15+$0xFFFFFFD0]  }
0x355: {  	v3 =	vadd.f32 v6, v3;
	v6 =	vld [tilespmem:s15+$0x50]  }
0x356: {  	[tilespmem:s15+$0xFFFFFF40] =	vst v1;
	v1 =	vld [tilespmem:s15+$0xFFFFFF60];
	v5 =	vmul.f32 $1.131370830e+01, v5  }
0x357: {  	v10 =	vld [tilespmem:s0+$0xFFFFFF50];
	[tilespmem:s15+$0xFFFFFFC0] =	vst v3;
	v3 =	vadd.f32 v8, v7  }
0x358: {  	v7 =	vld [tilespmem:s0+$0xFFFFFFD0];
	v4 =	vadd.f32 v4, v5  }
0x359: {  	v5 =	vmul.f32 $1.131370830e+01, v9;
	[tilespmem:s15+$0x40] =	vst v3;
	v3 =	vld [tilespmem:s15+$0xE0]  }
0x35a: {  	v6 =	vmul.f32 $1.131370830e+01, v6;
	v8 =	vld [tilespmem:s0+$0x50];
	[tilespmem:s15+$0xD0] =	vst v4  }
0x35b: {  	v4 =	vmul.f32 $1.131370830e+01, v1;
	v1 =	vld [tilespmem:s0+$0xE0]  }
0x35c: {  	v2 =	vadd.f32 v10, v2;
	v9 =	vld [tilespmem:s15+$0xFFFFFFE0]  }
0x35d: {  	v5 =	vadd.f32 v7, v5;
	v7 =	vld [tilespmem:s15+$0x60]  }
0x35e: {  	[tilespmem:s15+$0xFFFFFF50] =	vst v2;
	v2 =	vld [tilespmem:s15+$0xFFFFFF70];
	v3 =	vmul.f32 $1.131370830e+01, v3  }
0x35f: {  	v10 =	vld [tilespmem:s0+$0xFFFFFF60];
	[tilespmem:s15+$0xFFFFFFD0] =	vst v5;
	v5 =	vadd.f32 v8, v6  }
0x360: {  	v6 =	vld [tilespmem:s0+$0xFFFFFFE0];
	v1 =	vadd.f32 v1, v3  }
0x361: {  	v3 =	vmul.f32 $1.131370830e+01, v9;
	[tilespmem:s15+$0x50] =	vst v5;
	v5 =	vld [tilespmem:s15+$0xF0]  }
0x362: {  	v7 =	vmul.f32 $1.131370830e+01, v7;
	v8 =	vld [tilespmem:s0+$0x60];
	[tilespmem:s15+$0xE0] =	vst v1  }
0x363: {  	v1 =	vmul.f32 $1.131370830e+01, v2;
	v9 =	vld [tilespmem:s0+$0xF0]  }
.Ltmp5:
0x364: {  	v2 =	vadd.f32 v10, v4;
	v4 =	vld [tilespmem:s15+$0xFFFFFFF0];
	(pc) =	sbr.rel @p1 .LBB2_9-.Ltmp5, $4  }
0x365: {  	v6 =	vadd.f32 v6, v3;
	v3 =	vld [tilespmem:s15+$0x70]  }
0x366: {  	[tilespmem:s15+$0xFFFFFF60] =	vst v2;
	v10 =	vmul.f32 $1.131370830e+01, v5;
	v2 =	vld [tilespmem:s13+$0x70];
	s13 =	smov.u32 s0  }
0x367: {  	v5 =	vld [tilespmem:s0+$0xFFFFFF70];
	[tilespmem:s15+$0xFFFFFFE0] =	vst v6;
	v8 =	vadd.f32 v8, v7  }
0x368: {  	s15 =	sadd.s32 $0x200, s15;
	v6 =	vld [tilespmem:s0+$0xFFFFFFF0];
	v7 =	vadd.f32 v9, v10  }
0x369: {  	[tilespmem:s2+$0x60] =	vst v8  }
0x36a: {  	v8 =	vld [tilespmem:s13+$0x70];
	_ =	sdelay $0x1  }
0x36b: {  	v4 =	vmul.f32 $1.131370830e+01, v4;
	v0 =	vadd.f32 v2, v0  }
0x36c: {  	v61 =	vmul.f32 $1.131370830e+01, v3;
	[tilespmem:s2+$0xF0] =	vst v7;
	v1 =	vadd.f32 v5, v1  }
.Ltmp6:
0x36d: {  	v62 =	vadd.f32 v6, v4;
	[tilespmem:s31+$0x70] =	vst v0;
	(pc) =	sbr.rel @p0 .LBB2_12-.Ltmp6, $4  }
0x36e: {  	[tilespmem:s2+$0xFFFFFF70] =	vst v1;
	v63 =	vadd.f32 v8, v61  }
0x36f: {  	[tilespmem:s2+$0xFFFFFFF0] =	vst v62  }
0x370: {  	s0 =	sadd.s32 $0x6000, s30;
	[tilespmem:s2+$0x70] =	vst v63  }
0x371: {  	[hbm4b:s0+s6] =	stream.linear.scatter [tilespmem:s18], [sflag:$0x8], $0x4000, $0x38;
	[tilespmem:$0x18000] =	vst v63  }
0x372: {  	s0 =	sadd.s32 $0x6, s29  }
0x373: {  	s2 =	sshll.u32 s0, $0x2  }
.Ltmp7:
0x374: {  	s0 =	sshrl.u32 s0, $0x5;
	s2 =	sand.u32 $0x78, s2;
	(pc) =	sbr.rel .LBB2_2-.Ltmp7, $4  }
0x375: {  	_ =	swait.ge [sflag:s24], $0x4000;
	s0 =	sadd.s32 s0, s2  }
0x376: {  	[sflag:s24] =	ssyncset.done $0x0;
	s0 =	sshll.u32 s0, $0x7  }
0x377: {  	s28 =	sadd.s32 $0x1, s28;
	[sflag:s24] =	ssyncadd.s32 $0xFFFFC000;
	s0 =	sand.u32 $0x3FFFFF80, s0  }
0x378: {  	[tilespmem:s16], [sflag:$0x3] =	stream.indirect.gather [hbm4b:s1+s11], $0x80, s0, s11, $0xb8;
	[tilespmem:$0x18000] =	vst v63  }
.LBB2_13:
0x379: {  	_ =	sfence.sel $0x180000  }
0x37a: {  	[bflag:$0x0] =	sbarrier.arrive $0xFFFF  }
0x37b: {  	_ =	strace $0x90000047  }
0x37c: {  	s0 =	stileid.u32;
	[bflag:$0x2] =	sbarrier.arrive $0xFFFF  }
0x37d: {  	p0 =	sne.s32 s0, $0x0;
	s0 =	rddreg [dreg:$0x4]  }
0x37e: {  	s0 =	sadd.s32 @!p0 $0x100000, s0  }
0x37f: {  	[sflag:s0] =	ssyncadd.tile.s32 @!p0 $0x1;
	_ =	shalt  }
.Lfunc_end2:
_tile_overlayer_lowered:
.L_overlay_start_2:
0x380: {  	(tag) =	ssettag $0x2  }
0x381: {  	s0 =	rddreg [dreg:$0x0];
	s2 =	stileid.u32  }
0x382: {  	s1 =	rddreg [dreg:$0x1];
	p0 =	sne.s32 s2, $0x0  }
0x383: {  	s3 =	rddreg [dreg:$0x2];
	[bflag:$0x3] =	sbarrier.arrive $0xFFFF;
	s2 =	simm.s32 @!p0 $0x1C09  }
0x384: {  	[timem:s3], [sflag:s2] =	dma.local @!p0 [hbm:s0], s1  }
0x385: {  	s0 =	simm.s32 @!p0 $0x9  }
0x386: {  	_ =	swait.ge @!p0 [sflag:s0], s1  }
0x387: {  	s1 =	ssub.s32 @!p0 $0x0, s1;
	[sflag:s0] =	ssyncset.done @!p0 $0x0  }
0x388: {  	[sflag:s0] =	ssyncadd.s32 @!p0 s1  }
0x389: {  	[bflag:$0x3] =	sbarrier.arrive $0xFFFF  }
0x38a: {  	_ =	shalt  }

</sc_bundles>
